<compile_context>
chip_gen: v7x
topology: tpu7x:2x2x1
jax: 0.10.2.dev20260603
libtpu: 0.0.44.dev20260713+nightly
codegen_flags: <defaults>
</compile_context>

<pallas_src>
import functools

import jax
import jax.numpy as jnp
from jax import lax
from jax.experimental import pallas as pl
from jax.experimental.pallas import tpu as pltpu
from jax.experimental.pallas import tpu_sc as plsc


def _make_dechunk(B, S, D):
    info = plsc.get_sparse_core_info()
    NC, NS, L = info.num_cores, info.num_subcores, info.num_lanes
    NW = NC * NS
    per_b = max(NW // B, 1)
    SEG = S // per_b
    R = 32
    NCH = SEG // R
    BS = B * S

    mesh = plsc.VectorSubcoreMesh(core_axis_name="c", subcore_axis_name="s")

    @functools.partial(
        pl.kernel,
        mesh=mesh,
        compiler_params=pltpu.CompilerParams(needs_layout_passes=False),
        out_type=jax.ShapeDtypeStruct((BS, D), jnp.float32),
        scratch_types=[
            pltpu.VMEM((S,), jnp.int32),
            pltpu.VMEM((SEG,), jnp.int32),
            pltpu.VMEM((R, D), jnp.float32),
            pltpu.VMEM((R, D), jnp.float32),
            pltpu.SemaphoreType.DMA,
            pltpu.SemaphoreType.DMA,
            pltpu.SemaphoreType.DMA,
            pltpu.SemaphoreType.DMA,
        ],
    )
    def dechunk(comp_hbm, mask_hbm, out_hbm, mask_v, idx_v,
                rows0_v, rows1_v, sg0, sg1, ss0, ss1):
        cid = lax.axis_index("c")
        sid = lax.axis_index("s")
        wid = sid * NC + cid
        b = wid // per_b
        q = wid % per_b
        base = q * SEG

        pltpu.sync_copy(mask_hbm.at[pl.ds(b * S, S)], mask_v)

        zvec_i32 = jnp.zeros((L,), jnp.int32)

        def pre_body(i, acc):
            return acc + mask_v[pl.ds(i * L, L)]

        pre = jnp.sum(lax.fori_loop(0, base // L, pre_body, zvec_i32))

        def cs_body(k, carry):
            s, z_vec = carry
            v = mask_v[pl.ds(base + k * L, L)]
            c = plsc.cumsum(v) + s
            cg = c + pre
            idx_v[pl.ds(k * L, L)] = jnp.maximum(cg - 1, 0) + b * S
            z_vec = z_vec + (cg == 0).astype(jnp.int32)
            return (c[L - 1], z_vec)

        _, z_vec = lax.fori_loop(0, SEG // L, cs_body, (jnp.int32(0), zvec_i32))
        f = jnp.where(pre > 0, 0, base + jnp.sum(z_vec))

        zero_vec = jnp.zeros((L,), jnp.float32)
        bufs = (rows0_v, rows1_v)
        gsems = (sg0, sg1)
        ssems = (ss0, ss1)

        def start_gather(c):
            return pltpu.async_copy(
                comp_hbm.at[idx_v.at[pl.ds(c * R, R)]], bufs[c % 2],
                gsems[c % 2],
            )

        def start_scatter(c):
            g0 = b * S + base + c * R
            return pltpu.async_copy(
                bufs[c % 2], out_hbm.at[pl.ds(g0, R)], ssems[c % 2]
            )

        def zero_fix(c):
            z = jnp.clip(f - (base + c * R), 0, R)
            buf = bufs[c % 2]

            def zrow(r, _):
                def zvec(j, _):
                    buf[r, pl.ds(j * L, L)] = zero_vec
                    return 0

                return lax.fori_loop(0, D // L, zvec, 0)

            lax.fori_loop(0, z, zrow, 0)

        gh = [None] * NCH
        sh = [None] * NCH
        gh[0] = start_gather(0)
        for c in range(NCH):
            gh[c].wait()
            zero_fix(c)
            sh[c] = start_scatter(c)
            if c + 1 < NCH:
                if c >= 1:
                    sh[c - 1].wait()
                gh[c + 1] = start_gather(c + 1)
        if NCH >= 2:
            sh[NCH - 2].wait()
        sh[NCH - 1].wait()

    return dechunk


def kernel(compressed_states, boundary_mask, boundary_prob):
    del boundary_prob
    B, S = boundary_mask.shape
    D = compressed_states.shape[-1]
    comp2d = compressed_states.reshape(B * S, D)
    mask_i32 = boundary_mask.astype(jnp.int32).reshape(B * S)
    out2d = _make_dechunk(B, S, D)(comp2d, mask_i32)
    return out2d.reshape(B, S, D)

# --- scband reference (transcript-rebuilt; emitter-appended) ---
"""Pipeline reference for scband-de-chunk-layer-3367254360086 (READ-ONLY COPY).

The authoritative reference and input builder live on the scoring server;
editing this copy changes nothing except your own understanding.
"""

import jax, jax.numpy as jnp
import numpy as np

B, S, D = 8, 2048, 1024

def setup_inputs(seed: int = 0):
    key = jax.random.key(seed)
    k1, k2, k3 = jax.random.split(key, 3)
    compressed_states = jax.random.normal(k1, (B, S, D), dtype=jnp.float32)
    boundary_mask = jax.random.randint(k2, (B, S), 0, 2).astype(bool)
    boundary_prob = jax.random.uniform(k3, (B, S, 2), dtype=jnp.float32)
    return {
        "compressed_states": compressed_states,
        "boundary_mask": boundary_mask,
        "boundary_prob": boundary_prob,
    }

def reference(compressed_states, boundary_mask, boundary_prob):
    batch, seq_len = boundary_mask.shape
    d_model = compressed_states.shape[-1]
    # comp_idx AFTER processing position j == inclusive cumsum of boundary_mask
    cs = jnp.cumsum(boundary_mask.astype(jnp.int32), axis=1)  # [B, S]
    # current compressed value at position j is compressed_states[i, cs[j]-1]
    # (valid both at boundary positions, where it is the freshly consumed chunk,
    #  and at non-boundary positions, where it is the most recent chunk).
    idx = jnp.clip(cs - 1, 0, compressed_states.shape[1] - 1)
    gathered = jnp.take_along_axis(compressed_states, idx[..., None], axis=1)  # [B, S, D]
    gathered = jnp.where((cs > 0)[..., None], gathered, 0.0)
    p = boundary_prob[..., 1]  # [B, S]

    def step(prev, inp):
        g, m, pj = inp  # g: [B, D], m: [B] bool, pj: [B]
        blended = pj[:, None] * g + (1.0 - pj[:, None]) * prev
        out = jnp.where(m[:, None], g, blended)
        return out, out

    xs = (
        jnp.swapaxes(gathered, 0, 1),      # [S, B, D]
        jnp.swapaxes(boundary_mask, 0, 1), # [S, B]
        jnp.swapaxes(p, 0, 1),             # [S, B]
    )
    init = jnp.zeros((batch, d_model), dtype=compressed_states.dtype)
    _, outs = jax.lax.scan(step, init, xs)
    return jnp.swapaxes(outs, 0, 1)  # [B, S, D]

if __name__ == "__main__":
    import jax
    _d = setup_inputs()
    print(jax.jit(kernel)(*tuple(_d.values())))

</pallas_src>

<mosaic_0001>
#map = affine_map<(d0, d1) -> (0, 0)>
#map1 = affine_map<(d0, d1) -> (0)>
module attributes {stable_mosaic.version = 14 : i64} {
  func.func @dechunk(%arg0: i32, %arg1: i32, %arg2: memref<16384x1024xf32, #tpu.memory_space<hbm>>, %arg3: memref<16384xi32, #tpu.memory_space<hbm>>, %arg4: memref<16384x1024xf32, #tpu.memory_space<hbm>>, %arg5: memref<2048xi32, #tpu.memory_space<vmem>>, %arg6: memref<512xi32, #tpu.memory_space<vmem>>, %arg7: memref<32x1024xf32, #tpu.memory_space<vmem>>, %arg8: memref<32x1024xf32, #tpu.memory_space<vmem>>, %arg9: memref<!tpu.dma_semaphore, #tpu.memory_space<semaphore_mem>>, %arg10: memref<!tpu.dma_semaphore, #tpu.memory_space<semaphore_mem>>, %arg11: memref<!tpu.dma_semaphore, #tpu.memory_space<semaphore_mem>>, %arg12: memref<!tpu.dma_semaphore, #tpu.memory_space<semaphore_mem>>) attributes {dimension_semantics = [#tpu.dimension_semantics<core_parallel>, #tpu.dimension_semantics<subcore_parallel>], iteration_bounds = array<i64: 2, 16>, scalar_prefetch = 0 : i64, scratch_operands = 8 : i64, tpu.core_type = #tpu.core_type<sc_vector_subcore>, window_params = [{transform_indices = #map}, {transform_indices = #map1}, {transform_indices = #map}]} {
    %mul3A = arith.constant 2 : i32
    %mul3A_0 = arith.muli %arg1, %mul3A : i32
    %add3A = arith.addi %mul3A_0, %arg0 : i32
    %jit3A = arith.constant 4 : i32
    %div3A = arith.divsi %add3A, %jit3A : i32
    %sign3A = arith.constant 0 : i32
    %sign3A_1 = arith.cmpi sgt, %add3A, %sign3A : i32
    %sign3A_2 = arith.extui %sign3A_1 : i1 to i32
    %sign3A_3 = arith.constant 0 : i32
    %sign3A_4 = arith.cmpi slt, %add3A, %sign3A_3 : i32
    %sign3A_5 = arith.extui %sign3A_4 : i1 to i32
    %sign3A_6 = arith.subi %sign3A_2, %sign3A_5 : i32
    %sign3A_7 = arith.constant 0 : i32
    %sign3A_8 = arith.cmpi sgt, %jit3A, %sign3A_7 : i32
    %sign3A_9 = arith.extui %sign3A_8 : i1 to i32
    %sign3A_10 = arith.constant 0 : i32
    %sign3A_11 = arith.cmpi slt, %jit3A, %sign3A_10 : i32
    %sign3A_12 = arith.extui %sign3A_11 : i1 to i32
    %sign3A_13 = arith.subi %sign3A_9, %sign3A_12 : i32
    %ne3A = arith.cmpi ne, %sign3A_6, %sign3A_13 : i32
    %rem3A = arith.remsi %add3A, %jit3A : i32
    %ne3A_14 = arith.constant 0 : i32
    %ne3A_15 = arith.cmpi ne, %rem3A, %ne3A_14 : i32
    %and3A = arith.andi %ne3A, %ne3A_15 : i1
    %sub3A = arith.constant 1 : i32
    %sub3A_16 = arith.subi %div3A, %sub3A : i32
    %select_n3A = arith.select %and3A, %sub3A_16, %div3A : i32
    %jit3A_17 = arith.constant 4 : i32
    %eq3A = arith.constant 0 : i32
    %eq3A_18 = arith.cmpi eq, %jit3A_17, %eq3A : i32
    %jit3A_19 = arith.constant 1 : i32
    %select_n3A_20 = arith.select %eq3A_18, %jit3A_19, %jit3A_17 : i32
    %rem3A_21 = arith.remsi %add3A, %select_n3A_20 : i32
    %ne3A_22 = arith.constant 0 : i32
    %ne3A_23 = arith.cmpi ne, %rem3A_21, %ne3A_22 : i32
    %lt3A = arith.constant 0 : i32
    %lt3A_24 = arith.cmpi slt, %rem3A_21, %lt3A : i32
    %lt3A_25 = arith.constant 0 : i32
    %lt3A_26 = arith.cmpi slt, %select_n3A_20, %lt3A_25 : i32
    %ne3A_27 = arith.xori %lt3A_24, %lt3A_26 : i1
    %and3A_28 = arith.andi %ne3A_27, %ne3A_23 : i1
    %add3A_29 = arith.addi %rem3A_21, %select_n3A_20 : i32
    %select_n3A_30 = arith.select %and3A_28, %add3A_29, %rem3A_21 : i32
    %mul3A_31 = arith.constant 512 : i32
    %mul3A_32 = arith.muli %select_n3A_30, %mul3A_31 : i32
    %mul3A_33 = arith.constant 2048 : i32
    %mul3A_34 = arith.muli %select_n3A, %mul3A_33 : i32
    "tpu.region"() ({
      %run_scoped3A = tpu.sem_alloc : memref<!tpu.dma_semaphore, #tpu.memory_space<semaphore_mem>>
      %dma_start3A_757 = tpu.memref_slice %arg3[%mul3A_34] : memref<16384xi32, #tpu.memory_space<hbm>> -> memref<2048xi32, #tpu.memory_space<hbm>>
      %dma_start3A_758 = tpu.memref_slice %arg3[%mul3A_34] : memref<16384xi32, #tpu.memory_space<hbm>> -> memref<2048xi32, #tpu.memory_space<hbm>>
      tpu.enqueue_dma source(%dma_start3A_758 : memref<2048xi32, #tpu.memory_space<hbm>>) target(%arg5 : memref<2048xi32, #tpu.memory_space<vmem>>) target_semaphore(%run_scoped3A : memref<!tpu.dma_semaphore, #tpu.memory_space<semaphore_mem>>)
      %dma_wait3A_759 = tpu.memref_slice %arg3[%mul3A_34] : memref<16384xi32, #tpu.memory_space<hbm>> -> memref<2048xi32, #tpu.memory_space<hbm>>
      %dma_wait3A_760 = tpu.memref_slice %arg3[%mul3A_34] : memref<16384xi32, #tpu.memory_space<hbm>> -> memref<2048xi32, #tpu.memory_space<hbm>>
      tpu.wait_dma2 semaphore(%run_scoped3A : memref<!tpu.dma_semaphore, #tpu.memory_space<semaphore_mem>>) src(%dma_wait3A_760 : memref<2048xi32, #tpu.memory_space<hbm>>) dst(%arg5 : memref<2048xi32, #tpu.memory_space<vmem>>)
      tpu.yield
    }) : () -> ()
    %broadcast_in_dim3A = arith.constant 0 : i32
    %broadcast_in_dim3A_35 = vector.broadcast %broadcast_in_dim3A : i32 to vector<16xi32>
    %jit3A_36 = arith.constant 16 : i32
    %div3A_37 = arith.divsi %mul3A_32, %jit3A_36 : i32
    %sign3A_38 = arith.constant 0 : i32
    %sign3A_39 = arith.cmpi sgt, %mul3A_32, %sign3A_38 : i32
    %sign3A_40 = arith.extui %sign3A_39 : i1 to i32
    %sign3A_41 = arith.constant 0 : i32
    %sign3A_42 = arith.cmpi slt, %mul3A_32, %sign3A_41 : i32
    %sign3A_43 = arith.extui %sign3A_42 : i1 to i32
    %sign3A_44 = arith.subi %sign3A_40, %sign3A_43 : i32
    %sign3A_45 = arith.constant 0 : i32
    %sign3A_46 = arith.cmpi sgt, %jit3A_36, %sign3A_45 : i32
    %sign3A_47 = arith.extui %sign3A_46 : i1 to i32
    %sign3A_48 = arith.constant 0 : i32
    %sign3A_49 = arith.cmpi slt, %jit3A_36, %sign3A_48 : i32
    %sign3A_50 = arith.extui %sign3A_49 : i1 to i32
    %sign3A_51 = arith.subi %sign3A_47, %sign3A_50 : i32
    %ne3A_52 = arith.cmpi ne, %sign3A_44, %sign3A_51 : i32
    %rem3A_53 = arith.remsi %mul3A_32, %jit3A_36 : i32
    %ne3A_54 = arith.constant 0 : i32
    %ne3A_55 = arith.cmpi ne, %rem3A_53, %ne3A_54 : i32
    %and3A_56 = arith.andi %ne3A_52, %ne3A_55 : i1
    %sub3A_57 = arith.constant 1 : i32
    %sub3A_58 = arith.subi %div3A_37, %sub3A_57 : i32
    %select_n3A_59 = arith.select %and3A_56, %sub3A_58, %div3A_37 : i32
    %while3A = arith.constant 0 : i32
    %while3A_60 = arith.subi %select_n3A_59, %while3A : i32
    %while3A_61 = arith.addi %while3A, %while3A_60 : i32
    %while3A_62 = arith.constant 1 : i32
    %while3A_63 = arith.divsi %while3A_60, %while3A_62 : i32
    %while3A_64 = arith.muli %while3A_63, %while3A_62 : i32
    %while3A_65 = arith.addi %while3A, %while3A_64 : i32
    %while3A_66 = arith.constant 1 : i32
    %while3A_67 = scf.for %while3A_757 = %while3A to %while3A_65 step %while3A_66 iter_args(%while3A_758 = %broadcast_in_dim3A_35) -> (vector<16xi32>)  : i32 {
      %mul3A_759 = arith.constant 16 : i32
      %mul3A_760 = arith.muli %while3A_757, %mul3A_759 : i32
      %get3A = arith.index_cast %mul3A_760 : i32 to index
      %get3A_761 = tpu.vector_load %arg5[%get3A] {strides = array<i32>} : memref<2048xi32, #tpu.memory_space<vmem>>, vector<16xi32>,
      %add3A_762 = arith.addi %while3A_758, %get3A_761 : vector<16xi32>
      scf.yield %add3A_762 : vector<16xi32>
    }
    %while3A_68 = arith.constant 1 : i32
    %while3A_69 = scf.for %while3A_757 = %while3A_65 to %while3A_61 step %while3A_68 iter_args(%while3A_758 = %while3A_67) -> (vector<16xi32>)  : i32 {
      %mul3A_759 = arith.constant 16 : i32
      %mul3A_760 = arith.muli %while3A_757, %mul3A_759 : i32
      %get3A = arith.index_cast %mul3A_760 : i32 to index
      %get3A_761 = tpu.vector_load %arg5[%get3A] {strides = array<i32>} : memref<2048xi32, #tpu.memory_space<vmem>>, vector<16xi32>,
      %add3A_762 = arith.addi %while3A_758, %get3A_761 : vector<16xi32>
      scf.yield %add3A_762 : vector<16xi32>
    }
    %reduce_sum3A = arith.constant true
    %reduce_sum3A_70 = vector.broadcast %reduce_sum3A : i1 to vector<16xi1>
    %reduce_sum3A_71 = tpu.scan <sum>, %while3A_69 masked %reduce_sum3A_70 : vector<16xi32>, vector<16xi1> -> vector<16xi32>
    %reduce_sum3A_72 = vector.extract %reduce_sum3A_71[15] : i32 from vector<16xi32>
    %scan3A = arith.constant 0 : i32
    %scan3A_73 = arith.constant 0 : i32
    %scan3A_74 = arith.constant 32 : i32
    %scan3A_75 = arith.addi %scan3A_73, %scan3A_74 : i32
    %scan3A_76 = arith.constant 1 : i32
    %scan3A_77:2 = scf.for %scan3A_757 = %scan3A_73 to %scan3A_75 step %scan3A_76 iter_args(%scan3A_758 = %scan3A, %scan3A_759 = %broadcast_in_dim3A_35) -> (i32, vector<16xi32>)  : i32 {
      %mul3A_760 = arith.constant 16 : i32
      %mul3A_761 = arith.muli %scan3A_757, %mul3A_760 : i32
      %add3A_762 = arith.addi %mul3A_32, %mul3A_761 : i32
      %get3A = arith.index_cast %add3A_762 : i32 to index
      %get3A_763 = tpu.vector_load %arg5[%get3A] {strides = array<i32>} : memref<2048xi32, #tpu.memory_space<vmem>>, vector<16xi32>,
      %broadcast_in_dim3A_764 = arith.constant true
      %broadcast_in_dim3A_765 = vector.broadcast %broadcast_in_dim3A_764 : i1 to vector<16xi1>
      %masked_cumsum3A = tpu.scan <sum>, %get3A_763 masked %broadcast_in_dim3A_765 : vector<16xi32>, vector<16xi1> -> vector<16xi32>
      %add3A_766 = vector.broadcast %scan3A_758 : i32 to vector<16xi32>
      %add3A_767 = arith.addi %masked_cumsum3A, %add3A_766 : vector<16xi32>
      %add3A_768 = vector.broadcast %reduce_sum3A_72 : i32 to vector<16xi32>
      %add3A_769 = arith.addi %add3A_767, %add3A_768 : vector<16xi32>
      %sub3A_770 = arith.constant 1 : i32
      %sub3A_771 = vector.broadcast %sub3A_770 : i32 to vector<16xi32>
      %sub3A_772 = arith.subi %add3A_769, %sub3A_771 : vector<16xi32>
      %max3A_773 = arith.constant 0 : i32
      %max3A_774 = vector.broadcast %max3A_773 : i32 to vector<16xi32>
      %max3A_775 = arith.maxsi %sub3A_772, %max3A_774 : vector<16xi32>
      %mul3A_776 = arith.constant 2048 : i32
      %mul3A_777 = arith.muli %select_n3A, %mul3A_776 : i32
      %add3A_778 = vector.broadcast %mul3A_777 : i32 to vector<16xi32>
      %add3A_779 = arith.addi %max3A_775, %add3A_778 : vector<16xi32>
      %mul3A_780 = arith.constant 16 : i32
      %mul3A_781 = arith.muli %scan3A_757, %mul3A_780 : i32
      %swap3A = arith.index_cast %mul3A_781 : i32 to index
      %swap3A_782 = tpu.vector_load %arg6[%swap3A] {strides = array<i32>} : memref<512xi32, #tpu.memory_space<vmem>>, vector<16xi32>,
      tpu.vector_store %arg6[%swap3A], %add3A_779 {strides = array<i32>} : memref<512xi32, #tpu.memory_space<vmem>>, vector<16xi32>,
      %eq3A_783 = arith.constant 0 : i32
      %eq3A_784 = vector.broadcast %eq3A_783 : i32 to vector<16xi32>
      %eq3A_785 = arith.cmpi eq, %add3A_769, %eq3A_784 : vector<16xi32>
      %convert_element_type3A = arith.extui %eq3A_785 : vector<16xi1> to vector<16xi32>
      %add3A_786 = arith.addi %scan3A_759, %convert_element_type3A : vector<16xi32>
      %slice3A = vector.extract_strided_slice %add3A_767 {offsets = [15], sizes = [1], strides = [1]} : vector<16xi32> to vector<1xi32>
      %squeeze3A = vector.extract %slice3A[0] : i32 from vector<1xi32>
      scf.yield %squeeze3A, %add3A_786 : i32, vector<16xi32>
    }
    %scan3A_78 = arith.constant 32 : i32
    %gt3A = arith.constant 0 : i32
    %gt3A_79 = arith.cmpi sgt, %reduce_sum3A_72, %gt3A : i32
    %reduce_sum3A_80 = arith.constant true
    %reduce_sum3A_81 = vector.broadcast %reduce_sum3A_80 : i1 to vector<16xi1>
    %reduce_sum3A_82 = tpu.scan <sum>, %scan3A_77#1 masked %reduce_sum3A_81 : vector<16xi32>, vector<16xi1> -> vector<16xi32>
    %reduce_sum3A_83 = vector.extract %reduce_sum3A_82[15] : i32 from vector<16xi32>
    %add3A_84 = arith.addi %mul3A_32, %reduce_sum3A_83 : i32
    %jit3A_85 = arith.constant 0 : i32
    %select_n3A_86 = arith.select %gt3A_79, %jit3A_85, %add3A_84 : i32
    %broadcast_in_dim3A_87 = arith.constant 0.000000e+00 : f32
    %broadcast_in_dim3A_88 = vector.broadcast %broadcast_in_dim3A_87 : f32 to vector<16xf32>
    %dma_start3A = arith.constant 0 : i32
    %dma_start3A_89 = tpu.memref_slice %arg6[%dma_start3A] : memref<512xi32, #tpu.memory_space<vmem>> -> memref<32xi32, #tpu.memory_space<vmem>>
    %dma_start3A_90 = arith.constant 0 : i32
    %dma_start3A_91 = arith.constant 0 : i32
    %dma_start3A_92 = tpu.memref_slice %arg2[%dma_start3A_90, %dma_start3A_91] : memref<16384x1024xf32, #tpu.memory_space<hbm>> -> memref<16384x1024xf32, #tpu.memory_space<hbm>>
    tpu.enqueue_indirect_dma source(%dma_start3A_92 : memref<16384x1024xf32, #tpu.memory_space<hbm>>) target(%arg7 : memref<32x1024xf32, #tpu.memory_space<vmem>>) offsets(%dma_start3A_89 : memref<32xi32, #tpu.memory_space<vmem>>) semaphore(%arg9 : memref<!tpu.dma_semaphore, #tpu.memory_space<semaphore_mem>>)
    %dma_wait3A = arith.constant 0 : i32
    %dma_wait3A_93 = tpu.memref_slice %arg6[%dma_wait3A] : memref<512xi32, #tpu.memory_space<vmem>> -> memref<32xi32, #tpu.memory_space<vmem>>
    %dma_wait3A_94 = arith.constant 0 : i32
    %dma_wait3A_95 = arith.constant 0 : i32
    %dma_wait3A_96 = tpu.memref_slice %arg2[%dma_wait3A_94, %dma_wait3A_95] : memref<16384x1024xf32, #tpu.memory_space<hbm>> -> memref<16384x1024xf32, #tpu.memory_space<hbm>>
    tpu.wait_indirect_dma semaphore(%arg9 : memref<!tpu.dma_semaphore, #tpu.memory_space<semaphore_mem>>) src(%dma_wait3A_96 : memref<16384x1024xf32, #tpu.memory_space<hbm>>) dst(%arg7 : memref<32x1024xf32, #tpu.memory_space<vmem>>)
    %add3A_97 = arith.constant 0 : i32
    %add3A_98 = arith.addi %mul3A_32, %add3A_97 : i32
    %sub3A_99 = arith.subi %select_n3A_86, %add3A_98 : i32
    %jit3A_100 = arith.constant 0 : i32
    %jit3A_101 = arith.constant 32 : i32
    %max3A = arith.maxsi %jit3A_100, %sub3A_99 : i32
    %min3A = arith.minsi %jit3A_101, %max3A : i32
    %while3A_102 = arith.constant 0 : i32
    %while3A_103 = arith.constant 0 : i32
    %while3A_104 = arith.subi %min3A, %while3A_102 : i32
    %while3A_105 = arith.addi %while3A_102, %while3A_104 : i32
    %while3A_106 = arith.constant 1 : i32
    %while3A_107 = arith.divsi %while3A_104, %while3A_106 : i32
    %while3A_108 = arith.muli %while3A_107, %while3A_106 : i32
    %while3A_109 = arith.addi %while3A_102, %while3A_108 : i32
    %while3A_110 = arith.constant 1 : i32
    %while3A_111 = scf.for %while3A_757 = %while3A_102 to %while3A_109 step %while3A_110 iter_args(%while3A_758 = %while3A_103) -> (i32)  : i32 {
      %scan3A_759 = arith.constant 0 : i32
      %scan3A_760 = arith.constant 0 : i32
      %scan3A_761 = arith.constant 64 : i32
      %scan3A_762 = arith.addi %scan3A_760, %scan3A_761 : i32
      %scan3A_763 = arith.constant 1 : i32
      %scan3A_764 = scf.for %scan3A_766 = %scan3A_760 to %scan3A_762 step %scan3A_763 iter_args(%scan3A_767 = %scan3A_759) -> (i32)  : i32 {
        %mul3A_768 = arith.constant 16 : i32
        %mul3A_769 = arith.muli %scan3A_766, %mul3A_768 : i32
        %swap3A = arith.index_cast %while3A_757 : i32 to index
        %swap3A_770 = arith.index_cast %mul3A_769 : i32 to index
        %swap3A_771 = tpu.vector_load %arg7[%swap3A, %swap3A_770] {strides = array<i32>} : memref<32x1024xf32, #tpu.memory_space<vmem>>, vector<16xf32>,
        tpu.vector_store %arg7[%swap3A, %swap3A_770], %broadcast_in_dim3A_88 {strides = array<i32>} : memref<32x1024xf32, #tpu.memory_space<vmem>>, vector<16xf32>,
        %scan3A_772 = arith.constant 0 : i32
        scf.yield %scan3A_772 : i32
      }
      %scan3A_765 = arith.constant 64 : i32
      scf.yield %scan3A_764 : i32
    }
    %while3A_112 = arith.constant 1 : i32
    %while3A_113 = scf.for %while3A_757 = %while3A_109 to %while3A_105 step %while3A_112 iter_args(%while3A_758 = %while3A_111) -> (i32)  : i32 {
      %scan3A_759 = arith.constant 0 : i32
      %scan3A_760 = arith.constant 0 : i32
      %scan3A_761 = arith.constant 64 : i32
      %scan3A_762 = arith.addi %scan3A_760, %scan3A_761 : i32
      %scan3A_763 = arith.constant 1 : i32
      %scan3A_764 = scf.for %scan3A_766 = %scan3A_760 to %scan3A_762 step %scan3A_763 iter_args(%scan3A_767 = %scan3A_759) -> (i32)  : i32 {
        %mul3A_768 = arith.constant 16 : i32
        %mul3A_769 = arith.muli %scan3A_766, %mul3A_768 : i32
        %swap3A = arith.index_cast %while3A_757 : i32 to index
        %swap3A_770 = arith.index_cast %mul3A_769 : i32 to index
        %swap3A_771 = tpu.vector_load %arg7[%swap3A, %swap3A_770] {strides = array<i32>} : memref<32x1024xf32, #tpu.memory_space<vmem>>, vector<16xf32>,
        tpu.vector_store %arg7[%swap3A, %swap3A_770], %broadcast_in_dim3A_88 {strides = array<i32>} : memref<32x1024xf32, #tpu.memory_space<vmem>>, vector<16xf32>,
        %scan3A_772 = arith.constant 0 : i32
        scf.yield %scan3A_772 : i32
      }
      %scan3A_765 = arith.constant 64 : i32
      scf.yield %scan3A_764 : i32
    }
    %mul3A_114 = arith.constant 2048 : i32
    %mul3A_115 = arith.muli %select_n3A, %mul3A_114 : i32
    %add3A_116 = arith.addi %mul3A_115, %mul3A_32 : i32
    %add3A_117 = arith.constant 0 : i32
    %add3A_118 = arith.addi %add3A_116, %add3A_117 : i32
    %dma_start3A_119 = arith.constant 0 : i32
    %dma_start3A_120 = tpu.memref_slice %arg4[%add3A_118, %dma_start3A_119] : memref<16384x1024xf32, #tpu.memory_space<hbm>> -> memref<32x1024xf32, #tpu.memory_space<hbm>>
    %dma_start3A_121 = arith.constant 0 : i32
    %dma_start3A_122 = tpu.memref_slice %arg4[%add3A_118, %dma_start3A_121] : memref<16384x1024xf32, #tpu.memory_space<hbm>> -> memref<32x1024xf32, #tpu.memory_space<hbm>>
    tpu.enqueue_dma source(%arg7 : memref<32x1024xf32, #tpu.memory_space<vmem>>) target(%dma_start3A_122 : memref<32x1024xf32, #tpu.memory_space<hbm>>) target_semaphore(%arg11 : memref<!tpu.dma_semaphore, #tpu.memory_space<semaphore_mem>>)
    %dma_start3A_123 = arith.constant 32 : i32
    %dma_start3A_124 = tpu.memref_slice %arg6[%dma_start3A_123] : memref<512xi32, #tpu.memory_space<vmem>> -> memref<32xi32, #tpu.memory_space<vmem>>
    %dma_start3A_125 = arith.constant 0 : i32
    %dma_start3A_126 = arith.constant 0 : i32
    %dma_start3A_127 = tpu.memref_slice %arg2[%dma_start3A_125, %dma_start3A_126] : memref<16384x1024xf32, #tpu.memory_space<hbm>> -> memref<16384x1024xf32, #tpu.memory_space<hbm>>
    tpu.enqueue_indirect_dma source(%dma_start3A_127 : memref<16384x1024xf32, #tpu.memory_space<hbm>>) target(%arg8 : memref<32x1024xf32, #tpu.memory_space<vmem>>) offsets(%dma_start3A_124 : memref<32xi32, #tpu.memory_space<vmem>>) semaphore(%arg10 : memref<!tpu.dma_semaphore, #tpu.memory_space<semaphore_mem>>)
    %dma_wait3A_128 = arith.constant 32 : i32
    %dma_wait3A_129 = tpu.memref_slice %arg6[%dma_wait3A_128] : memref<512xi32, #tpu.memory_space<vmem>> -> memref<32xi32, #tpu.memory_space<vmem>>
    %dma_wait3A_130 = arith.constant 0 : i32
    %dma_wait3A_131 = arith.constant 0 : i32
    %dma_wait3A_132 = tpu.memref_slice %arg2[%dma_wait3A_130, %dma_wait3A_131] : memref<16384x1024xf32, #tpu.memory_space<hbm>> -> memref<16384x1024xf32, #tpu.memory_space<hbm>>
    tpu.wait_indirect_dma semaphore(%arg10 : memref<!tpu.dma_semaphore, #tpu.memory_space<semaphore_mem>>) src(%dma_wait3A_132 : memref<16384x1024xf32, #tpu.memory_space<hbm>>) dst(%arg8 : memref<32x1024xf32, #tpu.memory_space<vmem>>)
    %add3A_133 = arith.constant 32 : i32
    %add3A_134 = arith.addi %mul3A_32, %add3A_133 : i32
    %sub3A_135 = arith.subi %select_n3A_86, %add3A_134 : i32
    %jit3A_136 = arith.constant 0 : i32
    %jit3A_137 = arith.constant 32 : i32
    %max3A_138 = arith.maxsi %jit3A_136, %sub3A_135 : i32
    %min3A_139 = arith.minsi %jit3A_137, %max3A_138 : i32
    %while3A_140 = arith.constant 0 : i32
    %while3A_141 = arith.constant 0 : i32
    %while3A_142 = arith.subi %min3A_139, %while3A_140 : i32
    %while3A_143 = arith.addi %while3A_140, %while3A_142 : i32
    %while3A_144 = arith.constant 1 : i32
    %while3A_145 = arith.divsi %while3A_142, %while3A_144 : i32
    %while3A_146 = arith.muli %while3A_145, %while3A_144 : i32
    %while3A_147 = arith.addi %while3A_140, %while3A_146 : i32
    %while3A_148 = arith.constant 1 : i32
    %while3A_149 = scf.for %while3A_757 = %while3A_140 to %while3A_147 step %while3A_148 iter_args(%while3A_758 = %while3A_141) -> (i32)  : i32 {
      %scan3A_759 = arith.constant 0 : i32
      %scan3A_760 = arith.constant 0 : i32
      %scan3A_761 = arith.constant 64 : i32
      %scan3A_762 = arith.addi %scan3A_760, %scan3A_761 : i32
      %scan3A_763 = arith.constant 1 : i32
      %scan3A_764 = scf.for %scan3A_766 = %scan3A_760 to %scan3A_762 step %scan3A_763 iter_args(%scan3A_767 = %scan3A_759) -> (i32)  : i32 {
        %mul3A_768 = arith.constant 16 : i32
        %mul3A_769 = arith.muli %scan3A_766, %mul3A_768 : i32
        %swap3A = arith.index_cast %while3A_757 : i32 to index
        %swap3A_770 = arith.index_cast %mul3A_769 : i32 to index
        %swap3A_771 = tpu.vector_load %arg8[%swap3A, %swap3A_770] {strides = array<i32>} : memref<32x1024xf32, #tpu.memory_space<vmem>>, vector<16xf32>,
        tpu.vector_store %arg8[%swap3A, %swap3A_770], %broadcast_in_dim3A_88 {strides = array<i32>} : memref<32x1024xf32, #tpu.memory_space<vmem>>, vector<16xf32>,
        %scan3A_772 = arith.constant 0 : i32
        scf.yield %scan3A_772 : i32
      }
      %scan3A_765 = arith.constant 64 : i32
      scf.yield %scan3A_764 : i32
    }
    %while3A_150 = arith.constant 1 : i32
    %while3A_151 = scf.for %while3A_757 = %while3A_147 to %while3A_143 step %while3A_150 iter_args(%while3A_758 = %while3A_149) -> (i32)  : i32 {
      %scan3A_759 = arith.constant 0 : i32
      %scan3A_760 = arith.constant 0 : i32
      %scan3A_761 = arith.constant 64 : i32
      %scan3A_762 = arith.addi %scan3A_760, %scan3A_761 : i32
      %scan3A_763 = arith.constant 1 : i32
      %scan3A_764 = scf.for %scan3A_766 = %scan3A_760 to %scan3A_762 step %scan3A_763 iter_args(%scan3A_767 = %scan3A_759) -> (i32)  : i32 {
        %mul3A_768 = arith.constant 16 : i32
        %mul3A_769 = arith.muli %scan3A_766, %mul3A_768 : i32
        %swap3A = arith.index_cast %while3A_757 : i32 to index
        %swap3A_770 = arith.index_cast %mul3A_769 : i32 to index
        %swap3A_771 = tpu.vector_load %arg8[%swap3A, %swap3A_770] {strides = array<i32>} : memref<32x1024xf32, #tpu.memory_space<vmem>>, vector<16xf32>,
        tpu.vector_store %arg8[%swap3A, %swap3A_770], %broadcast_in_dim3A_88 {strides = array<i32>} : memref<32x1024xf32, #tpu.memory_space<vmem>>, vector<16xf32>,
        %scan3A_772 = arith.constant 0 : i32
        scf.yield %scan3A_772 : i32
      }
      %scan3A_765 = arith.constant 64 : i32
      scf.yield %scan3A_764 : i32
    }
    %mul3A_152 = arith.constant 2048 : i32
    %mul3A_153 = arith.muli %select_n3A, %mul3A_152 : i32
    %add3A_154 = arith.addi %mul3A_153, %mul3A_32 : i32
    %add3A_155 = arith.constant 32 : i32
    %add3A_156 = arith.addi %add3A_154, %add3A_155 : i32
    %dma_start3A_157 = arith.constant 0 : i32
    %dma_start3A_158 = tpu.memref_slice %arg4[%add3A_156, %dma_start3A_157] : memref<16384x1024xf32, #tpu.memory_space<hbm>> -> memref<32x1024xf32, #tpu.memory_space<hbm>>
    %dma_start3A_159 = arith.constant 0 : i32
    %dma_start3A_160 = tpu.memref_slice %arg4[%add3A_156, %dma_start3A_159] : memref<16384x1024xf32, #tpu.memory_space<hbm>> -> memref<32x1024xf32, #tpu.memory_space<hbm>>
    tpu.enqueue_dma source(%arg8 : memref<32x1024xf32, #tpu.memory_space<vmem>>) target(%dma_start3A_160 : memref<32x1024xf32, #tpu.memory_space<hbm>>) target_semaphore(%arg12 : memref<!tpu.dma_semaphore, #tpu.memory_space<semaphore_mem>>)
    %dma_wait3A_161 = arith.constant 0 : i32
    %dma_wait3A_162 = tpu.memref_slice %arg4[%add3A_118, %dma_wait3A_161] : memref<16384x1024xf32, #tpu.memory_space<hbm>> -> memref<32x1024xf32, #tpu.memory_space<hbm>>
    %dma_wait3A_163 = arith.constant 0 : i32
    %dma_wait3A_164 = tpu.memref_slice %arg4[%add3A_118, %dma_wait3A_163] : memref<16384x1024xf32, #tpu.memory_space<hbm>> -> memref<32x1024xf32, #tpu.memory_space<hbm>>
    tpu.wait_dma2 semaphore(%arg11 : memref<!tpu.dma_semaphore, #tpu.memory_space<semaphore_mem>>) src(%arg7 : memref<32x1024xf32, #tpu.memory_space<vmem>>) dst(%dma_wait3A_164 : memref<32x1024xf32, #tpu.memory_space<hbm>>)
    %dma_start3A_165 = arith.constant 64 : i32
    %dma_start3A_166 = tpu.memref_slice %arg6[%dma_start3A_165] : memref<512xi32, #tpu.memory_space<vmem>> -> memref<32xi32, #tpu.memory_space<vmem>>
    %dma_start3A_167 = arith.constant 0 : i32
    %dma_start3A_168 = arith.constant 0 : i32
    %dma_start3A_169 = tpu.memref_slice %arg2[%dma_start3A_167, %dma_start3A_168] : memref<16384x1024xf32, #tpu.memory_space<hbm>> -> memref<16384x1024xf32, #tpu.memory_space<hbm>>
    tpu.enqueue_indirect_dma source(%dma_start3A_169 : memref<16384x1024xf32, #tpu.memory_space<hbm>>) target(%arg7 : memref<32x1024xf32, #tpu.memory_space<vmem>>) offsets(%dma_start3A_166 : memref<32xi32, #tpu.memory_space<vmem>>) semaphore(%arg9 : memref<!tpu.dma_semaphore, #tpu.memory_space<semaphore_mem>>)
    %dma_wait3A_170 = arith.constant 64 : i32
    %dma_wait3A_171 = tpu.memref_slice %arg6[%dma_wait3A_170] : memref<512xi32, #tpu.memory_space<vmem>> -> memref<32xi32, #tpu.memory_space<vmem>>
    %dma_wait3A_172 = arith.constant 0 : i32
    %dma_wait3A_173 = arith.constant 0 : i32
    %dma_wait3A_174 = tpu.memref_slice %arg2[%dma_wait3A_172, %dma_wait3A_173] : memref<16384x1024xf32, #tpu.memory_space<hbm>> -> memref<16384x1024xf32, #tpu.memory_space<hbm>>
    tpu.wait_indirect_dma semaphore(%arg9 : memref<!tpu.dma_semaphore, #tpu.memory_space<semaphore_mem>>) src(%dma_wait3A_174 : memref<16384x1024xf32, #tpu.memory_space<hbm>>) dst(%arg7 : memref<32x1024xf32, #tpu.memory_space<vmem>>)
    %add3A_175 = arith.constant 64 : i32
    %add3A_176 = arith.addi %mul3A_32, %add3A_175 : i32
    %sub3A_177 = arith.subi %select_n3A_86, %add3A_176 : i32
    %jit3A_178 = arith.constant 0 : i32
    %jit3A_179 = arith.constant 32 : i32
    %max3A_180 = arith.maxsi %jit3A_178, %sub3A_177 : i32
    %min3A_181 = arith.minsi %jit3A_179, %max3A_180 : i32
    %while3A_182 = arith.constant 0 : i32
    %while3A_183 = arith.constant 0 : i32
    %while3A_184 = arith.subi %min3A_181, %while3A_182 : i32
    %while3A_185 = arith.addi %while3A_182, %while3A_184 : i32
    %while3A_186 = arith.constant 1 : i32
    %while3A_187 = arith.divsi %while3A_184, %while3A_186 : i32
    %while3A_188 = arith.muli %while3A_187, %while3A_186 : i32
    %while3A_189 = arith.addi %while3A_182, %while3A_188 : i32
    %while3A_190 = arith.constant 1 : i32
    %while3A_191 = scf.for %while3A_757 = %while3A_182 to %while3A_189 step %while3A_190 iter_args(%while3A_758 = %while3A_183) -> (i32)  : i32 {
      %scan3A_759 = arith.constant 0 : i32
      %scan3A_760 = arith.constant 0 : i32
      %scan3A_761 = arith.constant 64 : i32
      %scan3A_762 = arith.addi %scan3A_760, %scan3A_761 : i32
      %scan3A_763 = arith.constant 1 : i32
      %scan3A_764 = scf.for %scan3A_766 = %scan3A_760 to %scan3A_762 step %scan3A_763 iter_args(%scan3A_767 = %scan3A_759) -> (i32)  : i32 {
        %mul3A_768 = arith.constant 16 : i32
        %mul3A_769 = arith.muli %scan3A_766, %mul3A_768 : i32
        %swap3A = arith.index_cast %while3A_757 : i32 to index
        %swap3A_770 = arith.index_cast %mul3A_769 : i32 to index
        %swap3A_771 = tpu.vector_load %arg7[%swap3A, %swap3A_770] {strides = array<i32>} : memref<32x1024xf32, #tpu.memory_space<vmem>>, vector<16xf32>,
        tpu.vector_store %arg7[%swap3A, %swap3A_770], %broadcast_in_dim3A_88 {strides = array<i32>} : memref<32x1024xf32, #tpu.memory_space<vmem>>, vector<16xf32>,
        %scan3A_772 = arith.constant 0 : i32
        scf.yield %scan3A_772 : i32
      }
      %scan3A_765 = arith.constant 64 : i32
      scf.yield %scan3A_764 : i32
    }
    %while3A_192 = arith.constant 1 : i32
    %while3A_193 = scf.for %while3A_757 = %while3A_189 to %while3A_185 step %while3A_192 iter_args(%while3A_758 = %while3A_191) -> (i32)  : i32 {
      %scan3A_759 = arith.constant 0 : i32
      %scan3A_760 = arith.constant 0 : i32
      %scan3A_761 = arith.constant 64 : i32
      %scan3A_762 = arith.addi %scan3A_760, %scan3A_761 : i32
      %scan3A_763 = arith.constant 1 : i32
      %scan3A_764 = scf.for %scan3A_766 = %scan3A_760 to %scan3A_762 step %scan3A_763 iter_args(%scan3A_767 = %scan3A_759) -> (i32)  : i32 {
        %mul3A_768 = arith.constant 16 : i32
        %mul3A_769 = arith.muli %scan3A_766, %mul3A_768 : i32
        %swap3A = arith.index_cast %while3A_757 : i32 to index
        %swap3A_770 = arith.index_cast %mul3A_769 : i32 to index
        %swap3A_771 = tpu.vector_load %arg7[%swap3A, %swap3A_770] {strides = array<i32>} : memref<32x1024xf32, #tpu.memory_space<vmem>>, vector<16xf32>,
        tpu.vector_store %arg7[%swap3A, %swap3A_770], %broadcast_in_dim3A_88 {strides = array<i32>} : memref<32x1024xf32, #tpu.memory_space<vmem>>, vector<16xf32>,
        %scan3A_772 = arith.constant 0 : i32
        scf.yield %scan3A_772 : i32
      }
      %scan3A_765 = arith.constant 64 : i32
      scf.yield %scan3A_764 : i32
    }
    %mul3A_194 = arith.constant 2048 : i32
    %mul3A_195 = arith.muli %select_n3A, %mul3A_194 : i32
    %add3A_196 = arith.addi %mul3A_195, %mul3A_32 : i32
    %add3A_197 = arith.constant 64 : i32
    %add3A_198 = arith.addi %add3A_196, %add3A_197 : i32
    %dma_start3A_199 = arith.constant 0 : i32
    %dma_start3A_200 = tpu.memref_slice %arg4[%add3A_198, %dma_start3A_199] : memref<16384x1024xf32, #tpu.memory_space<hbm>> -> memref<32x1024xf32, #tpu.memory_space<hbm>>
    %dma_start3A_201 = arith.constant 0 : i32
    %dma_start3A_202 = tpu.memref_slice %arg4[%add3A_198, %dma_start3A_201] : memref<16384x1024xf32, #tpu.memory_space<hbm>> -> memref<32x1024xf32, #tpu.memory_space<hbm>>
    tpu.enqueue_dma source(%arg7 : memref<32x1024xf32, #tpu.memory_space<vmem>>) target(%dma_start3A_202 : memref<32x1024xf32, #tpu.memory_space<hbm>>) target_semaphore(%arg11 : memref<!tpu.dma_semaphore, #tpu.memory_space<semaphore_mem>>)
    %dma_wait3A_203 = arith.constant 0 : i32
    %dma_wait3A_204 = tpu.memref_slice %arg4[%add3A_156, %dma_wait3A_203] : memref<16384x1024xf32, #tpu.memory_space<hbm>> -> memref<32x1024xf32, #tpu.memory_space<hbm>>
    %dma_wait3A_205 = arith.constant 0 : i32
    %dma_wait3A_206 = tpu.memref_slice %arg4[%add3A_156, %dma_wait3A_205] : memref<16384x1024xf32, #tpu.memory_space<hbm>> -> memref<32x1024xf32, #tpu.memory_space<hbm>>
    tpu.wait_dma2 semaphore(%arg12 : memref<!tpu.dma_semaphore, #tpu.memory_space<semaphore_mem>>) src(%arg8 : memref<32x1024xf32, #tpu.memory_space<vmem>>) dst(%dma_wait3A_206 : memref<32x1024xf32, #tpu.memory_space<hbm>>)
    %dma_start3A_207 = arith.constant 96 : i32
    %dma_start3A_208 = tpu.memref_slice %arg6[%dma_start3A_207] : memref<512xi32, #tpu.memory_space<vmem>> -> memref<32xi32, #tpu.memory_space<vmem>>
    %dma_start3A_209 = arith.constant 0 : i32
    %dma_start3A_210 = arith.constant 0 : i32
    %dma_start3A_211 = tpu.memref_slice %arg2[%dma_start3A_209, %dma_start3A_210] : memref<16384x1024xf32, #tpu.memory_space<hbm>> -> memref<16384x1024xf32, #tpu.memory_space<hbm>>
    tpu.enqueue_indirect_dma source(%dma_start3A_211 : memref<16384x1024xf32, #tpu.memory_space<hbm>>) target(%arg8 : memref<32x1024xf32, #tpu.memory_space<vmem>>) offsets(%dma_start3A_208 : memref<32xi32, #tpu.memory_space<vmem>>) semaphore(%arg10 : memref<!tpu.dma_semaphore, #tpu.memory_space<semaphore_mem>>)
    %dma_wait3A_212 = arith.constant 96 : i32
    %dma_wait3A_213 = tpu.memref_slice %arg6[%dma_wait3A_212] : memref<512xi32, #tpu.memory_space<vmem>> -> memref<32xi32, #tpu.memory_space<vmem>>
    %dma_wait3A_214 = arith.constant 0 : i32
    %dma_wait3A_215 = arith.constant 0 : i32
    %dma_wait3A_216 = tpu.memref_slice %arg2[%dma_wait3A_214, %dma_wait3A_215] : memref<16384x1024xf32, #tpu.memory_space<hbm>> -> memref<16384x1024xf32, #tpu.memory_space<hbm>>
    tpu.wait_indirect_dma semaphore(%arg10 : memref<!tpu.dma_semaphore, #tpu.memory_space<semaphore_mem>>) src(%dma_wait3A_216 : memref<16384x1024xf32, #tpu.memory_space<hbm>>) dst(%arg8 : memref<32x1024xf32, #tpu.memory_space<vmem>>)
    %add3A_217 = arith.constant 96 : i32
    %add3A_218 = arith.addi %mul3A_32, %add3A_217 : i32
    %sub3A_219 = arith.subi %select_n3A_86, %add3A_218 : i32
    %jit3A_220 = arith.constant 0 : i32
    %jit3A_221 = arith.constant 32 : i32
    %max3A_222 = arith.maxsi %jit3A_220, %sub3A_219 : i32
    %min3A_223 = arith.minsi %jit3A_221, %max3A_222 : i32
    %while3A_224 = arith.constant 0 : i32
    %while3A_225 = arith.constant 0 : i32
    %while3A_226 = arith.subi %min3A_223, %while3A_224 : i32
    %while3A_227 = arith.addi %while3A_224, %while3A_226 : i32
    %while3A_228 = arith.constant 1 : i32
    %while3A_229 = arith.divsi %while3A_226, %while3A_228 : i32
    %while3A_230 = arith.muli %while3A_229, %while3A_228 : i32
    %while3A_231 = arith.addi %while3A_224, %while3A_230 : i32
    %while3A_232 = arith.constant 1 : i32
    %while3A_233 = scf.for %while3A_757 = %while3A_224 to %while3A_231 step %while3A_232 iter_args(%while3A_758 = %while3A_225) -> (i32)  : i32 {
      %scan3A_759 = arith.constant 0 : i32
      %scan3A_760 = arith.constant 0 : i32
      %scan3A_761 = arith.constant 64 : i32
      %scan3A_762 = arith.addi %scan3A_760, %scan3A_761 : i32
      %scan3A_763 = arith.constant 1 : i32
      %scan3A_764 = scf.for %scan3A_766 = %scan3A_760 to %scan3A_762 step %scan3A_763 iter_args(%scan3A_767 = %scan3A_759) -> (i32)  : i32 {
        %mul3A_768 = arith.constant 16 : i32
        %mul3A_769 = arith.muli %scan3A_766, %mul3A_768 : i32
        %swap3A = arith.index_cast %while3A_757 : i32 to index
        %swap3A_770 = arith.index_cast %mul3A_769 : i32 to index
        %swap3A_771 = tpu.vector_load %arg8[%swap3A, %swap3A_770] {strides = array<i32>} : memref<32x1024xf32, #tpu.memory_space<vmem>>, vector<16xf32>,
        tpu.vector_store %arg8[%swap3A, %swap3A_770], %broadcast_in_dim3A_88 {strides = array<i32>} : memref<32x1024xf32, #tpu.memory_space<vmem>>, vector<16xf32>,
        %scan3A_772 = arith.constant 0 : i32
        scf.yield %scan3A_772 : i32
      }
      %scan3A_765 = arith.constant 64 : i32
      scf.yield %scan3A_764 : i32
    }
    %while3A_234 = arith.constant 1 : i32
    %while3A_235 = scf.for %while3A_757 = %while3A_231 to %while3A_227 step %while3A_234 iter_args(%while3A_758 = %while3A_233) -> (i32)  : i32 {
      %scan3A_759 = arith.constant 0 : i32
      %scan3A_760 = arith.constant 0 : i32
      %scan3A_761 = arith.constant 64 : i32
      %scan3A_762 = arith.addi %scan3A_760, %scan3A_761 : i32
      %scan3A_763 = arith.constant 1 : i32
      %scan3A_764 = scf.for %scan3A_766 = %scan3A_760 to %scan3A_762 step %scan3A_763 iter_args(%scan3A_767 = %scan3A_759) -> (i32)  : i32 {
        %mul3A_768 = arith.constant 16 : i32
        %mul3A_769 = arith.muli %scan3A_766, %mul3A_768 : i32
        %swap3A = arith.index_cast %while3A_757 : i32 to index
        %swap3A_770 = arith.index_cast %mul3A_769 : i32 to index
        %swap3A_771 = tpu.vector_load %arg8[%swap3A, %swap3A_770] {strides = array<i32>} : memref<32x1024xf32, #tpu.memory_space<vmem>>, vector<16xf32>,
        tpu.vector_store %arg8[%swap3A, %swap3A_770], %broadcast_in_dim3A_88 {strides = array<i32>} : memref<32x1024xf32, #tpu.memory_space<vmem>>, vector<16xf32>,
        %scan3A_772 = arith.constant 0 : i32
        scf.yield %scan3A_772 : i32
      }
      %scan3A_765 = arith.constant 64 : i32
      scf.yield %scan3A_764 : i32
    }
    %mul3A_236 = arith.constant 2048 : i32
    %mul3A_237 = arith.muli %select_n3A, %mul3A_236 : i32
    %add3A_238 = arith.addi %mul3A_237, %mul3A_32 : i32
    %add3A_239 = arith.constant 96 : i32
    %add3A_240 = arith.addi %add3A_238, %add3A_239 : i32
    %dma_start3A_241 = arith.constant 0 : i32
    %dma_start3A_242 = tpu.memref_slice %arg4[%add3A_240, %dma_start3A_241] : memref<16384x1024xf32, #tpu.memory_space<hbm>> -> memref<32x1024xf32, #tpu.memory_space<hbm>>
    %dma_start3A_243 = arith.constant 0 : i32
    %dma_start3A_244 = tpu.memref_slice %arg4[%add3A_240, %dma_start3A_243] : memref<16384x1024xf32, #tpu.memory_space<hbm>> -> memref<32x1024xf32, #tpu.memory_space<hbm>>
    tpu.enqueue_dma source(%arg8 : memref<32x1024xf32, #tpu.memory_space<vmem>>) target(%dma_start3A_244 : memref<32x1024xf32, #tpu.memory_space<hbm>>) target_semaphore(%arg12 : memref<!tpu.dma_semaphore, #tpu.memory_space<semaphore_mem>>)
    %dma_wait3A_245 = arith.constant 0 : i32
    %dma_wait3A_246 = tpu.memref_slice %arg4[%add3A_198, %dma_wait3A_245] : memref<16384x1024xf32, #tpu.memory_space<hbm>> -> memref<32x1024xf32, #tpu.memory_space<hbm>>
    %dma_wait3A_247 = arith.constant 0 : i32
    %dma_wait3A_248 = tpu.memref_slice %arg4[%add3A_198, %dma_wait3A_247] : memref<16384x1024xf32, #tpu.memory_space<hbm>> -> memref<32x1024xf32, #tpu.memory_space<hbm>>
    tpu.wait_dma2 semaphore(%arg11 : memref<!tpu.dma_semaphore, #tpu.memory_space<semaphore_mem>>) src(%arg7 : memref<32x1024xf32, #tpu.memory_space<vmem>>) dst(%dma_wait3A_248 : memref<32x1024xf32, #tpu.memory_space<hbm>>)
    %dma_start3A_249 = arith.constant 128 : i32
    %dma_start3A_250 = tpu.memref_slice %arg6[%dma_start3A_249] : memref<512xi32, #tpu.memory_space<vmem>> -> memref<32xi32, #tpu.memory_space<vmem>>
    %dma_start3A_251 = arith.constant 0 : i32
    %dma_start3A_252 = arith.constant 0 : i32
    %dma_start3A_253 = tpu.memref_slice %arg2[%dma_start3A_251, %dma_start3A_252] : memref<16384x1024xf32, #tpu.memory_space<hbm>> -> memref<16384x1024xf32, #tpu.memory_space<hbm>>
    tpu.enqueue_indirect_dma source(%dma_start3A_253 : memref<16384x1024xf32, #tpu.memory_space<hbm>>) target(%arg7 : memref<32x1024xf32, #tpu.memory_space<vmem>>) offsets(%dma_start3A_250 : memref<32xi32, #tpu.memory_space<vmem>>) semaphore(%arg9 : memref<!tpu.dma_semaphore, #tpu.memory_space<semaphore_mem>>)
    %dma_wait3A_254 = arith.constant 128 : i32
    %dma_wait3A_255 = tpu.memref_slice %arg6[%dma_wait3A_254] : memref<512xi32, #tpu.memory_space<vmem>> -> memref<32xi32, #tpu.memory_space<vmem>>
    %dma_wait3A_256 = arith.constant 0 : i32
    %dma_wait3A_257 = arith.constant 0 : i32
    %dma_wait3A_258 = tpu.memref_slice %arg2[%dma_wait3A_256, %dma_wait3A_257] : memref<16384x1024xf32, #tpu.memory_space<hbm>> -> memref<16384x1024xf32, #tpu.memory_space<hbm>>
    tpu.wait_indirect_dma semaphore(%arg9 : memref<!tpu.dma_semaphore, #tpu.memory_space<semaphore_mem>>) src(%dma_wait3A_258 : memref<16384x1024xf32, #tpu.memory_space<hbm>>) dst(%arg7 : memref<32x1024xf32, #tpu.memory_space<vmem>>)
    %add3A_259 = arith.constant 128 : i32
    %add3A_260 = arith.addi %mul3A_32, %add3A_259 : i32
    %sub3A_261 = arith.subi %select_n3A_86, %add3A_260 : i32
    %jit3A_262 = arith.constant 0 : i32
    %jit3A_263 = arith.constant 32 : i32
    %max3A_264 = arith.maxsi %jit3A_262, %sub3A_261 : i32
    %min3A_265 = arith.minsi %jit3A_263, %max3A_264 : i32
    %while3A_266 = arith.constant 0 : i32
    %while3A_267 = arith.constant 0 : i32
    %while3A_268 = arith.subi %min3A_265, %while3A_266 : i32
    %while3A_269 = arith.addi %while3A_266, %while3A_268 : i32
    %while3A_270 = arith.constant 1 : i32
    %while3A_271 = arith.divsi %while3A_268, %while3A_270 : i32
    %while3A_272 = arith.muli %while3A_271, %while3A_270 : i32
    %while3A_273 = arith.addi %while3A_266, %while3A_272 : i32
    %while3A_274 = arith.constant 1 : i32
    %while3A_275 = scf.for %while3A_757 = %while3A_266 to %while3A_273 step %while3A_274 iter_args(%while3A_758 = %while3A_267) -> (i32)  : i32 {
      %scan3A_759 = arith.constant 0 : i32
      %scan3A_760 = arith.constant 0 : i32
      %scan3A_761 = arith.constant 64 : i32
      %scan3A_762 = arith.addi %scan3A_760, %scan3A_761 : i32
      %scan3A_763 = arith.constant 1 : i32
      %scan3A_764 = scf.for %scan3A_766 = %scan3A_760 to %scan3A_762 step %scan3A_763 iter_args(%scan3A_767 = %scan3A_759) -> (i32)  : i32 {
        %mul3A_768 = arith.constant 16 : i32
        %mul3A_769 = arith.muli %scan3A_766, %mul3A_768 : i32
        %swap3A = arith.index_cast %while3A_757 : i32 to index
        %swap3A_770 = arith.index_cast %mul3A_769 : i32 to index
        %swap3A_771 = tpu.vector_load %arg7[%swap3A, %swap3A_770] {strides = array<i32>} : memref<32x1024xf32, #tpu.memory_space<vmem>>, vector<16xf32>,
        tpu.vector_store %arg7[%swap3A, %swap3A_770], %broadcast_in_dim3A_88 {strides = array<i32>} : memref<32x1024xf32, #tpu.memory_space<vmem>>, vector<16xf32>,
        %scan3A_772 = arith.constant 0 : i32
        scf.yield %scan3A_772 : i32
      }
      %scan3A_765 = arith.constant 64 : i32
      scf.yield %scan3A_764 : i32
    }
    %while3A_276 = arith.constant 1 : i32
    %while3A_277 = scf.for %while3A_757 = %while3A_273 to %while3A_269 step %while3A_276 iter_args(%while3A_758 = %while3A_275) -> (i32)  : i32 {
      %scan3A_759 = arith.constant 0 : i32
      %scan3A_760 = arith.constant 0 : i32
      %scan3A_761 = arith.constant 64 : i32
      %scan3A_762 = arith.addi %scan3A_760, %scan3A_761 : i32
      %scan3A_763 = arith.constant 1 : i32
      %scan3A_764 = scf.for %scan3A_766 = %scan3A_760 to %scan3A_762 step %scan3A_763 iter_args(%scan3A_767 = %scan3A_759) -> (i32)  : i32 {
        %mul3A_768 = arith.constant 16 : i32
        %mul3A_769 = arith.muli %scan3A_766, %mul3A_768 : i32
        %swap3A = arith.index_cast %while3A_757 : i32 to index
        %swap3A_770 = arith.index_cast %mul3A_769 : i32 to index
        %swap3A_771 = tpu.vector_load %arg7[%swap3A, %swap3A_770] {strides = array<i32>} : memref<32x1024xf32, #tpu.memory_space<vmem>>, vector<16xf32>,
        tpu.vector_store %arg7[%swap3A, %swap3A_770], %broadcast_in_dim3A_88 {strides = array<i32>} : memref<32x1024xf32, #tpu.memory_space<vmem>>, vector<16xf32>,
        %scan3A_772 = arith.constant 0 : i32
        scf.yield %scan3A_772 : i32
      }
      %scan3A_765 = arith.constant 64 : i32
      scf.yield %scan3A_764 : i32
    }
    %mul3A_278 = arith.constant 2048 : i32
    %mul3A_279 = arith.muli %select_n3A, %mul3A_278 : i32
    %add3A_280 = arith.addi %mul3A_279, %mul3A_32 : i32
    %add3A_281 = arith.constant 128 : i32
    %add3A_282 = arith.addi %add3A_280, %add3A_281 : i32
    %dma_start3A_283 = arith.constant 0 : i32
    %dma_start3A_284 = tpu.memref_slice %arg4[%add3A_282, %dma_start3A_283] : memref<16384x1024xf32, #tpu.memory_space<hbm>> -> memref<32x1024xf32, #tpu.memory_space<hbm>>
    %dma_start3A_285 = arith.constant 0 : i32
    %dma_start3A_286 = tpu.memref_slice %arg4[%add3A_282, %dma_start3A_285] : memref<16384x1024xf32, #tpu.memory_space<hbm>> -> memref<32x1024xf32, #tpu.memory_space<hbm>>
    tpu.enqueue_dma source(%arg7 : memref<32x1024xf32, #tpu.memory_space<vmem>>) target(%dma_start3A_286 : memref<32x1024xf32, #tpu.memory_space<hbm>>) target_semaphore(%arg11 : memref<!tpu.dma_semaphore, #tpu.memory_space<semaphore_mem>>)
    %dma_wait3A_287 = arith.constant 0 : i32
    %dma_wait3A_288 = tpu.memref_slice %arg4[%add3A_240, %dma_wait3A_287] : memref<16384x1024xf32, #tpu.memory_space<hbm>> -> memref<32x1024xf32, #tpu.memory_space<hbm>>
    %dma_wait3A_289 = arith.constant 0 : i32
    %dma_wait3A_290 = tpu.memref_slice %arg4[%add3A_240, %dma_wait3A_289] : memref<16384x1024xf32, #tpu.memory_space<hbm>> -> memref<32x1024xf32, #tpu.memory_space<hbm>>
    tpu.wait_dma2 semaphore(%arg12 : memref<!tpu.dma_semaphore, #tpu.memory_space<semaphore_mem>>) src(%arg8 : memref<32x1024xf32, #tpu.memory_space<vmem>>) dst(%dma_wait3A_290 : memref<32x1024xf32, #tpu.memory_space<hbm>>)
    %dma_start3A_291 = arith.constant 160 : i32
    %dma_start3A_292 = tpu.memref_slice %arg6[%dma_start3A_291] : memref<512xi32, #tpu.memory_space<vmem>> -> memref<32xi32, #tpu.memory_space<vmem>>
    %dma_start3A_293 = arith.constant 0 : i32
    %dma_start3A_294 = arith.constant 0 : i32
    %dma_start3A_295 = tpu.memref_slice %arg2[%dma_start3A_293, %dma_start3A_294] : memref<16384x1024xf32, #tpu.memory_space<hbm>> -> memref<16384x1024xf32, #tpu.memory_space<hbm>>
    tpu.enqueue_indirect_dma source(%dma_start3A_295 : memref<16384x1024xf32, #tpu.memory_space<hbm>>) target(%arg8 : memref<32x1024xf32, #tpu.memory_space<vmem>>) offsets(%dma_start3A_292 : memref<32xi32, #tpu.memory_space<vmem>>) semaphore(%arg10 : memref<!tpu.dma_semaphore, #tpu.memory_space<semaphore_mem>>)
    %dma_wait3A_296 = arith.constant 160 : i32
    %dma_wait3A_297 = tpu.memref_slice %arg6[%dma_wait3A_296] : memref<512xi32, #tpu.memory_space<vmem>> -> memref<32xi32, #tpu.memory_space<vmem>>
    %dma_wait3A_298 = arith.constant 0 : i32
    %dma_wait3A_299 = arith.constant 0 : i32
    %dma_wait3A_300 = tpu.memref_slice %arg2[%dma_wait3A_298, %dma_wait3A_299] : memref<16384x1024xf32, #tpu.memory_space<hbm>> -> memref<16384x1024xf32, #tpu.memory_space<hbm>>
    tpu.wait_indirect_dma semaphore(%arg10 : memref<!tpu.dma_semaphore, #tpu.memory_space<semaphore_mem>>) src(%dma_wait3A_300 : memref<16384x1024xf32, #tpu.memory_space<hbm>>) dst(%arg8 : memref<32x1024xf32, #tpu.memory_space<vmem>>)
    %add3A_301 = arith.constant 160 : i32
    %add3A_302 = arith.addi %mul3A_32, %add3A_301 : i32
    %sub3A_303 = arith.subi %select_n3A_86, %add3A_302 : i32
    %jit3A_304 = arith.constant 0 : i32
    %jit3A_305 = arith.constant 32 : i32
    %max3A_306 = arith.maxsi %jit3A_304, %sub3A_303 : i32
    %min3A_307 = arith.minsi %jit3A_305, %max3A_306 : i32
    %while3A_308 = arith.constant 0 : i32
    %while3A_309 = arith.constant 0 : i32
    %while3A_310 = arith.subi %min3A_307, %while3A_308 : i32
    %while3A_311 = arith.addi %while3A_308, %while3A_310 : i32
    %while3A_312 = arith.constant 1 : i32
    %while3A_313 = arith.divsi %while3A_310, %while3A_312 : i32
    %while3A_314 = arith.muli %while3A_313, %while3A_312 : i32
    %while3A_315 = arith.addi %while3A_308, %while3A_314 : i32
    %while3A_316 = arith.constant 1 : i32
    %while3A_317 = scf.for %while3A_757 = %while3A_308 to %while3A_315 step %while3A_316 iter_args(%while3A_758 = %while3A_309) -> (i32)  : i32 {
      %scan3A_759 = arith.constant 0 : i32
      %scan3A_760 = arith.constant 0 : i32
      %scan3A_761 = arith.constant 64 : i32
      %scan3A_762 = arith.addi %scan3A_760, %scan3A_761 : i32
      %scan3A_763 = arith.constant 1 : i32
      %scan3A_764 = scf.for %scan3A_766 = %scan3A_760 to %scan3A_762 step %scan3A_763 iter_args(%scan3A_767 = %scan3A_759) -> (i32)  : i32 {
        %mul3A_768 = arith.constant 16 : i32
        %mul3A_769 = arith.muli %scan3A_766, %mul3A_768 : i32
        %swap3A = arith.index_cast %while3A_757 : i32 to index
        %swap3A_770 = arith.index_cast %mul3A_769 : i32 to index
        %swap3A_771 = tpu.vector_load %arg8[%swap3A, %swap3A_770] {strides = array<i32>} : memref<32x1024xf32, #tpu.memory_space<vmem>>, vector<16xf32>,
        tpu.vector_store %arg8[%swap3A, %swap3A_770], %broadcast_in_dim3A_88 {strides = array<i32>} : memref<32x1024xf32, #tpu.memory_space<vmem>>, vector<16xf32>,
        %scan3A_772 = arith.constant 0 : i32
        scf.yield %scan3A_772 : i32
      }
      %scan3A_765 = arith.constant 64 : i32
      scf.yield %scan3A_764 : i32
    }
    %while3A_318 = arith.constant 1 : i32
    %while3A_319 = scf.for %while3A_757 = %while3A_315 to %while3A_311 step %while3A_318 iter_args(%while3A_758 = %while3A_317) -> (i32)  : i32 {
      %scan3A_759 = arith.constant 0 : i32
      %scan3A_760 = arith.constant 0 : i32
      %scan3A_761 = arith.constant 64 : i32
      %scan3A_762 = arith.addi %scan3A_760, %scan3A_761 : i32
      %scan3A_763 = arith.constant 1 : i32
      %scan3A_764 = scf.for %scan3A_766 = %scan3A_760 to %scan3A_762 step %scan3A_763 iter_args(%scan3A_767 = %scan3A_759) -> (i32)  : i32 {
        %mul3A_768 = arith.constant 16 : i32
        %mul3A_769 = arith.muli %scan3A_766, %mul3A_768 : i32
        %swap3A = arith.index_cast %while3A_757 : i32 to index
        %swap3A_770 = arith.index_cast %mul3A_769 : i32 to index
        %swap3A_771 = tpu.vector_load %arg8[%swap3A, %swap3A_770] {strides = array<i32>} : memref<32x1024xf32, #tpu.memory_space<vmem>>, vector<16xf32>,
        tpu.vector_store %arg8[%swap3A, %swap3A_770], %broadcast_in_dim3A_88 {strides = array<i32>} : memref<32x1024xf32, #tpu.memory_space<vmem>>, vector<16xf32>,
        %scan3A_772 = arith.constant 0 : i32
        scf.yield %scan3A_772 : i32
      }
      %scan3A_765 = arith.constant 64 : i32
      scf.yield %scan3A_764 : i32
    }
    %mul3A_320 = arith.constant 2048 : i32
    %mul3A_321 = arith.muli %select_n3A, %mul3A_320 : i32
    %add3A_322 = arith.addi %mul3A_321, %mul3A_32 : i32
    %add3A_323 = arith.constant 160 : i32
    %add3A_324 = arith.addi %add3A_322, %add3A_323 : i32
    %dma_start3A_325 = arith.constant 0 : i32
    %dma_start3A_326 = tpu.memref_slice %arg4[%add3A_324, %dma_start3A_325] : memref<16384x1024xf32, #tpu.memory_space<hbm>> -> memref<32x1024xf32, #tpu.memory_space<hbm>>
    %dma_start3A_327 = arith.constant 0 : i32
    %dma_start3A_328 = tpu.memref_slice %arg4[%add3A_324, %dma_start3A_327] : memref<16384x1024xf32, #tpu.memory_space<hbm>> -> memref<32x1024xf32, #tpu.memory_space<hbm>>
    tpu.enqueue_dma source(%arg8 : memref<32x1024xf32, #tpu.memory_space<vmem>>) target(%dma_start3A_328 : memref<32x1024xf32, #tpu.memory_space<hbm>>) target_semaphore(%arg12 : memref<!tpu.dma_semaphore, #tpu.memory_space<semaphore_mem>>)
    %dma_wait3A_329 = arith.constant 0 : i32
    %dma_wait3A_330 = tpu.memref_slice %arg4[%add3A_282, %dma_wait3A_329] : memref<16384x1024xf32, #tpu.memory_space<hbm>> -> memref<32x1024xf32, #tpu.memory_space<hbm>>
    %dma_wait3A_331 = arith.constant 0 : i32
    %dma_wait3A_332 = tpu.memref_slice %arg4[%add3A_282, %dma_wait3A_331] : memref<16384x1024xf32, #tpu.memory_space<hbm>> -> memref<32x1024xf32, #tpu.memory_space<hbm>>
    tpu.wait_dma2 semaphore(%arg11 : memref<!tpu.dma_semaphore, #tpu.memory_space<semaphore_mem>>) src(%arg7 : memref<32x1024xf32, #tpu.memory_space<vmem>>) dst(%dma_wait3A_332 : memref<32x1024xf32, #tpu.memory_space<hbm>>)
    %dma_start3A_333 = arith.constant 192 : i32
    %dma_start3A_334 = tpu.memref_slice %arg6[%dma_start3A_333] : memref<512xi32, #tpu.memory_space<vmem>> -> memref<32xi32, #tpu.memory_space<vmem>>
    %dma_start3A_335 = arith.constant 0 : i32
    %dma_start3A_336 = arith.constant 0 : i32
    %dma_start3A_337 = tpu.memref_slice %arg2[%dma_start3A_335, %dma_start3A_336] : memref<16384x1024xf32, #tpu.memory_space<hbm>> -> memref<16384x1024xf32, #tpu.memory_space<hbm>>
    tpu.enqueue_indirect_dma source(%dma_start3A_337 : memref<16384x1024xf32, #tpu.memory_space<hbm>>) target(%arg7 : memref<32x1024xf32, #tpu.memory_space<vmem>>) offsets(%dma_start3A_334 : memref<32xi32, #tpu.memory_space<vmem>>) semaphore(%arg9 : memref<!tpu.dma_semaphore, #tpu.memory_space<semaphore_mem>>)
    %dma_wait3A_338 = arith.constant 192 : i32
    %dma_wait3A_339 = tpu.memref_slice %arg6[%dma_wait3A_338] : memref<512xi32, #tpu.memory_space<vmem>> -> memref<32xi32, #tpu.memory_space<vmem>>
    %dma_wait3A_340 = arith.constant 0 : i32
    %dma_wait3A_341 = arith.constant 0 : i32
    %dma_wait3A_342 = tpu.memref_slice %arg2[%dma_wait3A_340, %dma_wait3A_341] : memref<16384x1024xf32, #tpu.memory_space<hbm>> -> memref<16384x1024xf32, #tpu.memory_space<hbm>>
    tpu.wait_indirect_dma semaphore(%arg9 : memref<!tpu.dma_semaphore, #tpu.memory_space<semaphore_mem>>) src(%dma_wait3A_342 : memref<16384x1024xf32, #tpu.memory_space<hbm>>) dst(%arg7 : memref<32x1024xf32, #tpu.memory_space<vmem>>)
    %add3A_343 = arith.constant 192 : i32
    %add3A_344 = arith.addi %mul3A_32, %add3A_343 : i32
    %sub3A_345 = arith.subi %select_n3A_86, %add3A_344 : i32
    %jit3A_346 = arith.constant 0 : i32
    %jit3A_347 = arith.constant 32 : i32
    %max3A_348 = arith.maxsi %jit3A_346, %sub3A_345 : i32
    %min3A_349 = arith.minsi %jit3A_347, %max3A_348 : i32
    %while3A_350 = arith.constant 0 : i32
    %while3A_351 = arith.constant 0 : i32
    %while3A_352 = arith.subi %min3A_349, %while3A_350 : i32
    %while3A_353 = arith.addi %while3A_350, %while3A_352 : i32
    %while3A_354 = arith.constant 1 : i32
    %while3A_355 = arith.divsi %while3A_352, %while3A_354 : i32
    %while3A_356 = arith.muli %while3A_355, %while3A_354 : i32
    %while3A_357 = arith.addi %while3A_350, %while3A_356 : i32
    %while3A_358 = arith.constant 1 : i32
    %while3A_359 = scf.for %while3A_757 = %while3A_350 to %while3A_357 step %while3A_358 iter_args(%while3A_758 = %while3A_351) -> (i32)  : i32 {
      %scan3A_759 = arith.constant 0 : i32
      %scan3A_760 = arith.constant 0 : i32
      %scan3A_761 = arith.constant 64 : i32
      %scan3A_762 = arith.addi %scan3A_760, %scan3A_761 : i32
      %scan3A_763 = arith.constant 1 : i32
      %scan3A_764 = scf.for %scan3A_766 = %scan3A_760 to %scan3A_762 step %scan3A_763 iter_args(%scan3A_767 = %scan3A_759) -> (i32)  : i32 {
        %mul3A_768 = arith.constant 16 : i32
        %mul3A_769 = arith.muli %scan3A_766, %mul3A_768 : i32
        %swap3A = arith.index_cast %while3A_757 : i32 to index
        %swap3A_770 = arith.index_cast %mul3A_769 : i32 to index
        %swap3A_771 = tpu.vector_load %arg7[%swap3A, %swap3A_770] {strides = array<i32>} : memref<32x1024xf32, #tpu.memory_space<vmem>>, vector<16xf32>,
        tpu.vector_store %arg7[%swap3A, %swap3A_770], %broadcast_in_dim3A_88 {strides = array<i32>} : memref<32x1024xf32, #tpu.memory_space<vmem>>, vector<16xf32>,
        %scan3A_772 = arith.constant 0 : i32
        scf.yield %scan3A_772 : i32
      }
      %scan3A_765 = arith.constant 64 : i32
      scf.yield %scan3A_764 : i32
    }
    %while3A_360 = arith.constant 1 : i32
    %while3A_361 = scf.for %while3A_757 = %while3A_357 to %while3A_353 step %while3A_360 iter_args(%while3A_758 = %while3A_359) -> (i32)  : i32 {
      %scan3A_759 = arith.constant 0 : i32
      %scan3A_760 = arith.constant 0 : i32
      %scan3A_761 = arith.constant 64 : i32
      %scan3A_762 = arith.addi %scan3A_760, %scan3A_761 : i32
      %scan3A_763 = arith.constant 1 : i32
      %scan3A_764 = scf.for %scan3A_766 = %scan3A_760 to %scan3A_762 step %scan3A_763 iter_args(%scan3A_767 = %scan3A_759) -> (i32)  : i32 {
        %mul3A_768 = arith.constant 16 : i32
        %mul3A_769 = arith.muli %scan3A_766, %mul3A_768 : i32
        %swap3A = arith.index_cast %while3A_757 : i32 to index
        %swap3A_770 = arith.index_cast %mul3A_769 : i32 to index
        %swap3A_771 = tpu.vector_load %arg7[%swap3A, %swap3A_770] {strides = array<i32>} : memref<32x1024xf32, #tpu.memory_space<vmem>>, vector<16xf32>,
        tpu.vector_store %arg7[%swap3A, %swap3A_770], %broadcast_in_dim3A_88 {strides = array<i32>} : memref<32x1024xf32, #tpu.memory_space<vmem>>, vector<16xf32>,
        %scan3A_772 = arith.constant 0 : i32
        scf.yield %scan3A_772 : i32
      }
      %scan3A_765 = arith.constant 64 : i32
      scf.yield %scan3A_764 : i32
    }
    %mul3A_362 = arith.constant 2048 : i32
    %mul3A_363 = arith.muli %select_n3A, %mul3A_362 : i32
    %add3A_364 = arith.addi %mul3A_363, %mul3A_32 : i32
    %add3A_365 = arith.constant 192 : i32
    %add3A_366 = arith.addi %add3A_364, %add3A_365 : i32
    %dma_start3A_367 = arith.constant 0 : i32
    %dma_start3A_368 = tpu.memref_slice %arg4[%add3A_366, %dma_start3A_367] : memref<16384x1024xf32, #tpu.memory_space<hbm>> -> memref<32x1024xf32, #tpu.memory_space<hbm>>
    %dma_start3A_369 = arith.constant 0 : i32
    %dma_start3A_370 = tpu.memref_slice %arg4[%add3A_366, %dma_start3A_369] : memref<16384x1024xf32, #tpu.memory_space<hbm>> -> memref<32x1024xf32, #tpu.memory_space<hbm>>
    tpu.enqueue_dma source(%arg7 : memref<32x1024xf32, #tpu.memory_space<vmem>>) target(%dma_start3A_370 : memref<32x1024xf32, #tpu.memory_space<hbm>>) target_semaphore(%arg11 : memref<!tpu.dma_semaphore, #tpu.memory_space<semaphore_mem>>)
    %dma_wait3A_371 = arith.constant 0 : i32
    %dma_wait3A_372 = tpu.memref_slice %arg4[%add3A_324, %dma_wait3A_371] : memref<16384x1024xf32, #tpu.memory_space<hbm>> -> memref<32x1024xf32, #tpu.memory_space<hbm>>
    %dma_wait3A_373 = arith.constant 0 : i32
    %dma_wait3A_374 = tpu.memref_slice %arg4[%add3A_324, %dma_wait3A_373] : memref<16384x1024xf32, #tpu.memory_space<hbm>> -> memref<32x1024xf32, #tpu.memory_space<hbm>>
    tpu.wait_dma2 semaphore(%arg12 : memref<!tpu.dma_semaphore, #tpu.memory_space<semaphore_mem>>) src(%arg8 : memref<32x1024xf32, #tpu.memory_space<vmem>>) dst(%dma_wait3A_374 : memref<32x1024xf32, #tpu.memory_space<hbm>>)
    %dma_start3A_375 = arith.constant 224 : i32
    %dma_start3A_376 = tpu.memref_slice %arg6[%dma_start3A_375] : memref<512xi32, #tpu.memory_space<vmem>> -> memref<32xi32, #tpu.memory_space<vmem>>
    %dma_start3A_377 = arith.constant 0 : i32
    %dma_start3A_378 = arith.constant 0 : i32
    %dma_start3A_379 = tpu.memref_slice %arg2[%dma_start3A_377, %dma_start3A_378] : memref<16384x1024xf32, #tpu.memory_space<hbm>> -> memref<16384x1024xf32, #tpu.memory_space<hbm>>
    tpu.enqueue_indirect_dma source(%dma_start3A_379 : memref<16384x1024xf32, #tpu.memory_space<hbm>>) target(%arg8 : memref<32x1024xf32, #tpu.memory_space<vmem>>) offsets(%dma_start3A_376 : memref<32xi32, #tpu.memory_space<vmem>>) semaphore(%arg10 : memref<!tpu.dma_semaphore, #tpu.memory_space<semaphore_mem>>)
    %dma_wait3A_380 = arith.constant 224 : i32
    %dma_wait3A_381 = tpu.memref_slice %arg6[%dma_wait3A_380] : memref<512xi32, #tpu.memory_space<vmem>> -> memref<32xi32, #tpu.memory_space<vmem>>
    %dma_wait3A_382 = arith.constant 0 : i32
    %dma_wait3A_383 = arith.constant 0 : i32
    %dma_wait3A_384 = tpu.memref_slice %arg2[%dma_wait3A_382, %dma_wait3A_383] : memref<16384x1024xf32, #tpu.memory_space<hbm>> -> memref<16384x1024xf32, #tpu.memory_space<hbm>>
    tpu.wait_indirect_dma semaphore(%arg10 : memref<!tpu.dma_semaphore, #tpu.memory_space<semaphore_mem>>) src(%dma_wait3A_384 : memref<16384x1024xf32, #tpu.memory_space<hbm>>) dst(%arg8 : memref<32x1024xf32, #tpu.memory_space<vmem>>)
    %add3A_385 = arith.constant 224 : i32
    %add3A_386 = arith.addi %mul3A_32, %add3A_385 : i32
    %sub3A_387 = arith.subi %select_n3A_86, %add3A_386 : i32
    %jit3A_388 = arith.constant 0 : i32
    %jit3A_389 = arith.constant 32 : i32
    %max3A_390 = arith.maxsi %jit3A_388, %sub3A_387 : i32
    %min3A_391 = arith.minsi %jit3A_389, %max3A_390 : i32
    %while3A_392 = arith.constant 0 : i32
    %while3A_393 = arith.constant 0 : i32
    %while3A_394 = arith.subi %min3A_391, %while3A_392 : i32
    %while3A_395 = arith.addi %while3A_392, %while3A_394 : i32
    %while3A_396 = arith.constant 1 : i32
    %while3A_397 = arith.divsi %while3A_394, %while3A_396 : i32
    %while3A_398 = arith.muli %while3A_397, %while3A_396 : i32
    %while3A_399 = arith.addi %while3A_392, %while3A_398 : i32
    %while3A_400 = arith.constant 1 : i32
    %while3A_401 = scf.for %while3A_757 = %while3A_392 to %while3A_399 step %while3A_400 iter_args(%while3A_758 = %while3A_393) -> (i32)  : i32 {
      %scan3A_759 = arith.constant 0 : i32
      %scan3A_760 = arith.constant 0 : i32
      %scan3A_761 = arith.constant 64 : i32
      %scan3A_762 = arith.addi %scan3A_760, %scan3A_761 : i32
      %scan3A_763 = arith.constant 1 : i32
      %scan3A_764 = scf.for %scan3A_766 = %scan3A_760 to %scan3A_762 step %scan3A_763 iter_args(%scan3A_767 = %scan3A_759) -> (i32)  : i32 {
        %mul3A_768 = arith.constant 16 : i32
        %mul3A_769 = arith.muli %scan3A_766, %mul3A_768 : i32
        %swap3A = arith.index_cast %while3A_757 : i32 to index
        %swap3A_770 = arith.index_cast %mul3A_769 : i32 to index
        %swap3A_771 = tpu.vector_load %arg8[%swap3A, %swap3A_770] {strides = array<i32>} : memref<32x1024xf32, #tpu.memory_space<vmem>>, vector<16xf32>,
        tpu.vector_store %arg8[%swap3A, %swap3A_770], %broadcast_in_dim3A_88 {strides = array<i32>} : memref<32x1024xf32, #tpu.memory_space<vmem>>, vector<16xf32>,
        %scan3A_772 = arith.constant 0 : i32
        scf.yield %scan3A_772 : i32
      }
      %scan3A_765 = arith.constant 64 : i32
      scf.yield %scan3A_764 : i32
    }
    %while3A_402 = arith.constant 1 : i32
    %while3A_403 = scf.for %while3A_757 = %while3A_399 to %while3A_395 step %while3A_402 iter_args(%while3A_758 = %while3A_401) -> (i32)  : i32 {
      %scan3A_759 = arith.constant 0 : i32
      %scan3A_760 = arith.constant 0 : i32
      %scan3A_761 = arith.constant 64 : i32
      %scan3A_762 = arith.addi %scan3A_760, %scan3A_761 : i32
      %scan3A_763 = arith.constant 1 : i32
      %scan3A_764 = scf.for %scan3A_766 = %scan3A_760 to %scan3A_762 step %scan3A_763 iter_args(%scan3A_767 = %scan3A_759) -> (i32)  : i32 {
        %mul3A_768 = arith.constant 16 : i32
        %mul3A_769 = arith.muli %scan3A_766, %mul3A_768 : i32
        %swap3A = arith.index_cast %while3A_757 : i32 to index
        %swap3A_770 = arith.index_cast %mul3A_769 : i32 to index
        %swap3A_771 = tpu.vector_load %arg8[%swap3A, %swap3A_770] {strides = array<i32>} : memref<32x1024xf32, #tpu.memory_space<vmem>>, vector<16xf32>,
        tpu.vector_store %arg8[%swap3A, %swap3A_770], %broadcast_in_dim3A_88 {strides = array<i32>} : memref<32x1024xf32, #tpu.memory_space<vmem>>, vector<16xf32>,
        %scan3A_772 = arith.constant 0 : i32
        scf.yield %scan3A_772 : i32
      }
      %scan3A_765 = arith.constant 64 : i32
      scf.yield %scan3A_764 : i32
    }
    %mul3A_404 = arith.constant 2048 : i32
    %mul3A_405 = arith.muli %select_n3A, %mul3A_404 : i32
    %add3A_406 = arith.addi %mul3A_405, %mul3A_32 : i32
    %add3A_407 = arith.constant 224 : i32
    %add3A_408 = arith.addi %add3A_406, %add3A_407 : i32
    %dma_start3A_409 = arith.constant 0 : i32
    %dma_start3A_410 = tpu.memref_slice %arg4[%add3A_408, %dma_start3A_409] : memref<16384x1024xf32, #tpu.memory_space<hbm>> -> memref<32x1024xf32, #tpu.memory_space<hbm>>
    %dma_start3A_411 = arith.constant 0 : i32
    %dma_start3A_412 = tpu.memref_slice %arg4[%add3A_408, %dma_start3A_411] : memref<16384x1024xf32, #tpu.memory_space<hbm>> -> memref<32x1024xf32, #tpu.memory_space<hbm>>
    tpu.enqueue_dma source(%arg8 : memref<32x1024xf32, #tpu.memory_space<vmem>>) target(%dma_start3A_412 : memref<32x1024xf32, #tpu.memory_space<hbm>>) target_semaphore(%arg12 : memref<!tpu.dma_semaphore, #tpu.memory_space<semaphore_mem>>)
    %dma_wait3A_413 = arith.constant 0 : i32
    %dma_wait3A_414 = tpu.memref_slice %arg4[%add3A_366, %dma_wait3A_413] : memref<16384x1024xf32, #tpu.memory_space<hbm>> -> memref<32x1024xf32, #tpu.memory_space<hbm>>
    %dma_wait3A_415 = arith.constant 0 : i32
    %dma_wait3A_416 = tpu.memref_slice %arg4[%add3A_366, %dma_wait3A_415] : memref<16384x1024xf32, #tpu.memory_space<hbm>> -> memref<32x1024xf32, #tpu.memory_space<hbm>>
    tpu.wait_dma2 semaphore(%arg11 : memref<!tpu.dma_semaphore, #tpu.memory_space<semaphore_mem>>) src(%arg7 : memref<32x1024xf32, #tpu.memory_space<vmem>>) dst(%dma_wait3A_416 : memref<32x1024xf32, #tpu.memory_space<hbm>>)
    %dma_start3A_417 = arith.constant 256 : i32
    %dma_start3A_418 = tpu.memref_slice %arg6[%dma_start3A_417] : memref<512xi32, #tpu.memory_space<vmem>> -> memref<32xi32, #tpu.memory_space<vmem>>
    %dma_start3A_419 = arith.constant 0 : i32
    %dma_start3A_420 = arith.constant 0 : i32
    %dma_start3A_421 = tpu.memref_slice %arg2[%dma_start3A_419, %dma_start3A_420] : memref<16384x1024xf32, #tpu.memory_space<hbm>> -> memref<16384x1024xf32, #tpu.memory_space<hbm>>
    tpu.enqueue_indirect_dma source(%dma_start3A_421 : memref<16384x1024xf32, #tpu.memory_space<hbm>>) target(%arg7 : memref<32x1024xf32, #tpu.memory_space<vmem>>) offsets(%dma_start3A_418 : memref<32xi32, #tpu.memory_space<vmem>>) semaphore(%arg9 : memref<!tpu.dma_semaphore, #tpu.memory_space<semaphore_mem>>)
    %dma_wait3A_422 = arith.constant 256 : i32
    %dma_wait3A_423 = tpu.memref_slice %arg6[%dma_wait3A_422] : memref<512xi32, #tpu.memory_space<vmem>> -> memref<32xi32, #tpu.memory_space<vmem>>
    %dma_wait3A_424 = arith.constant 0 : i32
    %dma_wait3A_425 = arith.constant 0 : i32
    %dma_wait3A_426 = tpu.memref_slice %arg2[%dma_wait3A_424, %dma_wait3A_425] : memref<16384x1024xf32, #tpu.memory_space<hbm>> -> memref<16384x1024xf32, #tpu.memory_space<hbm>>
    tpu.wait_indirect_dma semaphore(%arg9 : memref<!tpu.dma_semaphore, #tpu.memory_space<semaphore_mem>>) src(%dma_wait3A_426 : memref<16384x1024xf32, #tpu.memory_space<hbm>>) dst(%arg7 : memref<32x1024xf32, #tpu.memory_space<vmem>>)
    %add3A_427 = arith.constant 256 : i32
    %add3A_428 = arith.addi %mul3A_32, %add3A_427 : i32
    %sub3A_429 = arith.subi %select_n3A_86, %add3A_428 : i32
    %jit3A_430 = arith.constant 0 : i32
    %jit3A_431 = arith.constant 32 : i32
    %max3A_432 = arith.maxsi %jit3A_430, %sub3A_429 : i32
    %min3A_433 = arith.minsi %jit3A_431, %max3A_432 : i32
    %while3A_434 = arith.constant 0 : i32
    %while3A_435 = arith.constant 0 : i32
    %while3A_436 = arith.subi %min3A_433, %while3A_434 : i32
    %while3A_437 = arith.addi %while3A_434, %while3A_436 : i32
    %while3A_438 = arith.constant 1 : i32
    %while3A_439 = arith.divsi %while3A_436, %while3A_438 : i32
    %while3A_440 = arith.muli %while3A_439, %while3A_438 : i32
    %while3A_441 = arith.addi %while3A_434, %while3A_440 : i32
    %while3A_442 = arith.constant 1 : i32
    %while3A_443 = scf.for %while3A_757 = %while3A_434 to %while3A_441 step %while3A_442 iter_args(%while3A_758 = %while3A_435) -> (i32)  : i32 {
      %scan3A_759 = arith.constant 0 : i32
      %scan3A_760 = arith.constant 0 : i32
      %scan3A_761 = arith.constant 64 : i32
      %scan3A_762 = arith.addi %scan3A_760, %scan3A_761 : i32
      %scan3A_763 = arith.constant 1 : i32
      %scan3A_764 = scf.for %scan3A_766 = %scan3A_760 to %scan3A_762 step %scan3A_763 iter_args(%scan3A_767 = %scan3A_759) -> (i32)  : i32 {
        %mul3A_768 = arith.constant 16 : i32
        %mul3A_769 = arith.muli %scan3A_766, %mul3A_768 : i32
        %swap3A = arith.index_cast %while3A_757 : i32 to index
        %swap3A_770 = arith.index_cast %mul3A_769 : i32 to index
        %swap3A_771 = tpu.vector_load %arg7[%swap3A, %swap3A_770] {strides = array<i32>} : memref<32x1024xf32, #tpu.memory_space<vmem>>, vector<16xf32>,
        tpu.vector_store %arg7[%swap3A, %swap3A_770], %broadcast_in_dim3A_88 {strides = array<i32>} : memref<32x1024xf32, #tpu.memory_space<vmem>>, vector<16xf32>,
        %scan3A_772 = arith.constant 0 : i32
        scf.yield %scan3A_772 : i32
      }
      %scan3A_765 = arith.constant 64 : i32
      scf.yield %scan3A_764 : i32
    }
    %while3A_444 = arith.constant 1 : i32
    %while3A_445 = scf.for %while3A_757 = %while3A_441 to %while3A_437 step %while3A_444 iter_args(%while3A_758 = %while3A_443) -> (i32)  : i32 {
      %scan3A_759 = arith.constant 0 : i32
      %scan3A_760 = arith.constant 0 : i32
      %scan3A_761 = arith.constant 64 : i32
      %scan3A_762 = arith.addi %scan3A_760, %scan3A_761 : i32
      %scan3A_763 = arith.constant 1 : i32
      %scan3A_764 = scf.for %scan3A_766 = %scan3A_760 to %scan3A_762 step %scan3A_763 iter_args(%scan3A_767 = %scan3A_759) -> (i32)  : i32 {
        %mul3A_768 = arith.constant 16 : i32
        %mul3A_769 = arith.muli %scan3A_766, %mul3A_768 : i32
        %swap3A = arith.index_cast %while3A_757 : i32 to index
        %swap3A_770 = arith.index_cast %mul3A_769 : i32 to index
        %swap3A_771 = tpu.vector_load %arg7[%swap3A, %swap3A_770] {strides = array<i32>} : memref<32x1024xf32, #tpu.memory_space<vmem>>, vector<16xf32>,
        tpu.vector_store %arg7[%swap3A, %swap3A_770], %broadcast_in_dim3A_88 {strides = array<i32>} : memref<32x1024xf32, #tpu.memory_space<vmem>>, vector<16xf32>,
        %scan3A_772 = arith.constant 0 : i32
        scf.yield %scan3A_772 : i32
      }
      %scan3A_765 = arith.constant 64 : i32
      scf.yield %scan3A_764 : i32
    }
    %mul3A_446 = arith.constant 2048 : i32
    %mul3A_447 = arith.muli %select_n3A, %mul3A_446 : i32
    %add3A_448 = arith.addi %mul3A_447, %mul3A_32 : i32
    %add3A_449 = arith.constant 256 : i32
    %add3A_450 = arith.addi %add3A_448, %add3A_449 : i32
    %dma_start3A_451 = arith.constant 0 : i32
    %dma_start3A_452 = tpu.memref_slice %arg4[%add3A_450, %dma_start3A_451] : memref<16384x1024xf32, #tpu.memory_space<hbm>> -> memref<32x1024xf32, #tpu.memory_space<hbm>>
    %dma_start3A_453 = arith.constant 0 : i32
    %dma_start3A_454 = tpu.memref_slice %arg4[%add3A_450, %dma_start3A_453] : memref<16384x1024xf32, #tpu.memory_space<hbm>> -> memref<32x1024xf32, #tpu.memory_space<hbm>>
    tpu.enqueue_dma source(%arg7 : memref<32x1024xf32, #tpu.memory_space<vmem>>) target(%dma_start3A_454 : memref<32x1024xf32, #tpu.memory_space<hbm>>) target_semaphore(%arg11 : memref<!tpu.dma_semaphore, #tpu.memory_space<semaphore_mem>>)
    %dma_wait3A_455 = arith.constant 0 : i32
    %dma_wait3A_456 = tpu.memref_slice %arg4[%add3A_408, %dma_wait3A_455] : memref<16384x1024xf32, #tpu.memory_space<hbm>> -> memref<32x1024xf32, #tpu.memory_space<hbm>>
    %dma_wait3A_457 = arith.constant 0 : i32
    %dma_wait3A_458 = tpu.memref_slice %arg4[%add3A_408, %dma_wait3A_457] : memref<16384x1024xf32, #tpu.memory_space<hbm>> -> memref<32x1024xf32, #tpu.memory_space<hbm>>
    tpu.wait_dma2 semaphore(%arg12 : memref<!tpu.dma_semaphore, #tpu.memory_space<semaphore_mem>>) src(%arg8 : memref<32x1024xf32, #tpu.memory_space<vmem>>) dst(%dma_wait3A_458 : memref<32x1024xf32, #tpu.memory_space<hbm>>)
    %dma_start3A_459 = arith.constant 288 : i32
    %dma_start3A_460 = tpu.memref_slice %arg6[%dma_start3A_459] : memref<512xi32, #tpu.memory_space<vmem>> -> memref<32xi32, #tpu.memory_space<vmem>>
    %dma_start3A_461 = arith.constant 0 : i32
    %dma_start3A_462 = arith.constant 0 : i32
    %dma_start3A_463 = tpu.memref_slice %arg2[%dma_start3A_461, %dma_start3A_462] : memref<16384x1024xf32, #tpu.memory_space<hbm>> -> memref<16384x1024xf32, #tpu.memory_space<hbm>>
    tpu.enqueue_indirect_dma source(%dma_start3A_463 : memref<16384x1024xf32, #tpu.memory_space<hbm>>) target(%arg8 : memref<32x1024xf32, #tpu.memory_space<vmem>>) offsets(%dma_start3A_460 : memref<32xi32, #tpu.memory_space<vmem>>) semaphore(%arg10 : memref<!tpu.dma_semaphore, #tpu.memory_space<semaphore_mem>>)
    %dma_wait3A_464 = arith.constant 288 : i32
    %dma_wait3A_465 = tpu.memref_slice %arg6[%dma_wait3A_464] : memref<512xi32, #tpu.memory_space<vmem>> -> memref<32xi32, #tpu.memory_space<vmem>>
    %dma_wait3A_466 = arith.constant 0 : i32
    %dma_wait3A_467 = arith.constant 0 : i32
    %dma_wait3A_468 = tpu.memref_slice %arg2[%dma_wait3A_466, %dma_wait3A_467] : memref<16384x1024xf32, #tpu.memory_space<hbm>> -> memref<16384x1024xf32, #tpu.memory_space<hbm>>
    tpu.wait_indirect_dma semaphore(%arg10 : memref<!tpu.dma_semaphore, #tpu.memory_space<semaphore_mem>>) src(%dma_wait3A_468 : memref<16384x1024xf32, #tpu.memory_space<hbm>>) dst(%arg8 : memref<32x1024xf32, #tpu.memory_space<vmem>>)
    %add3A_469 = arith.constant 288 : i32
    %add3A_470 = arith.addi %mul3A_32, %add3A_469 : i32
    %sub3A_471 = arith.subi %select_n3A_86, %add3A_470 : i32
    %jit3A_472 = arith.constant 0 : i32
    %jit3A_473 = arith.constant 32 : i32
    %max3A_474 = arith.maxsi %jit3A_472, %sub3A_471 : i32
    %min3A_475 = arith.minsi %jit3A_473, %max3A_474 : i32
    %while3A_476 = arith.constant 0 : i32
    %while3A_477 = arith.constant 0 : i32
    %while3A_478 = arith.subi %min3A_475, %while3A_476 : i32
    %while3A_479 = arith.addi %while3A_476, %while3A_478 : i32
    %while3A_480 = arith.constant 1 : i32
    %while3A_481 = arith.divsi %while3A_478, %while3A_480 : i32
    %while3A_482 = arith.muli %while3A_481, %while3A_480 : i32
    %while3A_483 = arith.addi %while3A_476, %while3A_482 : i32
    %while3A_484 = arith.constant 1 : i32
    %while3A_485 = scf.for %while3A_757 = %while3A_476 to %while3A_483 step %while3A_484 iter_args(%while3A_758 = %while3A_477) -> (i32)  : i32 {
      %scan3A_759 = arith.constant 0 : i32
      %scan3A_760 = arith.constant 0 : i32
      %scan3A_761 = arith.constant 64 : i32
      %scan3A_762 = arith.addi %scan3A_760, %scan3A_761 : i32
      %scan3A_763 = arith.constant 1 : i32
      %scan3A_764 = scf.for %scan3A_766 = %scan3A_760 to %scan3A_762 step %scan3A_763 iter_args(%scan3A_767 = %scan3A_759) -> (i32)  : i32 {
        %mul3A_768 = arith.constant 16 : i32
        %mul3A_769 = arith.muli %scan3A_766, %mul3A_768 : i32
        %swap3A = arith.index_cast %while3A_757 : i32 to index
        %swap3A_770 = arith.index_cast %mul3A_769 : i32 to index
        %swap3A_771 = tpu.vector_load %arg8[%swap3A, %swap3A_770] {strides = array<i32>} : memref<32x1024xf32, #tpu.memory_space<vmem>>, vector<16xf32>,
        tpu.vector_store %arg8[%swap3A, %swap3A_770], %broadcast_in_dim3A_88 {strides = array<i32>} : memref<32x1024xf32, #tpu.memory_space<vmem>>, vector<16xf32>,
        %scan3A_772 = arith.constant 0 : i32
        scf.yield %scan3A_772 : i32
      }
      %scan3A_765 = arith.constant 64 : i32
      scf.yield %scan3A_764 : i32
    }
    %while3A_486 = arith.constant 1 : i32
    %while3A_487 = scf.for %while3A_757 = %while3A_483 to %while3A_479 step %while3A_486 iter_args(%while3A_758 = %while3A_485) -> (i32)  : i32 {
      %scan3A_759 = arith.constant 0 : i32
      %scan3A_760 = arith.constant 0 : i32
      %scan3A_761 = arith.constant 64 : i32
      %scan3A_762 = arith.addi %scan3A_760, %scan3A_761 : i32
      %scan3A_763 = arith.constant 1 : i32
      %scan3A_764 = scf.for %scan3A_766 = %scan3A_760 to %scan3A_762 step %scan3A_763 iter_args(%scan3A_767 = %scan3A_759) -> (i32)  : i32 {
        %mul3A_768 = arith.constant 16 : i32
        %mul3A_769 = arith.muli %scan3A_766, %mul3A_768 : i32
        %swap3A = arith.index_cast %while3A_757 : i32 to index
        %swap3A_770 = arith.index_cast %mul3A_769 : i32 to index
        %swap3A_771 = tpu.vector_load %arg8[%swap3A, %swap3A_770] {strides = array<i32>} : memref<32x1024xf32, #tpu.memory_space<vmem>>, vector<16xf32>,
        tpu.vector_store %arg8[%swap3A, %swap3A_770], %broadcast_in_dim3A_88 {strides = array<i32>} : memref<32x1024xf32, #tpu.memory_space<vmem>>, vector<16xf32>,
        %scan3A_772 = arith.constant 0 : i32
        scf.yield %scan3A_772 : i32
      }
      %scan3A_765 = arith.constant 64 : i32
      scf.yield %scan3A_764 : i32
    }
    %mul3A_488 = arith.constant 2048 : i32
    %mul3A_489 = arith.muli %select_n3A, %mul3A_488 : i32
    %add3A_490 = arith.addi %mul3A_489, %mul3A_32 : i32
    %add3A_491 = arith.constant 288 : i32
    %add3A_492 = arith.addi %add3A_490, %add3A_491 : i32
    %dma_start3A_493 = arith.constant 0 : i32
    %dma_start3A_494 = tpu.memref_slice %arg4[%add3A_492, %dma_start3A_493] : memref<16384x1024xf32, #tpu.memory_space<hbm>> -> memref<32x1024xf32, #tpu.memory_space<hbm>>
    %dma_start3A_495 = arith.constant 0 : i32
    %dma_start3A_496 = tpu.memref_slice %arg4[%add3A_492, %dma_start3A_495] : memref<16384x1024xf32, #tpu.memory_space<hbm>> -> memref<32x1024xf32, #tpu.memory_space<hbm>>
    tpu.enqueue_dma source(%arg8 : memref<32x1024xf32, #tpu.memory_space<vmem>>) target(%dma_start3A_496 : memref<32x1024xf32, #tpu.memory_space<hbm>>) target_semaphore(%arg12 : memref<!tpu.dma_semaphore, #tpu.memory_space<semaphore_mem>>)
    %dma_wait3A_497 = arith.constant 0 : i32
    %dma_wait3A_498 = tpu.memref_slice %arg4[%add3A_450, %dma_wait3A_497] : memref<16384x1024xf32, #tpu.memory_space<hbm>> -> memref<32x1024xf32, #tpu.memory_space<hbm>>
    %dma_wait3A_499 = arith.constant 0 : i32
    %dma_wait3A_500 = tpu.memref_slice %arg4[%add3A_450, %dma_wait3A_499] : memref<16384x1024xf32, #tpu.memory_space<hbm>> -> memref<32x1024xf32, #tpu.memory_space<hbm>>
    tpu.wait_dma2 semaphore(%arg11 : memref<!tpu.dma_semaphore, #tpu.memory_space<semaphore_mem>>) src(%arg7 : memref<32x1024xf32, #tpu.memory_space<vmem>>) dst(%dma_wait3A_500 : memref<32x1024xf32, #tpu.memory_space<hbm>>)
    %dma_start3A_501 = arith.constant 320 : i32
    %dma_start3A_502 = tpu.memref_slice %arg6[%dma_start3A_501] : memref<512xi32, #tpu.memory_space<vmem>> -> memref<32xi32, #tpu.memory_space<vmem>>
    %dma_start3A_503 = arith.constant 0 : i32
    %dma_start3A_504 = arith.constant 0 : i32
    %dma_start3A_505 = tpu.memref_slice %arg2[%dma_start3A_503, %dma_start3A_504] : memref<16384x1024xf32, #tpu.memory_space<hbm>> -> memref<16384x1024xf32, #tpu.memory_space<hbm>>
    tpu.enqueue_indirect_dma source(%dma_start3A_505 : memref<16384x1024xf32, #tpu.memory_space<hbm>>) target(%arg7 : memref<32x1024xf32, #tpu.memory_space<vmem>>) offsets(%dma_start3A_502 : memref<32xi32, #tpu.memory_space<vmem>>) semaphore(%arg9 : memref<!tpu.dma_semaphore, #tpu.memory_space<semaphore_mem>>)
    %dma_wait3A_506 = arith.constant 320 : i32
    %dma_wait3A_507 = tpu.memref_slice %arg6[%dma_wait3A_506] : memref<512xi32, #tpu.memory_space<vmem>> -> memref<32xi32, #tpu.memory_space<vmem>>
    %dma_wait3A_508 = arith.constant 0 : i32
    %dma_wait3A_509 = arith.constant 0 : i32
    %dma_wait3A_510 = tpu.memref_slice %arg2[%dma_wait3A_508, %dma_wait3A_509] : memref<16384x1024xf32, #tpu.memory_space<hbm>> -> memref<16384x1024xf32, #tpu.memory_space<hbm>>
    tpu.wait_indirect_dma semaphore(%arg9 : memref<!tpu.dma_semaphore, #tpu.memory_space<semaphore_mem>>) src(%dma_wait3A_510 : memref<16384x1024xf32, #tpu.memory_space<hbm>>) dst(%arg7 : memref<32x1024xf32, #tpu.memory_space<vmem>>)
    %add3A_511 = arith.constant 320 : i32
    %add3A_512 = arith.addi %mul3A_32, %add3A_511 : i32
    %sub3A_513 = arith.subi %select_n3A_86, %add3A_512 : i32
    %jit3A_514 = arith.constant 0 : i32
    %jit3A_515 = arith.constant 32 : i32
    %max3A_516 = arith.maxsi %jit3A_514, %sub3A_513 : i32
    %min3A_517 = arith.minsi %jit3A_515, %max3A_516 : i32
    %while3A_518 = arith.constant 0 : i32
    %while3A_519 = arith.constant 0 : i32
    %while3A_520 = arith.subi %min3A_517, %while3A_518 : i32
    %while3A_521 = arith.addi %while3A_518, %while3A_520 : i32
    %while3A_522 = arith.constant 1 : i32
    %while3A_523 = arith.divsi %while3A_520, %while3A_522 : i32
    %while3A_524 = arith.muli %while3A_523, %while3A_522 : i32
    %while3A_525 = arith.addi %while3A_518, %while3A_524 : i32
    %while3A_526 = arith.constant 1 : i32
    %while3A_527 = scf.for %while3A_757 = %while3A_518 to %while3A_525 step %while3A_526 iter_args(%while3A_758 = %while3A_519) -> (i32)  : i32 {
      %scan3A_759 = arith.constant 0 : i32
      %scan3A_760 = arith.constant 0 : i32
      %scan3A_761 = arith.constant 64 : i32
      %scan3A_762 = arith.addi %scan3A_760, %scan3A_761 : i32
      %scan3A_763 = arith.constant 1 : i32
      %scan3A_764 = scf.for %scan3A_766 = %scan3A_760 to %scan3A_762 step %scan3A_763 iter_args(%scan3A_767 = %scan3A_759) -> (i32)  : i32 {
        %mul3A_768 = arith.constant 16 : i32
        %mul3A_769 = arith.muli %scan3A_766, %mul3A_768 : i32
        %swap3A = arith.index_cast %while3A_757 : i32 to index
        %swap3A_770 = arith.index_cast %mul3A_769 : i32 to index
        %swap3A_771 = tpu.vector_load %arg7[%swap3A, %swap3A_770] {strides = array<i32>} : memref<32x1024xf32, #tpu.memory_space<vmem>>, vector<16xf32>,
        tpu.vector_store %arg7[%swap3A, %swap3A_770], %broadcast_in_dim3A_88 {strides = array<i32>} : memref<32x1024xf32, #tpu.memory_space<vmem>>, vector<16xf32>,
        %scan3A_772 = arith.constant 0 : i32
        scf.yield %scan3A_772 : i32
      }
      %scan3A_765 = arith.constant 64 : i32
      scf.yield %scan3A_764 : i32
    }
    %while3A_528 = arith.constant 1 : i32
    %while3A_529 = scf.for %while3A_757 = %while3A_525 to %while3A_521 step %while3A_528 iter_args(%while3A_758 = %while3A_527) -> (i32)  : i32 {
      %scan3A_759 = arith.constant 0 : i32
      %scan3A_760 = arith.constant 0 : i32
      %scan3A_761 = arith.constant 64 : i32
      %scan3A_762 = arith.addi %scan3A_760, %scan3A_761 : i32
      %scan3A_763 = arith.constant 1 : i32
      %scan3A_764 = scf.for %scan3A_766 = %scan3A_760 to %scan3A_762 step %scan3A_763 iter_args(%scan3A_767 = %scan3A_759) -> (i32)  : i32 {
        %mul3A_768 = arith.constant 16 : i32
        %mul3A_769 = arith.muli %scan3A_766, %mul3A_768 : i32
        %swap3A = arith.index_cast %while3A_757 : i32 to index
        %swap3A_770 = arith.index_cast %mul3A_769 : i32 to index
        %swap3A_771 = tpu.vector_load %arg7[%swap3A, %swap3A_770] {strides = array<i32>} : memref<32x1024xf32, #tpu.memory_space<vmem>>, vector<16xf32>,
        tpu.vector_store %arg7[%swap3A, %swap3A_770], %broadcast_in_dim3A_88 {strides = array<i32>} : memref<32x1024xf32, #tpu.memory_space<vmem>>, vector<16xf32>,
        %scan3A_772 = arith.constant 0 : i32
        scf.yield %scan3A_772 : i32
      }
      %scan3A_765 = arith.constant 64 : i32
      scf.yield %scan3A_764 : i32
    }
    %mul3A_530 = arith.constant 2048 : i32
    %mul3A_531 = arith.muli %select_n3A, %mul3A_530 : i32
    %add3A_532 = arith.addi %mul3A_531, %mul3A_32 : i32
    %add3A_533 = arith.constant 320 : i32
    %add3A_534 = arith.addi %add3A_532, %add3A_533 : i32
    %dma_start3A_535 = arith.constant 0 : i32
    %dma_start3A_536 = tpu.memref_slice %arg4[%add3A_534, %dma_start3A_535] : memref<16384x1024xf32, #tpu.memory_space<hbm>> -> memref<32x1024xf32, #tpu.memory_space<hbm>>
    %dma_start3A_537 = arith.constant 0 : i32
    %dma_start3A_538 = tpu.memref_slice %arg4[%add3A_534, %dma_start3A_537] : memref<16384x1024xf32, #tpu.memory_space<hbm>> -> memref<32x1024xf32, #tpu.memory_space<hbm>>
    tpu.enqueue_dma source(%arg7 : memref<32x1024xf32, #tpu.memory_space<vmem>>) target(%dma_start3A_538 : memref<32x1024xf32, #tpu.memory_space<hbm>>) target_semaphore(%arg11 : memref<!tpu.dma_semaphore, #tpu.memory_space<semaphore_mem>>)
    %dma_wait3A_539 = arith.constant 0 : i32
    %dma_wait3A_540 = tpu.memref_slice %arg4[%add3A_492, %dma_wait3A_539] : memref<16384x1024xf32, #tpu.memory_space<hbm>> -> memref<32x1024xf32, #tpu.memory_space<hbm>>
    %dma_wait3A_541 = arith.constant 0 : i32
    %dma_wait3A_542 = tpu.memref_slice %arg4[%add3A_492, %dma_wait3A_541] : memref<16384x1024xf32, #tpu.memory_space<hbm>> -> memref<32x1024xf32, #tpu.memory_space<hbm>>
    tpu.wait_dma2 semaphore(%arg12 : memref<!tpu.dma_semaphore, #tpu.memory_space<semaphore_mem>>) src(%arg8 : memref<32x1024xf32, #tpu.memory_space<vmem>>) dst(%dma_wait3A_542 : memref<32x1024xf32, #tpu.memory_space<hbm>>)
    %dma_start3A_543 = arith.constant 352 : i32
    %dma_start3A_544 = tpu.memref_slice %arg6[%dma_start3A_543] : memref<512xi32, #tpu.memory_space<vmem>> -> memref<32xi32, #tpu.memory_space<vmem>>
    %dma_start3A_545 = arith.constant 0 : i32
    %dma_start3A_546 = arith.constant 0 : i32
    %dma_start3A_547 = tpu.memref_slice %arg2[%dma_start3A_545, %dma_start3A_546] : memref<16384x1024xf32, #tpu.memory_space<hbm>> -> memref<16384x1024xf32, #tpu.memory_space<hbm>>
    tpu.enqueue_indirect_dma source(%dma_start3A_547 : memref<16384x1024xf32, #tpu.memory_space<hbm>>) target(%arg8 : memref<32x1024xf32, #tpu.memory_space<vmem>>) offsets(%dma_start3A_544 : memref<32xi32, #tpu.memory_space<vmem>>) semaphore(%arg10 : memref<!tpu.dma_semaphore, #tpu.memory_space<semaphore_mem>>)
    %dma_wait3A_548 = arith.constant 352 : i32
    %dma_wait3A_549 = tpu.memref_slice %arg6[%dma_wait3A_548] : memref<512xi32, #tpu.memory_space<vmem>> -> memref<32xi32, #tpu.memory_space<vmem>>
    %dma_wait3A_550 = arith.constant 0 : i32
    %dma_wait3A_551 = arith.constant 0 : i32
    %dma_wait3A_552 = tpu.memref_slice %arg2[%dma_wait3A_550, %dma_wait3A_551] : memref<16384x1024xf32, #tpu.memory_space<hbm>> -> memref<16384x1024xf32, #tpu.memory_space<hbm>>
    tpu.wait_indirect_dma semaphore(%arg10 : memref<!tpu.dma_semaphore, #tpu.memory_space<semaphore_mem>>) src(%dma_wait3A_552 : memref<16384x1024xf32, #tpu.memory_space<hbm>>) dst(%arg8 : memref<32x1024xf32, #tpu.memory_space<vmem>>)
    %add3A_553 = arith.constant 352 : i32
    %add3A_554 = arith.addi %mul3A_32, %add3A_553 : i32
    %sub3A_555 = arith.subi %select_n3A_86, %add3A_554 : i32
    %jit3A_556 = arith.constant 0 : i32
    %jit3A_557 = arith.constant 32 : i32
    %max3A_558 = arith.maxsi %jit3A_556, %sub3A_555 : i32
    %min3A_559 = arith.minsi %jit3A_557, %max3A_558 : i32
    %while3A_560 = arith.constant 0 : i32
    %while3A_561 = arith.constant 0 : i32
    %while3A_562 = arith.subi %min3A_559, %while3A_560 : i32
    %while3A_563 = arith.addi %while3A_560, %while3A_562 : i32
    %while3A_564 = arith.constant 1 : i32
    %while3A_565 = arith.divsi %while3A_562, %while3A_564 : i32
    %while3A_566 = arith.muli %while3A_565, %while3A_564 : i32
    %while3A_567 = arith.addi %while3A_560, %while3A_566 : i32
    %while3A_568 = arith.constant 1 : i32
    %while3A_569 = scf.for %while3A_757 = %while3A_560 to %while3A_567 step %while3A_568 iter_args(%while3A_758 = %while3A_561) -> (i32)  : i32 {
      %scan3A_759 = arith.constant 0 : i32
      %scan3A_760 = arith.constant 0 : i32
      %scan3A_761 = arith.constant 64 : i32
      %scan3A_762 = arith.addi %scan3A_760, %scan3A_761 : i32
      %scan3A_763 = arith.constant 1 : i32
      %scan3A_764 = scf.for %scan3A_766 = %scan3A_760 to %scan3A_762 step %scan3A_763 iter_args(%scan3A_767 = %scan3A_759) -> (i32)  : i32 {
        %mul3A_768 = arith.constant 16 : i32
        %mul3A_769 = arith.muli %scan3A_766, %mul3A_768 : i32
        %swap3A = arith.index_cast %while3A_757 : i32 to index
        %swap3A_770 = arith.index_cast %mul3A_769 : i32 to index
        %swap3A_771 = tpu.vector_load %arg8[%swap3A, %swap3A_770] {strides = array<i32>} : memref<32x1024xf32, #tpu.memory_space<vmem>>, vector<16xf32>,
        tpu.vector_store %arg8[%swap3A, %swap3A_770], %broadcast_in_dim3A_88 {strides = array<i32>} : memref<32x1024xf32, #tpu.memory_space<vmem>>, vector<16xf32>,
        %scan3A_772 = arith.constant 0 : i32
        scf.yield %scan3A_772 : i32
      }
      %scan3A_765 = arith.constant 64 : i32
      scf.yield %scan3A_764 : i32
    }
    %while3A_570 = arith.constant 1 : i32
    %while3A_571 = scf.for %while3A_757 = %while3A_567 to %while3A_563 step %while3A_570 iter_args(%while3A_758 = %while3A_569) -> (i32)  : i32 {
      %scan3A_759 = arith.constant 0 : i32
      %scan3A_760 = arith.constant 0 : i32
      %scan3A_761 = arith.constant 64 : i32
      %scan3A_762 = arith.addi %scan3A_760, %scan3A_761 : i32
      %scan3A_763 = arith.constant 1 : i32
      %scan3A_764 = scf.for %scan3A_766 = %scan3A_760 to %scan3A_762 step %scan3A_763 iter_args(%scan3A_767 = %scan3A_759) -> (i32)  : i32 {
        %mul3A_768 = arith.constant 16 : i32
        %mul3A_769 = arith.muli %scan3A_766, %mul3A_768 : i32
        %swap3A = arith.index_cast %while3A_757 : i32 to index
        %swap3A_770 = arith.index_cast %mul3A_769 : i32 to index
        %swap3A_771 = tpu.vector_load %arg8[%swap3A, %swap3A_770] {strides = array<i32>} : memref<32x1024xf32, #tpu.memory_space<vmem>>, vector<16xf32>,
        tpu.vector_store %arg8[%swap3A, %swap3A_770], %broadcast_in_dim3A_88 {strides = array<i32>} : memref<32x1024xf32, #tpu.memory_space<vmem>>, vector<16xf32>,
        %scan3A_772 = arith.constant 0 : i32
        scf.yield %scan3A_772 : i32
      }
      %scan3A_765 = arith.constant 64 : i32
      scf.yield %scan3A_764 : i32
    }
    %mul3A_572 = arith.constant 2048 : i32
    %mul3A_573 = arith.muli %select_n3A, %mul3A_572 : i32
    %add3A_574 = arith.addi %mul3A_573, %mul3A_32 : i32
    %add3A_575 = arith.constant 352 : i32
    %add3A_576 = arith.addi %add3A_574, %add3A_575 : i32
    %dma_start3A_577 = arith.constant 0 : i32
    %dma_start3A_578 = tpu.memref_slice %arg4[%add3A_576, %dma_start3A_577] : memref<16384x1024xf32, #tpu.memory_space<hbm>> -> memref<32x1024xf32, #tpu.memory_space<hbm>>
    %dma_start3A_579 = arith.constant 0 : i32
    %dma_start3A_580 = tpu.memref_slice %arg4[%add3A_576, %dma_start3A_579] : memref<16384x1024xf32, #tpu.memory_space<hbm>> -> memref<32x1024xf32, #tpu.memory_space<hbm>>
    tpu.enqueue_dma source(%arg8 : memref<32x1024xf32, #tpu.memory_space<vmem>>) target(%dma_start3A_580 : memref<32x1024xf32, #tpu.memory_space<hbm>>) target_semaphore(%arg12 : memref<!tpu.dma_semaphore, #tpu.memory_space<semaphore_mem>>)
    %dma_wait3A_581 = arith.constant 0 : i32
    %dma_wait3A_582 = tpu.memref_slice %arg4[%add3A_534, %dma_wait3A_581] : memref<16384x1024xf32, #tpu.memory_space<hbm>> -> memref<32x1024xf32, #tpu.memory_space<hbm>>
    %dma_wait3A_583 = arith.constant 0 : i32
    %dma_wait3A_584 = tpu.memref_slice %arg4[%add3A_534, %dma_wait3A_583] : memref<16384x1024xf32, #tpu.memory_space<hbm>> -> memref<32x1024xf32, #tpu.memory_space<hbm>>
    tpu.wait_dma2 semaphore(%arg11 : memref<!tpu.dma_semaphore, #tpu.memory_space<semaphore_mem>>) src(%arg7 : memref<32x1024xf32, #tpu.memory_space<vmem>>) dst(%dma_wait3A_584 : memref<32x1024xf32, #tpu.memory_space<hbm>>)
    %dma_start3A_585 = arith.constant 384 : i32
    %dma_start3A_586 = tpu.memref_slice %arg6[%dma_start3A_585] : memref<512xi32, #tpu.memory_space<vmem>> -> memref<32xi32, #tpu.memory_space<vmem>>
    %dma_start3A_587 = arith.constant 0 : i32
    %dma_start3A_588 = arith.constant 0 : i32
    %dma_start3A_589 = tpu.memref_slice %arg2[%dma_start3A_587, %dma_start3A_588] : memref<16384x1024xf32, #tpu.memory_space<hbm>> -> memref<16384x1024xf32, #tpu.memory_space<hbm>>
    tpu.enqueue_indirect_dma source(%dma_start3A_589 : memref<16384x1024xf32, #tpu.memory_space<hbm>>) target(%arg7 : memref<32x1024xf32, #tpu.memory_space<vmem>>) offsets(%dma_start3A_586 : memref<32xi32, #tpu.memory_space<vmem>>) semaphore(%arg9 : memref<!tpu.dma_semaphore, #tpu.memory_space<semaphore_mem>>)
    %dma_wait3A_590 = arith.constant 384 : i32
    %dma_wait3A_591 = tpu.memref_slice %arg6[%dma_wait3A_590] : memref<512xi32, #tpu.memory_space<vmem>> -> memref<32xi32, #tpu.memory_space<vmem>>
    %dma_wait3A_592 = arith.constant 0 : i32
    %dma_wait3A_593 = arith.constant 0 : i32
    %dma_wait3A_594 = tpu.memref_slice %arg2[%dma_wait3A_592, %dma_wait3A_593] : memref<16384x1024xf32, #tpu.memory_space<hbm>> -> memref<16384x1024xf32, #tpu.memory_space<hbm>>
    tpu.wait_indirect_dma semaphore(%arg9 : memref<!tpu.dma_semaphore, #tpu.memory_space<semaphore_mem>>) src(%dma_wait3A_594 : memref<16384x1024xf32, #tpu.memory_space<hbm>>) dst(%arg7 : memref<32x1024xf32, #tpu.memory_space<vmem>>)
    %add3A_595 = arith.constant 384 : i32
    %add3A_596 = arith.addi %mul3A_32, %add3A_595 : i32
    %sub3A_597 = arith.subi %select_n3A_86, %add3A_596 : i32
    %jit3A_598 = arith.constant 0 : i32
    %jit3A_599 = arith.constant 32 : i32
    %max3A_600 = arith.maxsi %jit3A_598, %sub3A_597 : i32
    %min3A_601 = arith.minsi %jit3A_599, %max3A_600 : i32
    %while3A_602 = arith.constant 0 : i32
    %while3A_603 = arith.constant 0 : i32
    %while3A_604 = arith.subi %min3A_601, %while3A_602 : i32
    %while3A_605 = arith.addi %while3A_602, %while3A_604 : i32
    %while3A_606 = arith.constant 1 : i32
    %while3A_607 = arith.divsi %while3A_604, %while3A_606 : i32
    %while3A_608 = arith.muli %while3A_607, %while3A_606 : i32
    %while3A_609 = arith.addi %while3A_602, %while3A_608 : i32
    %while3A_610 = arith.constant 1 : i32
    %while3A_611 = scf.for %while3A_757 = %while3A_602 to %while3A_609 step %while3A_610 iter_args(%while3A_758 = %while3A_603) -> (i32)  : i32 {
      %scan3A_759 = arith.constant 0 : i32
      %scan3A_760 = arith.constant 0 : i32
      %scan3A_761 = arith.constant 64 : i32
      %scan3A_762 = arith.addi %scan3A_760, %scan3A_761 : i32
      %scan3A_763 = arith.constant 1 : i32
      %scan3A_764 = scf.for %scan3A_766 = %scan3A_760 to %scan3A_762 step %scan3A_763 iter_args(%scan3A_767 = %scan3A_759) -> (i32)  : i32 {
        %mul3A_768 = arith.constant 16 : i32
        %mul3A_769 = arith.muli %scan3A_766, %mul3A_768 : i32
        %swap3A = arith.index_cast %while3A_757 : i32 to index
        %swap3A_770 = arith.index_cast %mul3A_769 : i32 to index
        %swap3A_771 = tpu.vector_load %arg7[%swap3A, %swap3A_770] {strides = array<i32>} : memref<32x1024xf32, #tpu.memory_space<vmem>>, vector<16xf32>,
        tpu.vector_store %arg7[%swap3A, %swap3A_770], %broadcast_in_dim3A_88 {strides = array<i32>} : memref<32x1024xf32, #tpu.memory_space<vmem>>, vector<16xf32>,
        %scan3A_772 = arith.constant 0 : i32
        scf.yield %scan3A_772 : i32
      }
      %scan3A_765 = arith.constant 64 : i32
      scf.yield %scan3A_764 : i32
    }
    %while3A_612 = arith.constant 1 : i32
    %while3A_613 = scf.for %while3A_757 = %while3A_609 to %while3A_605 step %while3A_612 iter_args(%while3A_758 = %while3A_611) -> (i32)  : i32 {
      %scan3A_759 = arith.constant 0 : i32
      %scan3A_760 = arith.constant 0 : i32
      %scan3A_761 = arith.constant 64 : i32
      %scan3A_762 = arith.addi %scan3A_760, %scan3A_761 : i32
      %scan3A_763 = arith.constant 1 : i32
      %scan3A_764 = scf.for %scan3A_766 = %scan3A_760 to %scan3A_762 step %scan3A_763 iter_args(%scan3A_767 = %scan3A_759) -> (i32)  : i32 {
        %mul3A_768 = arith.constant 16 : i32
        %mul3A_769 = arith.muli %scan3A_766, %mul3A_768 : i32
        %swap3A = arith.index_cast %while3A_757 : i32 to index
        %swap3A_770 = arith.index_cast %mul3A_769 : i32 to index
        %swap3A_771 = tpu.vector_load %arg7[%swap3A, %swap3A_770] {strides = array<i32>} : memref<32x1024xf32, #tpu.memory_space<vmem>>, vector<16xf32>,
        tpu.vector_store %arg7[%swap3A, %swap3A_770], %broadcast_in_dim3A_88 {strides = array<i32>} : memref<32x1024xf32, #tpu.memory_space<vmem>>, vector<16xf32>,
        %scan3A_772 = arith.constant 0 : i32
        scf.yield %scan3A_772 : i32
      }
      %scan3A_765 = arith.constant 64 : i32
      scf.yield %scan3A_764 : i32
    }
    %mul3A_614 = arith.constant 2048 : i32
    %mul3A_615 = arith.muli %select_n3A, %mul3A_614 : i32
    %add3A_616 = arith.addi %mul3A_615, %mul3A_32 : i32
    %add3A_617 = arith.constant 384 : i32
    %add3A_618 = arith.addi %add3A_616, %add3A_617 : i32
    %dma_start3A_619 = arith.constant 0 : i32
    %dma_start3A_620 = tpu.memref_slice %arg4[%add3A_618, %dma_start3A_619] : memref<16384x1024xf32, #tpu.memory_space<hbm>> -> memref<32x1024xf32, #tpu.memory_space<hbm>>
    %dma_start3A_621 = arith.constant 0 : i32
    %dma_start3A_622 = tpu.memref_slice %arg4[%add3A_618, %dma_start3A_621] : memref<16384x1024xf32, #tpu.memory_space<hbm>> -> memref<32x1024xf32, #tpu.memory_space<hbm>>
    tpu.enqueue_dma source(%arg7 : memref<32x1024xf32, #tpu.memory_space<vmem>>) target(%dma_start3A_622 : memref<32x1024xf32, #tpu.memory_space<hbm>>) target_semaphore(%arg11 : memref<!tpu.dma_semaphore, #tpu.memory_space<semaphore_mem>>)
    %dma_wait3A_623 = arith.constant 0 : i32
    %dma_wait3A_624 = tpu.memref_slice %arg4[%add3A_576, %dma_wait3A_623] : memref<16384x1024xf32, #tpu.memory_space<hbm>> -> memref<32x1024xf32, #tpu.memory_space<hbm>>
    %dma_wait3A_625 = arith.constant 0 : i32
    %dma_wait3A_626 = tpu.memref_slice %arg4[%add3A_576, %dma_wait3A_625] : memref<16384x1024xf32, #tpu.memory_space<hbm>> -> memref<32x1024xf32, #tpu.memory_space<hbm>>
    tpu.wait_dma2 semaphore(%arg12 : memref<!tpu.dma_semaphore, #tpu.memory_space<semaphore_mem>>) src(%arg8 : memref<32x1024xf32, #tpu.memory_space<vmem>>) dst(%dma_wait3A_626 : memref<32x1024xf32, #tpu.memory_space<hbm>>)
    %dma_start3A_627 = arith.constant 416 : i32
    %dma_start3A_628 = tpu.memref_slice %arg6[%dma_start3A_627] : memref<512xi32, #tpu.memory_space<vmem>> -> memref<32xi32, #tpu.memory_space<vmem>>
    %dma_start3A_629 = arith.constant 0 : i32
    %dma_start3A_630 = arith.constant 0 : i32
    %dma_start3A_631 = tpu.memref_slice %arg2[%dma_start3A_629, %dma_start3A_630] : memref<16384x1024xf32, #tpu.memory_space<hbm>> -> memref<16384x1024xf32, #tpu.memory_space<hbm>>
    tpu.enqueue_indirect_dma source(%dma_start3A_631 : memref<16384x1024xf32, #tpu.memory_space<hbm>>) target(%arg8 : memref<32x1024xf32, #tpu.memory_space<vmem>>) offsets(%dma_start3A_628 : memref<32xi32, #tpu.memory_space<vmem>>) semaphore(%arg10 : memref<!tpu.dma_semaphore, #tpu.memory_space<semaphore_mem>>)
    %dma_wait3A_632 = arith.constant 416 : i32
    %dma_wait3A_633 = tpu.memref_slice %arg6[%dma_wait3A_632] : memref<512xi32, #tpu.memory_space<vmem>> -> memref<32xi32, #tpu.memory_space<vmem>>
    %dma_wait3A_634 = arith.constant 0 : i32
    %dma_wait3A_635 = arith.constant 0 : i32
    %dma_wait3A_636 = tpu.memref_slice %arg2[%dma_wait3A_634, %dma_wait3A_635] : memref<16384x1024xf32, #tpu.memory_space<hbm>> -> memref<16384x1024xf32, #tpu.memory_space<hbm>>
    tpu.wait_indirect_dma semaphore(%arg10 : memref<!tpu.dma_semaphore, #tpu.memory_space<semaphore_mem>>) src(%dma_wait3A_636 : memref<16384x1024xf32, #tpu.memory_space<hbm>>) dst(%arg8 : memref<32x1024xf32, #tpu.memory_space<vmem>>)
    %add3A_637 = arith.constant 416 : i32
    %add3A_638 = arith.addi %mul3A_32, %add3A_637 : i32
    %sub3A_639 = arith.subi %select_n3A_86, %add3A_638 : i32
    %jit3A_640 = arith.constant 0 : i32
    %jit3A_641 = arith.constant 32 : i32
    %max3A_642 = arith.maxsi %jit3A_640, %sub3A_639 : i32
    %min3A_643 = arith.minsi %jit3A_641, %max3A_642 : i32
    %while3A_644 = arith.constant 0 : i32
    %while3A_645 = arith.constant 0 : i32
    %while3A_646 = arith.subi %min3A_643, %while3A_644 : i32
    %while3A_647 = arith.addi %while3A_644, %while3A_646 : i32
    %while3A_648 = arith.constant 1 : i32
    %while3A_649 = arith.divsi %while3A_646, %while3A_648 : i32
    %while3A_650 = arith.muli %while3A_649, %while3A_648 : i32
    %while3A_651 = arith.addi %while3A_644, %while3A_650 : i32
    %while3A_652 = arith.constant 1 : i32
    %while3A_653 = scf.for %while3A_757 = %while3A_644 to %while3A_651 step %while3A_652 iter_args(%while3A_758 = %while3A_645) -> (i32)  : i32 {
      %scan3A_759 = arith.constant 0 : i32
      %scan3A_760 = arith.constant 0 : i32
      %scan3A_761 = arith.constant 64 : i32
      %scan3A_762 = arith.addi %scan3A_760, %scan3A_761 : i32
      %scan3A_763 = arith.constant 1 : i32
      %scan3A_764 = scf.for %scan3A_766 = %scan3A_760 to %scan3A_762 step %scan3A_763 iter_args(%scan3A_767 = %scan3A_759) -> (i32)  : i32 {
        %mul3A_768 = arith.constant 16 : i32
        %mul3A_769 = arith.muli %scan3A_766, %mul3A_768 : i32
        %swap3A = arith.index_cast %while3A_757 : i32 to index
        %swap3A_770 = arith.index_cast %mul3A_769 : i32 to index
        %swap3A_771 = tpu.vector_load %arg8[%swap3A, %swap3A_770] {strides = array<i32>} : memref<32x1024xf32, #tpu.memory_space<vmem>>, vector<16xf32>,
        tpu.vector_store %arg8[%swap3A, %swap3A_770], %broadcast_in_dim3A_88 {strides = array<i32>} : memref<32x1024xf32, #tpu.memory_space<vmem>>, vector<16xf32>,
        %scan3A_772 = arith.constant 0 : i32
        scf.yield %scan3A_772 : i32
      }
      %scan3A_765 = arith.constant 64 : i32
      scf.yield %scan3A_764 : i32
    }
    %while3A_654 = arith.constant 1 : i32
    %while3A_655 = scf.for %while3A_757 = %while3A_651 to %while3A_647 step %while3A_654 iter_args(%while3A_758 = %while3A_653) -> (i32)  : i32 {
      %scan3A_759 = arith.constant 0 : i32
      %scan3A_760 = arith.constant 0 : i32
      %scan3A_761 = arith.constant 64 : i32
      %scan3A_762 = arith.addi %scan3A_760, %scan3A_761 : i32
      %scan3A_763 = arith.constant 1 : i32
      %scan3A_764 = scf.for %scan3A_766 = %scan3A_760 to %scan3A_762 step %scan3A_763 iter_args(%scan3A_767 = %scan3A_759) -> (i32)  : i32 {
        %mul3A_768 = arith.constant 16 : i32
        %mul3A_769 = arith.muli %scan3A_766, %mul3A_768 : i32
        %swap3A = arith.index_cast %while3A_757 : i32 to index
        %swap3A_770 = arith.index_cast %mul3A_769 : i32 to index
        %swap3A_771 = tpu.vector_load %arg8[%swap3A, %swap3A_770] {strides = array<i32>} : memref<32x1024xf32, #tpu.memory_space<vmem>>, vector<16xf32>,
        tpu.vector_store %arg8[%swap3A, %swap3A_770], %broadcast_in_dim3A_88 {strides = array<i32>} : memref<32x1024xf32, #tpu.memory_space<vmem>>, vector<16xf32>,
        %scan3A_772 = arith.constant 0 : i32
        scf.yield %scan3A_772 : i32
      }
      %scan3A_765 = arith.constant 64 : i32
      scf.yield %scan3A_764 : i32
    }
    %mul3A_656 = arith.constant 2048 : i32
    %mul3A_657 = arith.muli %select_n3A, %mul3A_656 : i32
    %add3A_658 = arith.addi %mul3A_657, %mul3A_32 : i32
    %add3A_659 = arith.constant 416 : i32
    %add3A_660 = arith.addi %add3A_658, %add3A_659 : i32
    %dma_start3A_661 = arith.constant 0 : i32
    %dma_start3A_662 = tpu.memref_slice %arg4[%add3A_660, %dma_start3A_661] : memref<16384x1024xf32, #tpu.memory_space<hbm>> -> memref<32x1024xf32, #tpu.memory_space<hbm>>
    %dma_start3A_663 = arith.constant 0 : i32
    %dma_start3A_664 = tpu.memref_slice %arg4[%add3A_660, %dma_start3A_663] : memref<16384x1024xf32, #tpu.memory_space<hbm>> -> memref<32x1024xf32, #tpu.memory_space<hbm>>
    tpu.enqueue_dma source(%arg8 : memref<32x1024xf32, #tpu.memory_space<vmem>>) target(%dma_start3A_664 : memref<32x1024xf32, #tpu.memory_space<hbm>>) target_semaphore(%arg12 : memref<!tpu.dma_semaphore, #tpu.memory_space<semaphore_mem>>)
    %dma_wait3A_665 = arith.constant 0 : i32
    %dma_wait3A_666 = tpu.memref_slice %arg4[%add3A_618, %dma_wait3A_665] : memref<16384x1024xf32, #tpu.memory_space<hbm>> -> memref<32x1024xf32, #tpu.memory_space<hbm>>
    %dma_wait3A_667 = arith.constant 0 : i32
    %dma_wait3A_668 = tpu.memref_slice %arg4[%add3A_618, %dma_wait3A_667] : memref<16384x1024xf32, #tpu.memory_space<hbm>> -> memref<32x1024xf32, #tpu.memory_space<hbm>>
    tpu.wait_dma2 semaphore(%arg11 : memref<!tpu.dma_semaphore, #tpu.memory_space<semaphore_mem>>) src(%arg7 : memref<32x1024xf32, #tpu.memory_space<vmem>>) dst(%dma_wait3A_668 : memref<32x1024xf32, #tpu.memory_space<hbm>>)
    %dma_start3A_669 = arith.constant 448 : i32
    %dma_start3A_670 = tpu.memref_slice %arg6[%dma_start3A_669] : memref<512xi32, #tpu.memory_space<vmem>> -> memref<32xi32, #tpu.memory_space<vmem>>
    %dma_start3A_671 = arith.constant 0 : i32
    %dma_start3A_672 = arith.constant 0 : i32
    %dma_start3A_673 = tpu.memref_slice %arg2[%dma_start3A_671, %dma_start3A_672] : memref<16384x1024xf32, #tpu.memory_space<hbm>> -> memref<16384x1024xf32, #tpu.memory_space<hbm>>
    tpu.enqueue_indirect_dma source(%dma_start3A_673 : memref<16384x1024xf32, #tpu.memory_space<hbm>>) target(%arg7 : memref<32x1024xf32, #tpu.memory_space<vmem>>) offsets(%dma_start3A_670 : memref<32xi32, #tpu.memory_space<vmem>>) semaphore(%arg9 : memref<!tpu.dma_semaphore, #tpu.memory_space<semaphore_mem>>)
    %dma_wait3A_674 = arith.constant 448 : i32
    %dma_wait3A_675 = tpu.memref_slice %arg6[%dma_wait3A_674] : memref<512xi32, #tpu.memory_space<vmem>> -> memref<32xi32, #tpu.memory_space<vmem>>
    %dma_wait3A_676 = arith.constant 0 : i32
    %dma_wait3A_677 = arith.constant 0 : i32
    %dma_wait3A_678 = tpu.memref_slice %arg2[%dma_wait3A_676, %dma_wait3A_677] : memref<16384x1024xf32, #tpu.memory_space<hbm>> -> memref<16384x1024xf32, #tpu.memory_space<hbm>>
    tpu.wait_indirect_dma semaphore(%arg9 : memref<!tpu.dma_semaphore, #tpu.memory_space<semaphore_mem>>) src(%dma_wait3A_678 : memref<16384x1024xf32, #tpu.memory_space<hbm>>) dst(%arg7 : memref<32x1024xf32, #tpu.memory_space<vmem>>)
    %add3A_679 = arith.constant 448 : i32
    %add3A_680 = arith.addi %mul3A_32, %add3A_679 : i32
    %sub3A_681 = arith.subi %select_n3A_86, %add3A_680 : i32
    %jit3A_682 = arith.constant 0 : i32
    %jit3A_683 = arith.constant 32 : i32
    %max3A_684 = arith.maxsi %jit3A_682, %sub3A_681 : i32
    %min3A_685 = arith.minsi %jit3A_683, %max3A_684 : i32
    %while3A_686 = arith.constant 0 : i32
    %while3A_687 = arith.constant 0 : i32
    %while3A_688 = arith.subi %min3A_685, %while3A_686 : i32
    %while3A_689 = arith.addi %while3A_686, %while3A_688 : i32
    %while3A_690 = arith.constant 1 : i32
    %while3A_691 = arith.divsi %while3A_688, %while3A_690 : i32
    %while3A_692 = arith.muli %while3A_691, %while3A_690 : i32
    %while3A_693 = arith.addi %while3A_686, %while3A_692 : i32
    %while3A_694 = arith.constant 1 : i32
    %while3A_695 = scf.for %while3A_757 = %while3A_686 to %while3A_693 step %while3A_694 iter_args(%while3A_758 = %while3A_687) -> (i32)  : i32 {
      %scan3A_759 = arith.constant 0 : i32
      %scan3A_760 = arith.constant 0 : i32
      %scan3A_761 = arith.constant 64 : i32
      %scan3A_762 = arith.addi %scan3A_760, %scan3A_761 : i32
      %scan3A_763 = arith.constant 1 : i32
      %scan3A_764 = scf.for %scan3A_766 = %scan3A_760 to %scan3A_762 step %scan3A_763 iter_args(%scan3A_767 = %scan3A_759) -> (i32)  : i32 {
        %mul3A_768 = arith.constant 16 : i32
        %mul3A_769 = arith.muli %scan3A_766, %mul3A_768 : i32
        %swap3A = arith.index_cast %while3A_757 : i32 to index
        %swap3A_770 = arith.index_cast %mul3A_769 : i32 to index
        %swap3A_771 = tpu.vector_load %arg7[%swap3A, %swap3A_770] {strides = array<i32>} : memref<32x1024xf32, #tpu.memory_space<vmem>>, vector<16xf32>,
        tpu.vector_store %arg7[%swap3A, %swap3A_770], %broadcast_in_dim3A_88 {strides = array<i32>} : memref<32x1024xf32, #tpu.memory_space<vmem>>, vector<16xf32>,
        %scan3A_772 = arith.constant 0 : i32
        scf.yield %scan3A_772 : i32
      }
      %scan3A_765 = arith.constant 64 : i32
      scf.yield %scan3A_764 : i32
    }
    %while3A_696 = arith.constant 1 : i32
    %while3A_697 = scf.for %while3A_757 = %while3A_693 to %while3A_689 step %while3A_696 iter_args(%while3A_758 = %while3A_695) -> (i32)  : i32 {
      %scan3A_759 = arith.constant 0 : i32
      %scan3A_760 = arith.constant 0 : i32
      %scan3A_761 = arith.constant 64 : i32
      %scan3A_762 = arith.addi %scan3A_760, %scan3A_761 : i32
      %scan3A_763 = arith.constant 1 : i32
      %scan3A_764 = scf.for %scan3A_766 = %scan3A_760 to %scan3A_762 step %scan3A_763 iter_args(%scan3A_767 = %scan3A_759) -> (i32)  : i32 {
        %mul3A_768 = arith.constant 16 : i32
        %mul3A_769 = arith.muli %scan3A_766, %mul3A_768 : i32
        %swap3A = arith.index_cast %while3A_757 : i32 to index
        %swap3A_770 = arith.index_cast %mul3A_769 : i32 to index
        %swap3A_771 = tpu.vector_load %arg7[%swap3A, %swap3A_770] {strides = array<i32>} : memref<32x1024xf32, #tpu.memory_space<vmem>>, vector<16xf32>,
        tpu.vector_store %arg7[%swap3A, %swap3A_770], %broadcast_in_dim3A_88 {strides = array<i32>} : memref<32x1024xf32, #tpu.memory_space<vmem>>, vector<16xf32>,
        %scan3A_772 = arith.constant 0 : i32
        scf.yield %scan3A_772 : i32
      }
      %scan3A_765 = arith.constant 64 : i32
      scf.yield %scan3A_764 : i32
    }
    %mul3A_698 = arith.constant 2048 : i32
    %mul3A_699 = arith.muli %select_n3A, %mul3A_698 : i32
    %add3A_700 = arith.addi %mul3A_699, %mul3A_32 : i32
    %add3A_701 = arith.constant 448 : i32
    %add3A_702 = arith.addi %add3A_700, %add3A_701 : i32
    %dma_start3A_703 = arith.constant 0 : i32
    %dma_start3A_704 = tpu.memref_slice %arg4[%add3A_702, %dma_start3A_703] : memref<16384x1024xf32, #tpu.memory_space<hbm>> -> memref<32x1024xf32, #tpu.memory_space<hbm>>
    %dma_start3A_705 = arith.constant 0 : i32
    %dma_start3A_706 = tpu.memref_slice %arg4[%add3A_702, %dma_start3A_705] : memref<16384x1024xf32, #tpu.memory_space<hbm>> -> memref<32x1024xf32, #tpu.memory_space<hbm>>
    tpu.enqueue_dma source(%arg7 : memref<32x1024xf32, #tpu.memory_space<vmem>>) target(%dma_start3A_706 : memref<32x1024xf32, #tpu.memory_space<hbm>>) target_semaphore(%arg11 : memref<!tpu.dma_semaphore, #tpu.memory_space<semaphore_mem>>)
    %dma_wait3A_707 = arith.constant 0 : i32
    %dma_wait3A_708 = tpu.memref_slice %arg4[%add3A_660, %dma_wait3A_707] : memref<16384x1024xf32, #tpu.memory_space<hbm>> -> memref<32x1024xf32, #tpu.memory_space<hbm>>
    %dma_wait3A_709 = arith.constant 0 : i32
    %dma_wait3A_710 = tpu.memref_slice %arg4[%add3A_660, %dma_wait3A_709] : memref<16384x1024xf32, #tpu.memory_space<hbm>> -> memref<32x1024xf32, #tpu.memory_space<hbm>>
    tpu.wait_dma2 semaphore(%arg12 : memref<!tpu.dma_semaphore, #tpu.memory_space<semaphore_mem>>) src(%arg8 : memref<32x1024xf32, #tpu.memory_space<vmem>>) dst(%dma_wait3A_710 : memref<32x1024xf32, #tpu.memory_space<hbm>>)
    %dma_start3A_711 = arith.constant 480 : i32
    %dma_start3A_712 = tpu.memref_slice %arg6[%dma_start3A_711] : memref<512xi32, #tpu.memory_space<vmem>> -> memref<32xi32, #tpu.memory_space<vmem>>
    %dma_start3A_713 = arith.constant 0 : i32
    %dma_start3A_714 = arith.constant 0 : i32
    %dma_start3A_715 = tpu.memref_slice %arg2[%dma_start3A_713, %dma_start3A_714] : memref<16384x1024xf32, #tpu.memory_space<hbm>> -> memref<16384x1024xf32, #tpu.memory_space<hbm>>
    tpu.enqueue_indirect_dma source(%dma_start3A_715 : memref<16384x1024xf32, #tpu.memory_space<hbm>>) target(%arg8 : memref<32x1024xf32, #tpu.memory_space<vmem>>) offsets(%dma_start3A_712 : memref<32xi32, #tpu.memory_space<vmem>>) semaphore(%arg10 : memref<!tpu.dma_semaphore, #tpu.memory_space<semaphore_mem>>)
    %dma_wait3A_716 = arith.constant 480 : i32
    %dma_wait3A_717 = tpu.memref_slice %arg6[%dma_wait3A_716] : memref<512xi32, #tpu.memory_space<vmem>> -> memref<32xi32, #tpu.memory_space<vmem>>
    %dma_wait3A_718 = arith.constant 0 : i32
    %dma_wait3A_719 = arith.constant 0 : i32
    %dma_wait3A_720 = tpu.memref_slice %arg2[%dma_wait3A_718, %dma_wait3A_719] : memref<16384x1024xf32, #tpu.memory_space<hbm>> -> memref<16384x1024xf32, #tpu.memory_space<hbm>>
    tpu.wait_indirect_dma semaphore(%arg10 : memref<!tpu.dma_semaphore, #tpu.memory_space<semaphore_mem>>) src(%dma_wait3A_720 : memref<16384x1024xf32, #tpu.memory_space<hbm>>) dst(%arg8 : memref<32x1024xf32, #tpu.memory_space<vmem>>)
    %add3A_721 = arith.constant 480 : i32
    %add3A_722 = arith.addi %mul3A_32, %add3A_721 : i32
    %sub3A_723 = arith.subi %select_n3A_86, %add3A_722 : i32
    %jit3A_724 = arith.constant 0 : i32
    %jit3A_725 = arith.constant 32 : i32
    %max3A_726 = arith.maxsi %jit3A_724, %sub3A_723 : i32
    %min3A_727 = arith.minsi %jit3A_725, %max3A_726 : i32
    %while3A_728 = arith.constant 0 : i32
    %while3A_729 = arith.constant 0 : i32
    %while3A_730 = arith.subi %min3A_727, %while3A_728 : i32
    %while3A_731 = arith.addi %while3A_728, %while3A_730 : i32
    %while3A_732 = arith.constant 1 : i32
    %while3A_733 = arith.divsi %while3A_730, %while3A_732 : i32
    %while3A_734 = arith.muli %while3A_733, %while3A_732 : i32
    %while3A_735 = arith.addi %while3A_728, %while3A_734 : i32
    %while3A_736 = arith.constant 1 : i32
    %while3A_737 = scf.for %while3A_757 = %while3A_728 to %while3A_735 step %while3A_736 iter_args(%while3A_758 = %while3A_729) -> (i32)  : i32 {
      %scan3A_759 = arith.constant 0 : i32
      %scan3A_760 = arith.constant 0 : i32
      %scan3A_761 = arith.constant 64 : i32
      %scan3A_762 = arith.addi %scan3A_760, %scan3A_761 : i32
      %scan3A_763 = arith.constant 1 : i32
      %scan3A_764 = scf.for %scan3A_766 = %scan3A_760 to %scan3A_762 step %scan3A_763 iter_args(%scan3A_767 = %scan3A_759) -> (i32)  : i32 {
        %mul3A_768 = arith.constant 16 : i32
        %mul3A_769 = arith.muli %scan3A_766, %mul3A_768 : i32
        %swap3A = arith.index_cast %while3A_757 : i32 to index
        %swap3A_770 = arith.index_cast %mul3A_769 : i32 to index
        %swap3A_771 = tpu.vector_load %arg8[%swap3A, %swap3A_770] {strides = array<i32>} : memref<32x1024xf32, #tpu.memory_space<vmem>>, vector<16xf32>,
        tpu.vector_store %arg8[%swap3A, %swap3A_770], %broadcast_in_dim3A_88 {strides = array<i32>} : memref<32x1024xf32, #tpu.memory_space<vmem>>, vector<16xf32>,
        %scan3A_772 = arith.constant 0 : i32
        scf.yield %scan3A_772 : i32
      }
      %scan3A_765 = arith.constant 64 : i32
      scf.yield %scan3A_764 : i32
    }
    %while3A_738 = arith.constant 1 : i32
    %while3A_739 = scf.for %while3A_757 = %while3A_735 to %while3A_731 step %while3A_738 iter_args(%while3A_758 = %while3A_737) -> (i32)  : i32 {
      %scan3A_759 = arith.constant 0 : i32
      %scan3A_760 = arith.constant 0 : i32
      %scan3A_761 = arith.constant 64 : i32
      %scan3A_762 = arith.addi %scan3A_760, %scan3A_761 : i32
      %scan3A_763 = arith.constant 1 : i32
      %scan3A_764 = scf.for %scan3A_766 = %scan3A_760 to %scan3A_762 step %scan3A_763 iter_args(%scan3A_767 = %scan3A_759) -> (i32)  : i32 {
        %mul3A_768 = arith.constant 16 : i32
        %mul3A_769 = arith.muli %scan3A_766, %mul3A_768 : i32
        %swap3A = arith.index_cast %while3A_757 : i32 to index
        %swap3A_770 = arith.index_cast %mul3A_769 : i32 to index
        %swap3A_771 = tpu.vector_load %arg8[%swap3A, %swap3A_770] {strides = array<i32>} : memref<32x1024xf32, #tpu.memory_space<vmem>>, vector<16xf32>,
        tpu.vector_store %arg8[%swap3A, %swap3A_770], %broadcast_in_dim3A_88 {strides = array<i32>} : memref<32x1024xf32, #tpu.memory_space<vmem>>, vector<16xf32>,
        %scan3A_772 = arith.constant 0 : i32
        scf.yield %scan3A_772 : i32
      }
      %scan3A_765 = arith.constant 64 : i32
      scf.yield %scan3A_764 : i32
    }
    %mul3A_740 = arith.constant 2048 : i32
    %mul3A_741 = arith.muli %select_n3A, %mul3A_740 : i32
    %add3A_742 = arith.addi %mul3A_741, %mul3A_32 : i32
    %add3A_743 = arith.constant 480 : i32
    %add3A_744 = arith.addi %add3A_742, %add3A_743 : i32
    %dma_start3A_745 = arith.constant 0 : i32
    %dma_start3A_746 = tpu.memref_slice %arg4[%add3A_744, %dma_start3A_745] : memref<16384x1024xf32, #tpu.memory_space<hbm>> -> memref<32x1024xf32, #tpu.memory_space<hbm>>
    %dma_start3A_747 = arith.constant 0 : i32
    %dma_start3A_748 = tpu.memref_slice %arg4[%add3A_744, %dma_start3A_747] : memref<16384x1024xf32, #tpu.memory_space<hbm>> -> memref<32x1024xf32, #tpu.memory_space<hbm>>
    tpu.enqueue_dma source(%arg8 : memref<32x1024xf32, #tpu.memory_space<vmem>>) target(%dma_start3A_748 : memref<32x1024xf32, #tpu.memory_space<hbm>>) target_semaphore(%arg12 : memref<!tpu.dma_semaphore, #tpu.memory_space<semaphore_mem>>)
    %dma_wait3A_749 = arith.constant 0 : i32
    %dma_wait3A_750 = tpu.memref_slice %arg4[%add3A_702, %dma_wait3A_749] : memref<16384x1024xf32, #tpu.memory_space<hbm>> -> memref<32x1024xf32, #tpu.memory_space<hbm>>
    %dma_wait3A_751 = arith.constant 0 : i32
    %dma_wait3A_752 = tpu.memref_slice %arg4[%add3A_702, %dma_wait3A_751] : memref<16384x1024xf32, #tpu.memory_space<hbm>> -> memref<32x1024xf32, #tpu.memory_space<hbm>>
    tpu.wait_dma2 semaphore(%arg11 : memref<!tpu.dma_semaphore, #tpu.memory_space<semaphore_mem>>) src(%arg7 : memref<32x1024xf32, #tpu.memory_space<vmem>>) dst(%dma_wait3A_752 : memref<32x1024xf32, #tpu.memory_space<hbm>>)
    %dma_wait3A_753 = arith.constant 0 : i32
    %dma_wait3A_754 = tpu.memref_slice %arg4[%add3A_744, %dma_wait3A_753] : memref<16384x1024xf32, #tpu.memory_space<hbm>> -> memref<32x1024xf32, #tpu.memory_space<hbm>>
    %dma_wait3A_755 = arith.constant 0 : i32
    %dma_wait3A_756 = tpu.memref_slice %arg4[%add3A_744, %dma_wait3A_755] : memref<16384x1024xf32, #tpu.memory_space<hbm>> -> memref<32x1024xf32, #tpu.memory_space<hbm>>
    tpu.wait_dma2 semaphore(%arg12 : memref<!tpu.dma_semaphore, #tpu.memory_space<semaphore_mem>>) src(%arg8 : memref<32x1024xf32, #tpu.memory_space<vmem>>) dst(%dma_wait3A_756 : memref<32x1024xf32, #tpu.memory_space<hbm>>)
    return
  }
}

</mosaic_0001>

<sc_bundles>
// kernel: kernel.3.cloned.1.call-start
scs
__scs_entry_jumppad:
0x0: {  	(pc) =	sbr.rel $0x88, $3  }
0x1: {  	(tag) =	ssettag $0x0;
	lr =	simm.s32 $0x1  }
0x2: {  	[smem:$0x3F9F] =	sst lr;
	_ =	strace $0xD0000000  }
0x3: {  	_ = 	snop  }
0x4: {  	_ = 	snop  }
0x5: {  	_ = 	snop  }
0x6: {  	_ = 	snop  }
0x7: {  	_ = 	snop  }
__scs_overlays_trampoline_lowered:
0x8: {  	[smem:$0x3FAE] =	sst s0  }
0x9: {  	[smem:$0x3FAF] =	sst s1  }
0xa: {  	[smem:$0x3FB0] =	sst s2  }
0xb: {  	[smem:$0x3FB1] =	sst s3  }
0xc: {  	[smem:$0x3FB2] =	sst s4  }
0xd: {  	[smem:$0x3FB3] =	sst s5  }
0xe: {  	[smem:$0x3FB4] =	sst s6  }
0xf: {  	[smem:$0x3FB5] =	sst s7  }
0x10: {  	[smem:$0x3FB6] =	sst s8  }
0x11: {  	[smem:$0x3FB7] =	sst s9;
	s0 =	simm.s32 @!p0 $0x0  }
0x12: {  	s1 =	sld [smem:$0x3F9D];
	s0 =	simm.s32 @p0 $0x1  }
0x13: {  	[smem:$0x3FB8] =	sst s0;
	s0 =	simm.s32 @!p1 $0x0  }
0x14: {  	s2 =	sld [smem:$0x3F9C];
	s0 =	simm.s32 @p1 $0x1  }
0x15: {  	[smem:$0x3FB9] =	sst s0;
	s0 =	simm.s32 @!p2 $0x0  }
0x16: {  	s3 =	sld [smem:$0x3FDB];
	s0 =	simm.s32 @p2 $0x1  }
0x17: {  	s4 =	simm.s32 $0x1BF5;
	[smem:$0x3FBB] =	sst s0  }
0x18: {  	s0 =	sld [smem:$0x3F9E];
	_ =	swait.ge [sflag:s4], $0x0  }
0x19: {  	s7 =	sld [smem:$0x3F9F]  }
0x1a: {  	s8 =	sadd.s32 $0xFFFFE003, lr  }
0x1b: {  	s9 =	sadd.s32 $0xFFFFFEF7, lr;
	s5 =	simm.s32 $0xFFFFFFFF;
	p2 =	slt.u32 s8, $0xFFFFF086  }
0x1c: {  	p1 =	slt.u32 s9, $0xF7A;
	s5 =	simm.s32 @!p2 $0x0  }
0x1d: {  	s5 =	simm.s32 @p1 $0x1;
	p0 =	seq.s32 s7, s2  }
0x1e: {  	s7 =	smul.u32 @!p0 $0xF7A, s2;
	p2 =	seq.s32 @!p0 s5, $0x0  }
0x1f: {  	s9 =	smul.u32 $0xF7A, s1;
	s8 =	simm.s32 @!p0 $0x1BF5;
	p2 =	por !p2, p0  }
0x20: {  	[sflag:s8] =	ssyncset.s32 @!p0 $0xFFFFF086;
	s6 =	sadd.s32 @!p0 s3, s7;
	s7 =	simm.s32 @!p0 $0x108  }
0x21: {  	s3 =	sadd.s32 s3, s9;
	s6 =	sadd.s32 @!p0 $0x88, s6;
	s7 =	simm.s32 @p2 $0x1082  }
0x22: {  	[simem:s7], [sflag:s8] =	dma.local @!p0 [hbm:s6], $0xF7A  }
0x23: {  	s9 =	sor.u32 $0xD0000000, s2;
	s6 =	simm.s32 $0x108;
	_ =	swait.ge @!p0 [sflag:s8], $0x0  }
0x24: {  	s3 =	sadd.s32 $0x88, s3;
	s6 =	simm.s32 @!p1 $0x1082;
	[sflag:s4] =	ssyncset.s32 $0xFFFFF086  }
0x25: {  	[simem:s6], [sflag:s4] =	dma.local [hbm:s3], $0xF7A  }
0x26: {  	[smem:$0x3F9F] =	sst s1;
	(tag) =	ssettag s2;
	_ =	strace s9  }
0x27: {  	s1 =	sld [smem:$0x3FAF]  }
0x28: {  	s2 =	sld [smem:$0x3FB0]  }
0x29: {  	s4 =	sld [smem:$0x3FB2]  }
0x2a: {  	p0 =	seq.s32 s5, $0x0;
	s5 =	sld [smem:$0x3FB3]  }
0x2b: {  	s6 =	sld [smem:$0x3FB4]  }
0x2c: {  	s7 =	sld [smem:$0x3FB5]  }
0x2d: {  	s3 =	simm.s32 $0x108;
	s8 =	sld [smem:$0x3FB6]  }
0x2e: {  	s3 =	simm.s32 @!p0 $0x1082;
	s9 =	sld [smem:$0x3FB7]  }
0x2f: {  	lr =	sadd.s32 s0, s3;
	s0 =	sld [smem:$0x3FAE]  }
0x30: {  	s3 =	sld [smem:$0x3FB1]  }
0x31: {  	[smem:$0x3FBA] =	sst s10  }
0x32: {  	s10 =	sld [smem:$0x3FB8];
	_ =	sdelay $0x3  }
0x33: {  	p0 =	seq.s32 s10, $0x1;
	s10 =	sld [smem:$0x3FBA];
	_ =	sdelay $0x3  }
0x34: {  	[smem:$0x3FBA] =	sst s10  }
0x35: {  	s10 =	sld [smem:$0x3FB9];
	_ =	sdelay $0x3  }
0x36: {  	p1 =	seq.s32 s10, $0x1;
	s10 =	sld [smem:$0x3FBA];
	_ =	sdelay $0x3  }
0x37: {  	[smem:$0x3FBA] =	sst s10  }
0x38: {  	s10 =	sld [smem:$0x3FBB]  }
0x39: {  	_ = 	snop;
	(pc) =	sbr.ind lr, $3  }
0x3a: {  	_ = 	snop  }
0x3b: {  	_ = 	snop  }
0x3c: {  	p2 =	seq.s32 s10, $0x1;
	s10 =	sld [smem:$0x3FBA]  }
0x3d: {  	_ =	shalt  }
0x3e: {  	_ =	shalt  }
0x3f: {  	_ =	shalt  }
0x40: {  	_ =	shalt  }
0x41: {  	_ =	shalt  }
0x42: {  	_ =	shalt  }
0x43: {  	_ =	shalt  }
0x44: {  	_ =	shalt  }
0x45: {  	_ =	shalt  }
0x46: {  	_ =	shalt  }
0x47: {  	_ =	shalt  }
0x48: {  	_ =	shalt  }
0x49: {  	_ =	shalt  }
0x4a: {  	_ =	shalt  }
0x4b: {  	_ =	shalt  }
0x4c: {  	_ =	shalt  }
0x4d: {  	_ =	shalt  }
0x4e: {  	_ =	shalt  }
0x4f: {  	_ =	shalt  }
0x50: {  	_ =	shalt  }
0x51: {  	_ =	shalt  }
0x52: {  	_ =	shalt  }
0x53: {  	_ =	shalt  }
0x54: {  	_ =	shalt  }
0x55: {  	_ =	shalt  }
0x56: {  	_ =	shalt  }
0x57: {  	_ =	shalt  }
0x58: {  	_ =	shalt  }
0x59: {  	_ =	shalt  }
0x5a: {  	_ =	shalt  }
0x5b: {  	_ =	shalt  }
0x5c: {  	_ =	shalt  }
0x5d: {  	_ =	shalt  }
0x5e: {  	_ =	shalt  }
0x5f: {  	_ =	shalt  }
0x60: {  	_ =	shalt  }
0x61: {  	_ =	shalt  }
0x62: {  	_ =	shalt  }
0x63: {  	_ =	shalt  }
0x64: {  	_ =	shalt  }
0x65: {  	_ =	shalt  }
0x66: {  	_ =	shalt  }
0x67: {  	_ =	shalt  }
0x68: {  	_ =	shalt  }
0x69: {  	_ =	shalt  }
0x6a: {  	_ =	shalt  }
0x6b: {  	_ =	shalt  }
0x6c: {  	_ =	shalt  }
0x6d: {  	_ =	shalt  }
0x6e: {  	_ =	shalt  }
0x6f: {  	_ =	shalt  }
0x70: {  	_ =	shalt  }
0x71: {  	_ =	shalt  }
0x72: {  	_ =	shalt  }
0x73: {  	_ =	shalt  }
0x74: {  	_ =	shalt  }
0x75: {  	_ =	shalt  }
0x76: {  	_ =	shalt  }
0x77: {  	_ =	shalt  }
0x78: {  	_ =	shalt  }
0x79: {  	_ =	shalt  }
0x7a: {  	_ =	shalt  }
0x7b: {  	_ =	shalt  }
0x7c: {  	_ =	shalt  }
0x7d: {  	_ =	shalt  }
0x7e: {  	_ =	shalt  }
0x7f: {  	_ =	shalt  }
0x80: {  	_ =	shalt  }
0x81: {  	_ =	shalt  }
0x82: {  	_ =	shalt  }
0x83: {  	_ =	shalt  }
0x84: {  	_ =	shalt  }
0x85: {  	_ =	shalt  }
0x86: {  	_ =	shalt  }
0x87: {  	_ =	shalt  }
.Lfunc_end0:
.L_simem_size_0:
called_computation_lowered:
.L_overlay_start_0:
0x88: {  	s2 =	sld [smem:$0x3FD9]  }
0x89: {  	s3 =	sld [smem:$0x3FFE];
	_ =	sdelay $0x1  }
0x8a: {  	s1 =	srdreg.scid  }
0x8b: {  	s0 =	sand.u32 $0x1, s1  }
0x8c: {  	s17 =	sshll.u32 s0, $0xA;
	s2 =	sadd.s32 s3, s2  }
0x8d: {  	s2 =	sadd.s32 s2, s17  }
0x8e: {  	[smem:$0x3FC6] =	sst s2  }
0x8f: {  	_ = 	snop  }
0x90: {  	s2 =	sld [smem:$0x3FC9]  }
0x91: {  	s18 =	sld [smem:$0x3FD0];
	(tm) =	ssettm $0x1  }
0x92: {  	s4 =	sld [smem:$0x3FFB];
	_ =	sdelay $0x3  }
0x93: {  	_ =	strace s4  }
0x94: {  	s4 =	sld [smem:$0x3FFC];
	_ =	sdelay $0x3  }
0x95: {  	_ =	strace s4  }
0x96: {  	s4 =	sld [smem:$0x3FFD];
	_ =	sdelay $0x3  }
0x97: {  	_ =	strace s4  }
0x98: {  	_ =	strace $0x8FFFFFFF  }
0x99: {  	s19 =	sld [smem:$0x3FDB];
	_ =	sdelay $0x1  }
0x9a: {  	s5 =	simm.s32 $_scs_section_size  }
0x9b: {  	s6 =	simm.s32 $_size__tile_overlayer_lowered;
	s7 =	simm.s32 $_tile_overlayer_lowered  }
0x9c: {  	s22 =	simm.s32 $0x1BFF;
	s21 =	sshll.u32 s7, $0x1;
	s4 =	sadd.s32 s5, s19  }
0x9d: {  	s8 =	simm.s32 $0x0;
	s20 =	sshll.u32 s6, $0x1;
	s6 =	sadd.s32 s21, s4  }
0x9e: {  	[timem:s8], [sflag:s22] =	dma.local [hbm:s6], s20  }
0x9f: {  	_ =	swait.ge [sflag:s22], s20  }
0xa0: {  	s5 =	ssub.s32 $0x0, s20;
	[sflag:s22] =	ssyncset.done $0x0  }
0xa1: {  	[sflag:s22] =	ssyncadd.s32 s5;
	_ =	sdelay $0x1  }
0xa2: {  	s23 =	simm.s32 $0x1B8B  }
0xa3: {  	_ =	swait.ge [sflag:s23], $0x1  }
0xa4: {  	[sflag:s23] =	ssyncset.done $0x0  }
0xa5: {  	s25 =	simm.s32 $0x1B8E;
	s24 =	sld [smem:$0x3FFE];
	[sflag:s23] =	ssyncadd.s32 $0xFFFFFFFF  }
0xa6: {  	s26 =	simm.s32 $execute0_lowered;
	[smem:$0x3FD2] =	sst s25  }
0xa7: {  	s6 =	sshll.u32 s26, $0x1;
	_ =	strace $0x80000046;
	[dreg:$0x1] =	wrdreg $0xFFFFFFFF  }
0xa8: {  	s28 =	simm.s32 $_size_execute0_lowered;
	s4 =	sadd.s32 s4, s6;
	[dreg:$0x0] =	wrdreg $0x0  }
0xa9: {  	s6 =	sshll.u32 s28, $0x1;
	[dreg:$0x2] =	wrdreg s4  }
0xaa: {  	[dreg:$0x3] =	wrdreg s6  }
0xab: {  	[dreg:$0x4] =	wrdreg $0xC0  }
0xac: {  	_ =	task [dreg:s8], $0x5FFFF  }
0xad: {  	[dreg:$0x1] =	wrdreg $0xFFFFFFFF  }
0xae: {  	[dreg:$0x0] =	wrdreg $0x60  }
0xaf: {  	[dreg:$0x2] =	wrdreg s2  }
0xb0: {  	[dreg:$0x3] =	wrdreg s24  }
0xb1: {  	[dreg:$0x4] =	wrdreg s18  }
0xb2: {  	[dreg:$0x5] =	wrdreg $0x9  }
0xb3: {  	_ =	task.clear_ibuf [dreg:s8], $0x6FFFF;
	_ =	strace $0x90000046  }
0xb4: {  	s29 =	simm.s32 $0x9;
	_ =	strace $0x80000048  }
0xb5: {  	_ =	swait.ge [sflag:s29], $0x1  }
0xb6: {  	[sflag:s29] =	ssyncadd.s32 $0xFFFFFFFF  }
0xb7: {  	_ =	strace $0x90000048  }
0xb8: {  	_ =	sfence  }
0xb9: {  	s30 =	sld [smem:$0x0];
	_ =	sdelay $0x2  }
0xba: {  	s31 =	sshll.u32 s1, $0xD;
	s1 =	sshrl.u32 s1, $0x2  }
0xbb: {  	s3 =	sand.u32 $0x4000, s31;
	s1 =	sadd.s32 s1, s30  }
0xbc: {  	s0 =	sor.u32 s3, s0;
	s1 =	sshll.u32 s1, $0x11  }
0xbd: {  	s0 =	sor.u32 s1, s0  }
0xbe: {  	s0 =	sadd.s32 $0x8F2B, s0  }
0xbf: {  	[sflag:s0] =	ssyncadd.remote.s32 $0x1  }
0xc0: {  	_ =	sfence.sel $0xFFFF  }
0xc1: {  	[dreg:$0x0] =	wrdreg $0xFFFFFFFF;
	(pc) =	sbr.abs _section_cstart, $3  }
0xc2: {  	[dreg:$0x1] =	wrdreg $0xFFFFFFFF  }
0xc3: {  	_ =	task.clear_ibuf [dreg:s8], $0x2FFFF;
	_ =	strace $0x9FFFFFFF  }
0xc4: {  	(tm) =	ssettm $0x7FFFFFFF  }
0xc5: {  	_ =	shalt  }
tec
execute0_lowered:
.L_overlay_start_1:
0x0: {  	(tag) =	ssettag $0x1  }
0x1: {  	s1 =	rddreg [dreg:$0x0]  }
0x2: {  	s0 =	rddreg [dreg:$0x1]  }
0x3: {  	s5 =	rddreg [dreg:$0x2];
	s3 =	simm.s32 $0x0  }
0x4: {  	s12 =	stileid.u32;
	s2 =	srdreg.scid;
	s29 =	simm.s32 $0xA00  }
0x5: {  	s28 =	simm.s32 $0xC200;
	[smem:$0x7FF] =	sst s3;
	s4 =	sshll.u32 s12, $0x1  }
0x6: {  	s6 =	sshll.u32 s12, $0xA;
	s9 =	sand.u32 $0x1, s2;
	s4 =	sand.u32 $0x2, s4  }
0x7: {  	_ =	strace $0x80000047;
	s2 =	sand.u32 $0x3800, s6;
	s10 =	sor.u32 s9, s4  }
0x8: {  	s22 =	ssub.s32 $0x2, s9;
	s7 =	sshrl.u32 s2, $0x3;
	s4 =	sshll.u32 s10, $0x9  }
0x9: {  	s8 =	sshrl.u32 s22, $0x1;
	s0 =	sadd.s32 s7, s0;
	s23 =	sor.u32 s2, s4  }
0xa: {  	s11 =	ssub.s32 s22, s8;
	s0 =	sadd.s32 $0x400, s0;
	s24 =	sshll.u32 s23, $0x7  }
0xb: {  	[dreg:$0x4] =	wrdreg s0;
	s13 =	sadd.s32 s5, s24;
	s24 =	smax.u32 s11, $0x1  }
0xc: {  	s30 =	simm.s32 $0xCA00;
	s31 =	simm.s32 $0xD200;
	[dreg:$0x13] =	wrdreg s24  }
0xd: {  	s18 =	sshll.u32 s12, $0x6;
	s0 =	sadd.s32 $0x1000, s13;
	[dreg:$0x5] =	wrdreg s13  }
0xe: {  	s12 =	simm.s32 $0x10200;
	s25 =	sadd.s32 $0x2000, s13;
	[dreg:$0x6] =	wrdreg s0  }
0xf: {  	s6 =	sadd.s32 $0x100, s1;
	s26 =	sadd.s32 $0x3000, s13;
	[dreg:$0x7] =	wrdreg s25  }
0x10: {  	s19 =	sshll.u32 s9, $0x5;
	s5 =	sadd.s32 $0x4000, s13;
	[dreg:$0x8] =	wrdreg s26  }
0x11: {  	s7 =	sadd.s32 $0x200, s1;
	s14 =	sadd.s32 $0x5000, s13;
	[dreg:$0x9] =	wrdreg s5  }
0x12: {  	s8 =	sadd.s32 $0x300, s1;
	s15 =	sadd.s32 $0x6000, s13;
	[dreg:$0xa] =	wrdreg s14  }
0x13: {  	p0 =	seq.s32 s10, $0x0;
	s16 =	sadd.s32 $0x7000, s13;
	[dreg:$0xb] =	wrdreg s15  }
0x14: {  	s10 =	simm.s32 $0xF200;
	s17 =	sadd.s32 $0x8000, s13;
	[dreg:$0xc] =	wrdreg s16  }
0x15: {  	v0 =	vmov s2;
	s2 =	simm.s32 $0xE200;
	s20 =	sadd.s32 $0xA000, s13;
	[dreg:$0xd] =	wrdreg s17  }
0x16: {  	s11 =	simm.s32 $0xFA00;
	s21 =	sadd.s32 $0xB000, s13;
	[dreg:$0xf] =	wrdreg s20  }
0x17: {  	s22 =	sadd.s32 $0xC000, s13;
	s23 =	sadd.s32 $0xD000, s13;
	[dreg:$0x10] =	wrdreg s21  }
0x18: {  	s5 =	sadd.s32 $0x9000, s13;
	s0 =	sand.u32 $0x40, s18;
	[dreg:$0x11] =	wrdreg s22  }
0x19: {  	[dreg:$0x12] =	wrdreg s23;
	s25 =	sadd.s32 $0xE000, s13;
	s26 =	sadd.s32 $0xF000, s13  }
.Ltmp0:
0x1a: {  	s20 =	simm.s32 $0x1;
	s21 =	simm.s32 $0x8A00;
	(pc) =	sbr.rel .LBB2_1-.Ltmp0, $4  }
0x1b: {  	s13 =	simm.s32 $0x2;
	s14 =	simm.s32 $0x3;
	[dreg:$0xe] =	wrdreg s5  }
0x1c: {  	v1 =	vimm.s32 $0x0;
	v4 =	vlaneseq.u32;
	s15 =	simm.s32 $0x4;
	s0 =	sor.u32 s19, s0;
	[dreg:$0x15] =	wrdreg s25  }
0x1d: {  	vm0 =	vmmov $0xffff;
	v5 =	vimm.f32 $0.0e+00;
	v3 =	vshrl.u32 v4, $0x3;
	s16 =	simm.s32 $0x0;
	[dreg:$0x16] =	wrdreg s26;
	s0 =	smax.u32 s0, $0x1  }
0x1e: {  	v2 =	vand.u32 $0x7, v4;
	v4 =	vor.u32 $0x8, v4;
	v3 =	vmul.u32 $0x8, v3;
	s5 =	simm.s32 $0xEA00;
	[dreg:$0x14] =	wrdreg s0;
	s0 =	simm.s32 $0xDA00  }
.LBB2_87:
0x1f: {  	s9 =	rddreg [dreg:$0x16]  }
0x20: {  	[hbm4b:s9+s3] =	stream.linear.scatter [tilespmem:s21], [sflag:$0x4], $0x8000, $0x38;
	[tilespmem:$0x10A00] =	vst v63  }
0x21: {  	_ =	swait.ge [sflag:s14], $0x8000  }
0x22: {  	[sflag:s14] =	ssyncset.done $0x0  }
0x23: {  	[sflag:s14] =	ssyncadd.s32 $0xFFFF8000  }
0x24: {  	_ =	swait.ge [sflag:s15], $0x8000  }
0x25: {  	s16 =	sadd.s32 $0x1, s16;
	s26 =	rddreg [dreg:$0x13]  }
0x26: {  	p1 =	sne.s32 s16, s26  }
.Ltmp1:
0x27: {  	_ = 	snop;
	(pc) =	sbr.rel @!p1 .LBB2_88-.Ltmp1, $3  }
0x28: {  	_ =	sdelay $0x1  }
0x29: {  	[sflag:s15] =	ssyncset.done $0x0  }
0x2a: {  	[sflag:s15] =	ssyncadd.s32 $0xFFFF8000  }
.LBB2_1:
.Ltmp2:
0x2b: {  	s9 =	rddreg [dreg:$0x4];
	s26 =	simm.s32 $0x5;
	(pc) =	sbr.rel @p0 .LBB2_5-.Ltmp2, $4  }
0x2c: {  	[tilespmem:s3], [sflag:$0x5] =	stream.linear.gather [hbm4b:s9+s3], $0x800, $0x38;
	[tilespmem:$0x10A00] =	vst v63  }
0x2d: {  	_ =	swait.ge [sflag:s26], $0x800  }
0x2e: {  	[sflag:s26] =	ssyncset.done $0x0  }
0x2f: {  	v6 =	vimm.s32 $0x0;
	[sflag:s26] =	ssyncadd.s32 $0xFFFFF800  }
0x30: {  	s9 =	rddreg [dreg:$0x14]  }
0x31: {  	p1 =	sne.s32 s9, $0x1  }
.Ltmp3:
0x32: {  	_ = 	snop;
	(pc) =	sbr.rel @!p1 .LBB2_4-.Ltmp3, $2  }
0x33: {  	_ =	sdelay $0x2  }
0x34: {  	v7 =	vld [tilespmem:s3+$0x0];
	v6 =	vimm.s32 $0x0;
	s18 =	simm.s32 $0x0;
	s17 =	sadd.s32 $0xFFFFFFFF, s9  }
.LBB2_3:
0x35: {  	p1 =	sne.s32 s17, $0x1  }
.Ltmp4:
0x36: {  	_ = 	snop;
	(pc) =	sbr.rel @p1 .LBB2_3-.Ltmp4, $3  }
0x37: {  	_ =	sdelay $0x1  }
0x38: {  	s17 =	sadd.s32 $0xFFFFFFFF, s17;
	s18 =	sadd.s32 $0x10, s18;
	v6 =	vadd.s32 v6, v7  }
0x39: {  	v7 =	vld [tilespmem:s18+$0x0]  }
.LBB2_4:
0x3a: {  	_ =	sdelay $0x3  }
0x3b: {  	v6 =	vadd.s32 v6, v7  }
.LBB2_5:
0x3c: {  	s17 =	simm.s32 $0x0  }
0x3d: {  	s18 =	sand.u32 $0x180, s17  }
0x3e: {  	s19 =	sand.u32 $0x70, s17;
	s18 =	sadd.s32 s18, s4  }
0x3f: {  	s18 =	sadd.s32 s19, s18  }
0x40: {  	v7 =	vld [tilespmem:s18+$0x0];
	_ =	sdelay $0x2  }
0x41: {  	(xrf0) =	vadd.scan.msk.s32 $0xffff, v6;
	_ =	sdelay $0x1  }
0x42: {  	(xrf0) =	vadd.scan.msk.s32 $0xffff, v7;
	_ =	sdelay $0x3  }
0x43: {  	v6, _, _ =	vpop (xrf0)  }
0x44: {  	v7 =	vbroadcast v6, $0xF  }
0x45: {  	v8, _, _ =	vpop (xrf0)  }
0x46: {  	v9 =	vadd.s32 $0xFFFFFFFF, v7;
	v7 =	vsub.s32 $0x0, v7;
	v8 =	vadd.s32 s17, v8  }
0x47: {  	v10 =	vadd.s32 v9, v8;
	vm1 =	veq.s32 v8, v7;
	(v2sf) =	vpush v8, $0xF  }
0x48: {  	v11 =	vimm.s32 $0x0;
	s18 =	simm.s32 $0x10;
	vm2 =	vgt.s32 v10, $0x0;
	v12 =	vsel vm1, $0x1, v1  }
0x49: {  	s19 =	simm.s32 $0x20;
	s22 =	sand.u32 $0x180, s18;
	s17 =	simm.s32 $0x800;
	v10 =	vnsel vm2, $0x0, v10;
	v8 =	vadd.s32 v12, v11  }
.LBB2_6:
0x4a: {  	p1 =	sne.s32 s19, $0x1F0;
	s18 =	sand.u32 $0x70, s18;
	s22 =	sadd.s32 s22, s4;
	v10 =	vadd.s32 v0, v10  }
0x4b: {  	s22 =	sadd.s32 s18, s22;
	[tilespmem:s17+$0x0] =	vst v10;
	s18 =	smov.u32 s19  }
0x4c: {  	v10 =	vld [tilespmem:s22+$0x0];
	_ =	sdelay $0x4  }
0x4d: {  	(xrf0) =	vadd.scan.msk.s32 $0xffff, v10;
	_ =	sdelay $0x4  }
0x4e: {  	s22 =	spop (v2sf)  }
.Ltmp5:
0x4f: {  	v10, _, _ =	vpop (xrf0);
	(pc) =	sbr.rel @p1 .LBB2_6-.Ltmp5, $4  }
0x50: {  	v10 =	vadd.s32 s22, v10  }
0x51: {  	v11 =	vadd.s32 v9, v10;
	vm1 =	veq.s32 v10, v7;
	(v2sf) =	vpush v10, $0xF  }
0x52: {  	vm2 =	vgt.s32 v11, $0x0;
	v12 =	vsel vm1, $0x1, v1  }
0x53: {  	s19 =	sadd.s32 $0x10, s19;
	s17 =	sadd.s32 $0x10, s17;
	s22 =	sand.u32 $0x180, s18;
	v10 =	vnsel vm2, $0x0, v11;
	v8 =	vadd.s32 v12, v8  }
0x54: {  	s18 =	sand.u32 $0x70, s18;
	s19 =	sadd.s32 s22, s4;
	v10 =	vadd.s32 v0, v10  }
0x55: {  	s18 =	sadd.s32 s18, s19;
	[tilespmem:s17+$0x0] =	vst v10  }
0x56: {  	v10 =	vld [tilespmem:s18+$0x0];
	_ =	sdelay $0x4  }
0x57: {  	(xrf0) =	vadd.scan.msk.s32 $0xffff, v10;
	_ =	sdelay $0x5  }
0x58: {  	s26 =	spop (v2sf);
	v10, _, _ =	vpop (xrf0)  }
0x59: {  	v10 =	vadd.s32 s26, v10  }
0x5a: {  	v9 =	vadd.s32 v9, v10  }
0x5b: {  	vm1 =	vgt.s32 v9, $0x0  }
0x5c: {  	v9 =	vnsel vm1, $0x0, v9  }
0x5d: {  	s9 =	sadd.s32 $0x10, s17;
	v9 =	vadd.s32 v0, v9  }
0x5e: {  	[tilespmem:s9+$0x0] =	vst v9  }
0x5f: {  	v9 =	vld [tilespmem:$0x800];
	_ =	sdelay $0x4  }
0x60: {  	v11 =	vshll.u32 v9, $0x3  }
0x61: {  	v9 =	vand.u32 $0x7, v9;
	v11 =	vand.u32 $0xFFFFFFC0, v11  }
0x62: {  	v9 =	vor.u32 v9, v11  }
0x63: {  	v11 =	vperm.xlane v9, v2;
	_ =	sdelay $0x1  }
0x64: {  	v11 =	vadd.s32 v3, v11;
	_ =	sdelay $0x4  }
0x65: {  	[tilespmem:s29], [sflag:$0x1] =	stream.indirect_vreg.gather [hbm4b:s1+s3], $0x80, v11, vm0, $0xb8;
	[tilespmem:$0x10A00] =	vst v63  }
0x66: {  	s9 =	simm.s32 $0x1200;
	v9 =	vperm.xlane v9, v4  }
0x67: {  	[tilespmem:s9], [sflag:$0x1] =	stream.indirect_vreg.gather [hbm4b:s6+s3], $0x80, v11, vm0, $0xb8;
	[tilespmem:$0x10A00] =	vst v63  }
0x68: {  	s17 =	simm.s32 $0x1A00;
	v9 =	vadd.s32 v3, v9  }
0x69: {  	[tilespmem:s17], [sflag:$0x1] =	stream.indirect_vreg.gather [hbm4b:s7+s3], $0x80, v11, vm0, $0xb8;
	[tilespmem:$0x10A00] =	vst v63  }
0x6a: {  	s18 =	simm.s32 $0x2200  }
0x6b: {  	[tilespmem:s18], [sflag:$0x1] =	stream.indirect_vreg.gather [hbm4b:s8+s3], $0x80, v11, vm0, $0xb8;
	[tilespmem:$0x10A00] =	vst v63  }
0x6c: {  	s19 =	simm.s32 $0x2A00  }
0x6d: {  	[tilespmem:s19], [sflag:$0x1] =	stream.indirect_vreg.gather [hbm4b:s1+s3], $0x80, v9, vm0, $0xb8;
	[tilespmem:$0x10A00] =	vst v63  }
0x6e: {  	s22 =	simm.s32 $0x3200  }
0x6f: {  	[tilespmem:s22], [sflag:$0x1] =	stream.indirect_vreg.gather [hbm4b:s6+s3], $0x80, v9, vm0, $0xb8;
	[tilespmem:$0x10A00] =	vst v63  }
0x70: {  	s23 =	simm.s32 $0x3A00  }
0x71: {  	[tilespmem:s23], [sflag:$0x1] =	stream.indirect_vreg.gather [hbm4b:s7+s3], $0x80, v9, vm0, $0xb8;
	[tilespmem:$0x10A00] =	vst v63  }
0x72: {  	s24 =	simm.s32 $0x4200  }
0x73: {  	[tilespmem:s24], [sflag:$0x1] =	stream.indirect_vreg.gather [hbm4b:s8+s3], $0x80, v9, vm0, $0xb8;
	[tilespmem:$0x10A00] =	vst v63  }
0x74: {  	vm1 =	veq.s32 v10, v7;
	v9 =	vld [tilespmem:$0x810]  }
0x75: {  	v7 =	vsel vm1, $0x1, v1  }
0x76: {  	v7 =	vadd.s32 v7, v8  }
0x77: {  	(xrf0) =	vadd.scan.msk.s32 $0xffff, v7;
	_ =	sdelay $0x1  }
0x78: {  	v7 =	vshll.u32 v9, $0x3  }
0x79: {  	(v2sf) =	vpush v10, $0xF;
	v7 =	vand.u32 $0xFFFFFFC0, v7  }
0x7a: {  	v63 =	vand.u32 $0x7, v9  }
0x7b: {  	(v2sf) =	vpush v6, $0xF;
	v6 =	vor.u32 v63, v7  }
0x7c: {  	v8 =	vperm.xlane v6, v2;
	v7, _, _ =	vpop (xrf0)  }
0x7d: {  	(v2sf) =	vpush v7, $0xF  }
0x7e: {  	v7 =	vadd.s32 v3, v8;
	_ =	sdelay $0x3  }
0x7f: {  	s25 =	simm.s32 $0x4A00  }
0x80: {  	[tilespmem:s25], [sflag:$0x1] =	stream.indirect_vreg.gather [hbm4b:s1+s3], $0x80, v7, vm0, $0xb8;
	[tilespmem:$0x10A00] =	vst v63  }
0x81: {  	s26 =	simm.s32 $0x5200;
	v6 =	vperm.xlane v6, v4  }
0x82: {  	[tilespmem:s26], [sflag:$0x1] =	stream.indirect_vreg.gather [hbm4b:s6+s3], $0x80, v7, vm0, $0xb8;
	[tilespmem:$0x10A00] =	vst v63  }
0x83: {  	s17 =	simm.s32 $0x5A00;
	v6 =	vadd.s32 v3, v6  }
0x84: {  	[tilespmem:s17], [sflag:$0x1] =	stream.indirect_vreg.gather [hbm4b:s7+s3], $0x80, v7, vm0, $0xb8;
	[tilespmem:$0x10A00] =	vst v63  }
0x85: {  	s18 =	spop (v2sf);
	s19 =	simm.s32 $0x6200  }
0x86: {  	[tilespmem:s19], [sflag:$0x1] =	stream.indirect_vreg.gather [hbm4b:s8+s3], $0x80, v7, vm0, $0xb8;
	[tilespmem:$0x10A00] =	vst v63  }
0x87: {  	s22 =	simm.s32 $0x6A00;
	s17 =	spop (v2sf)  }
0x88: {  	[tilespmem:s22], [sflag:$0x1] =	stream.indirect_vreg.gather [hbm4b:s1+s3], $0x80, v6, vm0, $0xb8;
	[tilespmem:$0x10A00] =	vst v63  }
0x89: {  	s24 =	simm.s32 $0x7200;
	s23 =	spop (v2sf)  }
0x8a: {  	[tilespmem:s24], [sflag:$0x1] =	stream.indirect_vreg.gather [hbm4b:s6+s3], $0x80, v6, vm0, $0xb8;
	[tilespmem:$0x10A00] =	vst v63  }
0x8b: {  	s25 =	simm.s32 $0x7A00;
	p1 =	sgt.s32 s17, $0x0;
	s17 =	sadd.s32 s4, s23  }
0x8c: {  	[tilespmem:s25], [sflag:$0x1] =	stream.indirect_vreg.gather [hbm4b:s7+s3], $0x80, v6, vm0, $0xb8;
	[tilespmem:$0x10A00] =	vst v63  }
0x8d: {  	s17 =	simm.s32 @p1 $0x0  }
0x8e: {  	s17 =	ssub.s32 s17, s4  }
0x8f: {  	p1 =	slt.s32 s17, $0x1  }
.Ltmp6:
0x90: {  	s26 =	simm.s32 $0x8200;
	(pc) =	sbr.rel @p1 .LBB2_12-.Ltmp6, $4  }
0x91: {  	[tilespmem:s26], [sflag:$0x1] =	stream.indirect_vreg.gather [hbm4b:s8+s3], $0x80, v6, vm0, $0xb8;
	[tilespmem:$0x10A00] =	vst v63  }
0x92: {  	_ =	swait.ge [sflag:s20], $0x8000  }
0x93: {  	[sflag:s20] =	ssyncset.done $0x0  }
0x94: {  	[sflag:s20] =	ssyncadd.s32 $0xFFFF8000  }
0x95: {  	s18 =	smin.u32 s17, $0x20;
	s19 =	simm.s32 $0x0;
	s22 =	simm.s32 $0x0  }
.LBB2_9:
0x96: {  	s23 =	sshll.u32 s22, $0xA;
	s24 =	sshll.u32 s22, $0x7  }
0x97: {  	s23 =	sand.u32 $0xFFFFE000, s23;
	s24 =	sand.u32 $0x380, s24  }
0x98: {  	s23 =	sor.u32 s24, s23  }
0x99: {  	s25 =	sand.u32 $0x1C00, s19;
	s23 =	sadd.s32 $0xA00, s23  }
0x9a: {  	s26 =	sand.u32 $0x70, s19;
	s24 =	sadd.s32 s25, s23  }
0x9b: {  	s25 =	simm.s32 $0x10;
	s24 =	sadd.s32 s26, s24;
	s26 =	simm.s32 $0x0  }
.LBB2_10:
0x9c: {  	p1 =	sne.s32 s25, $0x3F0  }
0x9d: {  	[tilespmem:s24+$0x0] =	vst v5;
	s26 =	sadd.s32 $0x80, s26;
	s24 =	smov.u32 s25;
	s25 =	sadd.s32 $0x10, s25  }
.Ltmp7:
0x9e: {  	(pc) =	sbr.rel @p1 .LBB2_10-.Ltmp7, $4  }
0x9f: {  	_ = 	snop  }
0xa0: {  	s9 =	sand.u32 $0x1C00, s26  }
0xa1: {  	s24 =	sand.u32 $0x70, s24;
	s9 =	sadd.s32 s9, s23  }
0xa2: {  	s24 =	sadd.s32 s24, s9  }
0xa3: {  	s22 =	sadd.s32 $0x1, s22  }
0xa4: {  	p1 =	sne.s32 s22, s18  }
.Ltmp8:
0xa5: {  	_ = 	snop;
	(pc) =	sbr.rel @p1 .LBB2_9-.Ltmp8, $2  }
0xa6: {  	_ =	sdelay $0x2  }
0xa7: {  	[tilespmem:s24+$0x0] =	vst v5  }
.LBB2_12:
0xa8: {  	s9 =	rddreg [dreg:$0x5]  }
0xa9: {  	[hbm4b:s9+s3] =	stream.linear.scatter [tilespmem:s29], [sflag:$0x3], $0x8000, $0x38;
	[tilespmem:$0x10A00] =	vst v63  }
0xaa: {  	v6 =	vld [tilespmem:$0x820];
	_ =	sdelay $0x4  }
0xab: {  	v7 =	vshll.u32 v6, $0x3  }
0xac: {  	v6 =	vand.u32 $0x7, v6;
	v7 =	vand.u32 $0xFFFFFFC0, v7  }
0xad: {  	v6 =	vor.u32 v6, v7  }
0xae: {  	v7 =	vperm.xlane v6, v2;
	_ =	sdelay $0x1  }
0xaf: {  	v7 =	vadd.s32 v3, v7;
	_ =	sdelay $0x4  }
0xb0: {  	[tilespmem:s21], [sflag:$0x2] =	stream.indirect_vreg.gather [hbm4b:s1+s3], $0x80, v7, vm0, $0xb8;
	[tilespmem:$0x10A00] =	vst v63  }
0xb1: {  	s19 =	simm.s32 $0x9200;
	v6 =	vperm.xlane v6, v4  }
0xb2: {  	[tilespmem:s19], [sflag:$0x2] =	stream.indirect_vreg.gather [hbm4b:s6+s3], $0x80, v7, vm0, $0xb8;
	[tilespmem:$0x10A00] =	vst v63  }
0xb3: {  	s22 =	simm.s32 $0x9A00;
	v6 =	vadd.s32 v3, v6  }
0xb4: {  	[tilespmem:s22], [sflag:$0x2] =	stream.indirect_vreg.gather [hbm4b:s7+s3], $0x80, v7, vm0, $0xb8;
	[tilespmem:$0x10A00] =	vst v63  }
0xb5: {  	s23 =	simm.s32 $0xA200  }
0xb6: {  	[tilespmem:s23], [sflag:$0x2] =	stream.indirect_vreg.gather [hbm4b:s8+s3], $0x80, v7, vm0, $0xb8;
	[tilespmem:$0x10A00] =	vst v63  }
0xb7: {  	s24 =	simm.s32 $0xAA00  }
0xb8: {  	[tilespmem:s24], [sflag:$0x2] =	stream.indirect_vreg.gather [hbm4b:s1+s3], $0x80, v6, vm0, $0xb8;
	[tilespmem:$0x10A00] =	vst v63  }
0xb9: {  	s25 =	simm.s32 $0xB200  }
0xba: {  	[tilespmem:s25], [sflag:$0x2] =	stream.indirect_vreg.gather [hbm4b:s6+s3], $0x80, v6, vm0, $0xb8;
	[tilespmem:$0x10A00] =	vst v63  }
0xbb: {  	s26 =	simm.s32 $0xBA00  }
0xbc: {  	[tilespmem:s26], [sflag:$0x2] =	stream.indirect_vreg.gather [hbm4b:s7+s3], $0x80, v6, vm0, $0xb8;
	[tilespmem:$0x10A00] =	vst v63  }
0xbd: {  	_ = 	snop  }
0xbe: {  	[tilespmem:s28], [sflag:$0x2] =	stream.indirect_vreg.gather [hbm4b:s8+s3], $0x80, v6, vm0, $0xb8;
	[tilespmem:$0x10A00] =	vst v63  }
0xbf: {  	v6 =	vld [tilespmem:$0x830];
	_ =	sdelay $0x4  }
0xc0: {  	v7 =	vshll.u32 v6, $0x3  }
0xc1: {  	v6 =	vand.u32 $0x7, v6;
	v7 =	vand.u32 $0xFFFFFFC0, v7  }
0xc2: {  	v6 =	vor.u32 v6, v7  }
0xc3: {  	v7 =	vperm.xlane v6, v2;
	_ =	sdelay $0x1  }
0xc4: {  	v7 =	vadd.s32 v3, v7;
	_ =	sdelay $0x4  }
0xc5: {  	[tilespmem:s30], [sflag:$0x2] =	stream.indirect_vreg.gather [hbm4b:s1+s3], $0x80, v7, vm0, $0xb8;
	[tilespmem:$0x10A00] =	vst v63  }
0xc6: {  	v6 =	vperm.xlane v6, v4  }
0xc7: {  	[tilespmem:s31], [sflag:$0x2] =	stream.indirect_vreg.gather [hbm4b:s6+s3], $0x80, v7, vm0, $0xb8;
	[tilespmem:$0x10A00] =	vst v63  }
0xc8: {  	v6 =	vadd.s32 v3, v6  }
0xc9: {  	[tilespmem:s0], [sflag:$0x2] =	stream.indirect_vreg.gather [hbm4b:s7+s3], $0x80, v7, vm0, $0xb8;
	[tilespmem:$0x10A00] =	vst v63  }
0xca: {  	_ = 	snop  }
0xcb: {  	[tilespmem:s2], [sflag:$0x2] =	stream.indirect_vreg.gather [hbm4b:s8+s3], $0x80, v7, vm0, $0xb8;
	[tilespmem:$0x10A00] =	vst v63  }
0xcc: {  	_ = 	snop  }
0xcd: {  	[tilespmem:s5], [sflag:$0x2] =	stream.indirect_vreg.gather [hbm4b:s1+s3], $0x80, v6, vm0, $0xb8;
	[tilespmem:$0x10A00] =	vst v63  }
0xce: {  	s18 =	sadd.s32 $0xFFFFFFE0, s17  }
0xcf: {  	[tilespmem:s10], [sflag:$0x2] =	stream.indirect_vreg.gather [hbm4b:s6+s3], $0x80, v6, vm0, $0xb8;
	[tilespmem:$0x10A00] =	vst v63  }
0xd0: {  	p1 =	slt.s32 s18, $0x1  }
0xd1: {  	[tilespmem:s11], [sflag:$0x2] =	stream.indirect_vreg.gather [hbm4b:s7+s3], $0x80, v6, vm0, $0xb8;
	[tilespmem:$0x10A00] =	vst v63  }
.Ltmp9:
0xd2: {  	_ = 	snop;
	(pc) =	sbr.rel @p1 .LBB2_17-.Ltmp9, $4  }
0xd3: {  	[tilespmem:s12], [sflag:$0x2] =	stream.indirect_vreg.gather [hbm4b:s8+s3], $0x80, v6, vm0, $0xb8;
	[tilespmem:$0x10A00] =	vst v63  }
0xd4: {  	_ =	swait.ge [sflag:s13], $0x8000  }
0xd5: {  	[sflag:s13] =	ssyncset.done $0x0  }
0xd6: {  	[sflag:s13] =	ssyncadd.s32 $0xFFFF8000  }
0xd7: {  	s18 =	smin.u32 s18, $0x20;
	s19 =	simm.s32 $0x0;
	s22 =	simm.s32 $0x0  }
.LBB2_14:
0xd8: {  	s9 =	sshll.u32 s22, $0xA;
	s23 =	sshll.u32 s22, $0x7  }
0xd9: {  	s9 =	sand.u32 $0xFFFFE000, s9;
	s23 =	sand.u32 $0x380, s23  }
0xda: {  	s9 =	sor.u32 s23, s9  }
0xdb: {  	s26 =	sand.u32 $0x1C00, s19;
	s23 =	sadd.s32 $0x8A00, s9  }
0xdc: {  	s24 =	sand.u32 $0x70, s19;
	s9 =	sadd.s32 s26, s23  }
0xdd: {  	s25 =	simm.s32 $0x10;
	s26 =	simm.s32 $0x0;
	s24 =	sadd.s32 s24, s9  }
.LBB2_15:
0xde: {  	p1 =	sne.s32 s25, $0x3F0  }
0xdf: {  	[tilespmem:s24+$0x0] =	vst v5;
	s26 =	sadd.s32 $0x80, s26;
	s9 =	smov.u32 s25;
	s25 =	sadd.s32 $0x10, s25  }
.Ltmp10:
0xe0: {  	(pc) =	sbr.rel @p1 .LBB2_15-.Ltmp10, $4  }
0xe1: {  	_ = 	snop  }
0xe2: {  	s24 =	sand.u32 $0x1C00, s26  }
0xe3: {  	s9 =	sand.u32 $0x70, s9;
	s24 =	sadd.s32 s24, s23  }
0xe4: {  	s24 =	sadd.s32 s9, s24  }
0xe5: {  	s22 =	sadd.s32 $0x1, s22  }
0xe6: {  	p1 =	sne.s32 s22, s18  }
.Ltmp11:
0xe7: {  	_ = 	snop;
	(pc) =	sbr.rel @p1 .LBB2_14-.Ltmp11, $2  }
0xe8: {  	_ =	sdelay $0x2  }
0xe9: {  	[tilespmem:s24+$0x0] =	vst v5  }
.LBB2_17:
0xea: {  	s9 =	rddreg [dreg:$0x6]  }
0xeb: {  	[hbm4b:s9+s3] =	stream.linear.scatter [tilespmem:s21], [sflag:$0x4], $0x8000, $0x38;
	[tilespmem:$0x10A00] =	vst v63  }
0xec: {  	_ =	swait.ge [sflag:s14], $0x8000  }
0xed: {  	[sflag:s14] =	ssyncset.done $0x0  }
0xee: {  	[sflag:s14] =	ssyncadd.s32 $0xFFFF8000  }
0xef: {  	v6 =	vld [tilespmem:$0x840];
	_ =	sdelay $0x4  }
0xf0: {  	v7 =	vshll.u32 v6, $0x3  }
0xf1: {  	v6 =	vand.u32 $0x7, v6;
	v7 =	vand.u32 $0xFFFFFFC0, v7  }
0xf2: {  	v6 =	vor.u32 v6, v7  }
0xf3: {  	v7 =	vperm.xlane v6, v2;
	_ =	sdelay $0x1  }
0xf4: {  	v7 =	vadd.s32 v3, v7;
	_ =	sdelay $0x4  }
0xf5: {  	[tilespmem:s29], [sflag:$0x1] =	stream.indirect_vreg.gather [hbm4b:s1+s3], $0x80, v7, vm0, $0xb8;
	[tilespmem:$0x10A00] =	vst v63  }
0xf6: {  	s26 =	simm.s32 $0x1200;
	v6 =	vperm.xlane v6, v4  }
0xf7: {  	[tilespmem:s26], [sflag:$0x1] =	stream.indirect_vreg.gather [hbm4b:s6+s3], $0x80, v7, vm0, $0xb8;
	[tilespmem:$0x10A00] =	vst v63  }
0xf8: {  	s18 =	simm.s32 $0x1A00;
	v6 =	vadd.s32 v3, v6  }
0xf9: {  	[tilespmem:s18], [sflag:$0x1] =	stream.indirect_vreg.gather [hbm4b:s7+s3], $0x80, v7, vm0, $0xb8;
	[tilespmem:$0x10A00] =	vst v63  }
0xfa: {  	s19 =	simm.s32 $0x2200  }
0xfb: {  	[tilespmem:s19], [sflag:$0x1] =	stream.indirect_vreg.gather [hbm4b:s8+s3], $0x80, v7, vm0, $0xb8;
	[tilespmem:$0x10A00] =	vst v63  }
0xfc: {  	s22 =	simm.s32 $0x2A00  }
0xfd: {  	[tilespmem:s22], [sflag:$0x1] =	stream.indirect_vreg.gather [hbm4b:s1+s3], $0x80, v6, vm0, $0xb8;
	[tilespmem:$0x10A00] =	vst v63  }
0xfe: {  	s23 =	simm.s32 $0x3200  }
0xff: {  	[tilespmem:s23], [sflag:$0x1] =	stream.indirect_vreg.gather [hbm4b:s6+s3], $0x80, v6, vm0, $0xb8;
	[tilespmem:$0x10A00] =	vst v63  }
0x100: {  	s24 =	simm.s32 $0x3A00  }
0x101: {  	[tilespmem:s24], [sflag:$0x1] =	stream.indirect_vreg.gather [hbm4b:s7+s3], $0x80, v6, vm0, $0xb8;
	[tilespmem:$0x10A00] =	vst v63  }
0x102: {  	s25 =	simm.s32 $0x4200  }
0x103: {  	[tilespmem:s25], [sflag:$0x1] =	stream.indirect_vreg.gather [hbm4b:s8+s3], $0x80, v6, vm0, $0xb8;
	[tilespmem:$0x10A00] =	vst v63  }
0x104: {  	v6 =	vld [tilespmem:$0x850];
	_ =	sdelay $0x4  }
0x105: {  	v7 =	vshll.u32 v6, $0x3  }
0x106: {  	v6 =	vand.u32 $0x7, v6;
	v7 =	vand.u32 $0xFFFFFFC0, v7  }
0x107: {  	v6 =	vor.u32 v6, v7  }
0x108: {  	v7 =	vperm.xlane v6, v2;
	_ =	sdelay $0x1  }
0x109: {  	v7 =	vadd.s32 v3, v7;
	_ =	sdelay $0x3  }
0x10a: {  	s26 =	simm.s32 $0x4A00  }
0x10b: {  	[tilespmem:s26], [sflag:$0x1] =	stream.indirect_vreg.gather [hbm4b:s1+s3], $0x80, v7, vm0, $0xb8;
	[tilespmem:$0x10A00] =	vst v63  }
0x10c: {  	s18 =	simm.s32 $0x5200;
	v6 =	vperm.xlane v6, v4  }
0x10d: {  	[tilespmem:s18], [sflag:$0x1] =	stream.indirect_vreg.gather [hbm4b:s6+s3], $0x80, v7, vm0, $0xb8;
	[tilespmem:$0x10A00] =	vst v63  }
0x10e: {  	s19 =	simm.s32 $0x5A00;
	v6 =	vadd.s32 v3, v6  }
0x10f: {  	[tilespmem:s19], [sflag:$0x1] =	stream.indirect_vreg.gather [hbm4b:s7+s3], $0x80, v7, vm0, $0xb8;
	[tilespmem:$0x10A00] =	vst v63  }
0x110: {  	s22 =	simm.s32 $0x6200  }
0x111: {  	[tilespmem:s22], [sflag:$0x1] =	stream.indirect_vreg.gather [hbm4b:s8+s3], $0x80, v7, vm0, $0xb8;
	[tilespmem:$0x10A00] =	vst v63  }
0x112: {  	s23 =	simm.s32 $0x6A00  }
0x113: {  	[tilespmem:s23], [sflag:$0x1] =	stream.indirect_vreg.gather [hbm4b:s1+s3], $0x80, v6, vm0, $0xb8;
	[tilespmem:$0x10A00] =	vst v63  }
0x114: {  	s24 =	simm.s32 $0x7200;
	s18 =	sadd.s32 $0xFFFFFFC0, s17  }
0x115: {  	[tilespmem:s24], [sflag:$0x1] =	stream.indirect_vreg.gather [hbm4b:s6+s3], $0x80, v6, vm0, $0xb8;
	[tilespmem:$0x10A00] =	vst v63  }
0x116: {  	s25 =	simm.s32 $0x7A00;
	p1 =	slt.s32 s18, $0x1  }
0x117: {  	[tilespmem:s25], [sflag:$0x1] =	stream.indirect_vreg.gather [hbm4b:s7+s3], $0x80, v6, vm0, $0xb8;
	[tilespmem:$0x10A00] =	vst v63  }
.Ltmp12:
0x118: {  	s26 =	simm.s32 $0x8200;
	(pc) =	sbr.rel @p1 .LBB2_22-.Ltmp12, $4  }
0x119: {  	[tilespmem:s26], [sflag:$0x1] =	stream.indirect_vreg.gather [hbm4b:s8+s3], $0x80, v6, vm0, $0xb8;
	[tilespmem:$0x10A00] =	vst v63  }
0x11a: {  	_ =	swait.ge [sflag:s20], $0x8000  }
0x11b: {  	[sflag:s20] =	ssyncset.done $0x0  }
0x11c: {  	[sflag:s20] =	ssyncadd.s32 $0xFFFF8000  }
0x11d: {  	s18 =	smin.u32 s18, $0x20;
	s19 =	simm.s32 $0x0;
	s22 =	simm.s32 $0x0  }
.LBB2_19:
0x11e: {  	s9 =	sshll.u32 s22, $0xA;
	s23 =	sshll.u32 s22, $0x7  }
0x11f: {  	s9 =	sand.u32 $0xFFFFE000, s9;
	s23 =	sand.u32 $0x380, s23  }
0x120: {  	s9 =	sor.u32 s23, s9  }
0x121: {  	s26 =	sand.u32 $0x1C00, s19;
	s23 =	sadd.s32 $0xA00, s9  }
0x122: {  	s24 =	sand.u32 $0x70, s19;
	s9 =	sadd.s32 s26, s23  }
0x123: {  	s25 =	simm.s32 $0x10;
	s26 =	simm.s32 $0x0;
	s24 =	sadd.s32 s24, s9  }
.LBB2_20:
0x124: {  	p1 =	sne.s32 s25, $0x3F0  }
0x125: {  	[tilespmem:s24+$0x0] =	vst v5;
	s26 =	sadd.s32 $0x80, s26;
	s9 =	smov.u32 s25;
	s25 =	sadd.s32 $0x10, s25  }
.Ltmp13:
0x126: {  	(pc) =	sbr.rel @p1 .LBB2_20-.Ltmp13, $4  }
0x127: {  	_ = 	snop  }
0x128: {  	s24 =	sand.u32 $0x1C00, s26  }
0x129: {  	s9 =	sand.u32 $0x70, s9;
	s24 =	sadd.s32 s24, s23  }
0x12a: {  	s24 =	sadd.s32 s9, s24  }
0x12b: {  	s22 =	sadd.s32 $0x1, s22  }
0x12c: {  	p1 =	sne.s32 s22, s18  }
.Ltmp14:
0x12d: {  	_ = 	snop;
	(pc) =	sbr.rel @p1 .LBB2_19-.Ltmp14, $2  }
0x12e: {  	_ =	sdelay $0x2  }
0x12f: {  	[tilespmem:s24+$0x0] =	vst v5  }
.LBB2_22:
0x130: {  	s9 =	rddreg [dreg:$0x7]  }
0x131: {  	[hbm4b:s9+s3] =	stream.linear.scatter [tilespmem:s29], [sflag:$0x3], $0x8000, $0x38;
	[tilespmem:$0x10A00] =	vst v63  }
0x132: {  	_ =	swait.ge [sflag:s15], $0x8000  }
0x133: {  	[sflag:s15] =	ssyncset.done $0x0  }
0x134: {  	[sflag:s15] =	ssyncadd.s32 $0xFFFF8000  }
0x135: {  	v6 =	vld [tilespmem:$0x860];
	_ =	sdelay $0x4  }
0x136: {  	v7 =	vshll.u32 v6, $0x3  }
0x137: {  	v6 =	vand.u32 $0x7, v6;
	v7 =	vand.u32 $0xFFFFFFC0, v7  }
0x138: {  	v6 =	vor.u32 v6, v7  }
0x139: {  	v7 =	vperm.xlane v6, v2;
	_ =	sdelay $0x1  }
0x13a: {  	v7 =	vadd.s32 v3, v7;
	_ =	sdelay $0x4  }
0x13b: {  	[tilespmem:s21], [sflag:$0x2] =	stream.indirect_vreg.gather [hbm4b:s1+s3], $0x80, v7, vm0, $0xb8;
	[tilespmem:$0x10A00] =	vst v63  }
0x13c: {  	s19 =	simm.s32 $0x9200;
	v6 =	vperm.xlane v6, v4  }
0x13d: {  	[tilespmem:s19], [sflag:$0x2] =	stream.indirect_vreg.gather [hbm4b:s6+s3], $0x80, v7, vm0, $0xb8;
	[tilespmem:$0x10A00] =	vst v63  }
0x13e: {  	s22 =	simm.s32 $0x9A00;
	v6 =	vadd.s32 v3, v6  }
0x13f: {  	[tilespmem:s22], [sflag:$0x2] =	stream.indirect_vreg.gather [hbm4b:s7+s3], $0x80, v7, vm0, $0xb8;
	[tilespmem:$0x10A00] =	vst v63  }
0x140: {  	s23 =	simm.s32 $0xA200  }
0x141: {  	[tilespmem:s23], [sflag:$0x2] =	stream.indirect_vreg.gather [hbm4b:s8+s3], $0x80, v7, vm0, $0xb8;
	[tilespmem:$0x10A00] =	vst v63  }
0x142: {  	s24 =	simm.s32 $0xAA00  }
0x143: {  	[tilespmem:s24], [sflag:$0x2] =	stream.indirect_vreg.gather [hbm4b:s1+s3], $0x80, v6, vm0, $0xb8;
	[tilespmem:$0x10A00] =	vst v63  }
0x144: {  	s25 =	simm.s32 $0xB200  }
0x145: {  	[tilespmem:s25], [sflag:$0x2] =	stream.indirect_vreg.gather [hbm4b:s6+s3], $0x80, v6, vm0, $0xb8;
	[tilespmem:$0x10A00] =	vst v63  }
0x146: {  	s26 =	simm.s32 $0xBA00  }
0x147: {  	[tilespmem:s26], [sflag:$0x2] =	stream.indirect_vreg.gather [hbm4b:s7+s3], $0x80, v6, vm0, $0xb8;
	[tilespmem:$0x10A00] =	vst v63  }
0x148: {  	_ = 	snop  }
0x149: {  	[tilespmem:s28], [sflag:$0x2] =	stream.indirect_vreg.gather [hbm4b:s8+s3], $0x80, v6, vm0, $0xb8;
	[tilespmem:$0x10A00] =	vst v63  }
0x14a: {  	v6 =	vld [tilespmem:$0x870];
	_ =	sdelay $0x4  }
0x14b: {  	v7 =	vshll.u32 v6, $0x3  }
0x14c: {  	v6 =	vand.u32 $0x7, v6;
	v7 =	vand.u32 $0xFFFFFFC0, v7  }
0x14d: {  	v6 =	vor.u32 v6, v7  }
0x14e: {  	v7 =	vperm.xlane v6, v2;
	_ =	sdelay $0x1  }
0x14f: {  	v7 =	vadd.s32 v3, v7;
	_ =	sdelay $0x4  }
0x150: {  	[tilespmem:s30], [sflag:$0x2] =	stream.indirect_vreg.gather [hbm4b:s1+s3], $0x80, v7, vm0, $0xb8;
	[tilespmem:$0x10A00] =	vst v63  }
0x151: {  	v6 =	vperm.xlane v6, v4  }
0x152: {  	[tilespmem:s31], [sflag:$0x2] =	stream.indirect_vreg.gather [hbm4b:s6+s3], $0x80, v7, vm0, $0xb8;
	[tilespmem:$0x10A00] =	vst v63  }
0x153: {  	v6 =	vadd.s32 v3, v6  }
0x154: {  	[tilespmem:s0], [sflag:$0x2] =	stream.indirect_vreg.gather [hbm4b:s7+s3], $0x80, v7, vm0, $0xb8;
	[tilespmem:$0x10A00] =	vst v63  }
0x155: {  	_ = 	snop  }
0x156: {  	[tilespmem:s2], [sflag:$0x2] =	stream.indirect_vreg.gather [hbm4b:s8+s3], $0x80, v7, vm0, $0xb8;
	[tilespmem:$0x10A00] =	vst v63  }
0x157: {  	_ = 	snop  }
0x158: {  	[tilespmem:s5], [sflag:$0x2] =	stream.indirect_vreg.gather [hbm4b:s1+s3], $0x80, v6, vm0, $0xb8;
	[tilespmem:$0x10A00] =	vst v63  }
0x159: {  	s18 =	sadd.s32 $0xFFFFFFA0, s17  }
0x15a: {  	[tilespmem:s10], [sflag:$0x2] =	stream.indirect_vreg.gather [hbm4b:s6+s3], $0x80, v6, vm0, $0xb8;
	[tilespmem:$0x10A00] =	vst v63  }
0x15b: {  	p1 =	slt.s32 s18, $0x1  }
0x15c: {  	[tilespmem:s11], [sflag:$0x2] =	stream.indirect_vreg.gather [hbm4b:s7+s3], $0x80, v6, vm0, $0xb8;
	[tilespmem:$0x10A00] =	vst v63  }
.Ltmp15:
0x15d: {  	_ = 	snop;
	(pc) =	sbr.rel @p1 .LBB2_27-.Ltmp15, $4  }
0x15e: {  	[tilespmem:s12], [sflag:$0x2] =	stream.indirect_vreg.gather [hbm4b:s8+s3], $0x80, v6, vm0, $0xb8;
	[tilespmem:$0x10A00] =	vst v63  }
0x15f: {  	_ =	swait.ge [sflag:s13], $0x8000  }
0x160: {  	[sflag:s13] =	ssyncset.done $0x0  }
0x161: {  	[sflag:s13] =	ssyncadd.s32 $0xFFFF8000  }
0x162: {  	s18 =	smin.u32 s18, $0x20;
	s19 =	simm.s32 $0x0;
	s22 =	simm.s32 $0x0  }
.LBB2_24:
0x163: {  	s9 =	sshll.u32 s22, $0xA;
	s23 =	sshll.u32 s22, $0x7  }
0x164: {  	s9 =	sand.u32 $0xFFFFE000, s9;
	s23 =	sand.u32 $0x380, s23  }
0x165: {  	s9 =	sor.u32 s23, s9  }
0x166: {  	s26 =	sand.u32 $0x1C00, s19;
	s23 =	sadd.s32 $0x8A00, s9  }
0x167: {  	s24 =	sand.u32 $0x70, s19;
	s9 =	sadd.s32 s26, s23  }
0x168: {  	s25 =	simm.s32 $0x10;
	s26 =	simm.s32 $0x0;
	s24 =	sadd.s32 s24, s9  }
.LBB2_25:
0x169: {  	p1 =	sne.s32 s25, $0x3F0  }
0x16a: {  	[tilespmem:s24+$0x0] =	vst v5;
	s26 =	sadd.s32 $0x80, s26;
	s9 =	smov.u32 s25;
	s25 =	sadd.s32 $0x10, s25  }
.Ltmp16:
0x16b: {  	(pc) =	sbr.rel @p1 .LBB2_25-.Ltmp16, $4  }
0x16c: {  	_ = 	snop  }
0x16d: {  	s24 =	sand.u32 $0x1C00, s26  }
0x16e: {  	s9 =	sand.u32 $0x70, s9;
	s24 =	sadd.s32 s24, s23  }
0x16f: {  	s24 =	sadd.s32 s9, s24  }
0x170: {  	s22 =	sadd.s32 $0x1, s22  }
0x171: {  	p1 =	sne.s32 s22, s18  }
.Ltmp17:
0x172: {  	_ = 	snop;
	(pc) =	sbr.rel @p1 .LBB2_24-.Ltmp17, $2  }
0x173: {  	_ =	sdelay $0x2  }
0x174: {  	[tilespmem:s24+$0x0] =	vst v5  }
.LBB2_27:
0x175: {  	s9 =	rddreg [dreg:$0x8]  }
0x176: {  	[hbm4b:s9+s3] =	stream.linear.scatter [tilespmem:s21], [sflag:$0x4], $0x8000, $0x38;
	[tilespmem:$0x10A00] =	vst v63  }
0x177: {  	_ =	swait.ge [sflag:s14], $0x8000  }
0x178: {  	[sflag:s14] =	ssyncset.done $0x0  }
0x179: {  	[sflag:s14] =	ssyncadd.s32 $0xFFFF8000  }
0x17a: {  	v6 =	vld [tilespmem:$0x880];
	_ =	sdelay $0x4  }
0x17b: {  	v7 =	vshll.u32 v6, $0x3  }
0x17c: {  	v6 =	vand.u32 $0x7, v6;
	v7 =	vand.u32 $0xFFFFFFC0, v7  }
0x17d: {  	v6 =	vor.u32 v6, v7  }
0x17e: {  	v7 =	vperm.xlane v6, v2;
	_ =	sdelay $0x1  }
0x17f: {  	v7 =	vadd.s32 v3, v7;
	_ =	sdelay $0x4  }
0x180: {  	[tilespmem:s29], [sflag:$0x1] =	stream.indirect_vreg.gather [hbm4b:s1+s3], $0x80, v7, vm0, $0xb8;
	[tilespmem:$0x10A00] =	vst v63  }
0x181: {  	s26 =	simm.s32 $0x1200;
	v6 =	vperm.xlane v6, v4  }
0x182: {  	[tilespmem:s26], [sflag:$0x1] =	stream.indirect_vreg.gather [hbm4b:s6+s3], $0x80, v7, vm0, $0xb8;
	[tilespmem:$0x10A00] =	vst v63  }
0x183: {  	s18 =	simm.s32 $0x1A00;
	v6 =	vadd.s32 v3, v6  }
0x184: {  	[tilespmem:s18], [sflag:$0x1] =	stream.indirect_vreg.gather [hbm4b:s7+s3], $0x80, v7, vm0, $0xb8;
	[tilespmem:$0x10A00] =	vst v63  }
0x185: {  	s19 =	simm.s32 $0x2200  }
0x186: {  	[tilespmem:s19], [sflag:$0x1] =	stream.indirect_vreg.gather [hbm4b:s8+s3], $0x80, v7, vm0, $0xb8;
	[tilespmem:$0x10A00] =	vst v63  }
0x187: {  	s22 =	simm.s32 $0x2A00  }
0x188: {  	[tilespmem:s22], [sflag:$0x1] =	stream.indirect_vreg.gather [hbm4b:s1+s3], $0x80, v6, vm0, $0xb8;
	[tilespmem:$0x10A00] =	vst v63  }
0x189: {  	s23 =	simm.s32 $0x3200  }
0x18a: {  	[tilespmem:s23], [sflag:$0x1] =	stream.indirect_vreg.gather [hbm4b:s6+s3], $0x80, v6, vm0, $0xb8;
	[tilespmem:$0x10A00] =	vst v63  }
0x18b: {  	s24 =	simm.s32 $0x3A00  }
0x18c: {  	[tilespmem:s24], [sflag:$0x1] =	stream.indirect_vreg.gather [hbm4b:s7+s3], $0x80, v6, vm0, $0xb8;
	[tilespmem:$0x10A00] =	vst v63  }
0x18d: {  	s25 =	simm.s32 $0x4200  }
0x18e: {  	[tilespmem:s25], [sflag:$0x1] =	stream.indirect_vreg.gather [hbm4b:s8+s3], $0x80, v6, vm0, $0xb8;
	[tilespmem:$0x10A00] =	vst v63  }
0x18f: {  	v6 =	vld [tilespmem:$0x890];
	_ =	sdelay $0x4  }
0x190: {  	v7 =	vshll.u32 v6, $0x3  }
0x191: {  	v6 =	vand.u32 $0x7, v6;
	v7 =	vand.u32 $0xFFFFFFC0, v7  }
0x192: {  	v6 =	vor.u32 v6, v7  }
0x193: {  	v7 =	vperm.xlane v6, v2;
	_ =	sdelay $0x1  }
0x194: {  	v7 =	vadd.s32 v3, v7;
	_ =	sdelay $0x3  }
0x195: {  	s26 =	simm.s32 $0x4A00  }
0x196: {  	[tilespmem:s26], [sflag:$0x1] =	stream.indirect_vreg.gather [hbm4b:s1+s3], $0x80, v7, vm0, $0xb8;
	[tilespmem:$0x10A00] =	vst v63  }
0x197: {  	s18 =	simm.s32 $0x5200;
	v6 =	vperm.xlane v6, v4  }
0x198: {  	[tilespmem:s18], [sflag:$0x1] =	stream.indirect_vreg.gather [hbm4b:s6+s3], $0x80, v7, vm0, $0xb8;
	[tilespmem:$0x10A00] =	vst v63  }
0x199: {  	s19 =	simm.s32 $0x5A00;
	v6 =	vadd.s32 v3, v6  }
0x19a: {  	[tilespmem:s19], [sflag:$0x1] =	stream.indirect_vreg.gather [hbm4b:s7+s3], $0x80, v7, vm0, $0xb8;
	[tilespmem:$0x10A00] =	vst v63  }
0x19b: {  	s22 =	simm.s32 $0x6200  }
0x19c: {  	[tilespmem:s22], [sflag:$0x1] =	stream.indirect_vreg.gather [hbm4b:s8+s3], $0x80, v7, vm0, $0xb8;
	[tilespmem:$0x10A00] =	vst v63  }
0x19d: {  	s23 =	simm.s32 $0x6A00  }
0x19e: {  	[tilespmem:s23], [sflag:$0x1] =	stream.indirect_vreg.gather [hbm4b:s1+s3], $0x80, v6, vm0, $0xb8;
	[tilespmem:$0x10A00] =	vst v63  }
0x19f: {  	s24 =	simm.s32 $0x7200;
	s18 =	sadd.s32 $0xFFFFFF80, s17  }
0x1a0: {  	[tilespmem:s24], [sflag:$0x1] =	stream.indirect_vreg.gather [hbm4b:s6+s3], $0x80, v6, vm0, $0xb8;
	[tilespmem:$0x10A00] =	vst v63  }
0x1a1: {  	s25 =	simm.s32 $0x7A00;
	p1 =	slt.s32 s18, $0x1  }
0x1a2: {  	[tilespmem:s25], [sflag:$0x1] =	stream.indirect_vreg.gather [hbm4b:s7+s3], $0x80, v6, vm0, $0xb8;
	[tilespmem:$0x10A00] =	vst v63  }
.Ltmp18:
0x1a3: {  	s26 =	simm.s32 $0x8200;
	(pc) =	sbr.rel @p1 .LBB2_32-.Ltmp18, $4  }
0x1a4: {  	[tilespmem:s26], [sflag:$0x1] =	stream.indirect_vreg.gather [hbm4b:s8+s3], $0x80, v6, vm0, $0xb8;
	[tilespmem:$0x10A00] =	vst v63  }
0x1a5: {  	_ =	swait.ge [sflag:s20], $0x8000  }
0x1a6: {  	[sflag:s20] =	ssyncset.done $0x0  }
0x1a7: {  	[sflag:s20] =	ssyncadd.s32 $0xFFFF8000  }
0x1a8: {  	s18 =	smin.u32 s18, $0x20;
	s19 =	simm.s32 $0x0;
	s22 =	simm.s32 $0x0  }
.LBB2_29:
0x1a9: {  	s9 =	sshll.u32 s22, $0xA;
	s23 =	sshll.u32 s22, $0x7  }
0x1aa: {  	s9 =	sand.u32 $0xFFFFE000, s9;
	s23 =	sand.u32 $0x380, s23  }
0x1ab: {  	s9 =	sor.u32 s23, s9  }
0x1ac: {  	s26 =	sand.u32 $0x1C00, s19;
	s23 =	sadd.s32 $0xA00, s9  }
0x1ad: {  	s24 =	sand.u32 $0x70, s19;
	s9 =	sadd.s32 s26, s23  }
0x1ae: {  	s25 =	simm.s32 $0x10;
	s26 =	simm.s32 $0x0;
	s24 =	sadd.s32 s24, s9  }
.LBB2_30:
0x1af: {  	p1 =	sne.s32 s25, $0x3F0  }
0x1b0: {  	[tilespmem:s24+$0x0] =	vst v5;
	s26 =	sadd.s32 $0x80, s26;
	s9 =	smov.u32 s25;
	s25 =	sadd.s32 $0x10, s25  }
.Ltmp19:
0x1b1: {  	(pc) =	sbr.rel @p1 .LBB2_30-.Ltmp19, $4  }
0x1b2: {  	_ = 	snop  }
0x1b3: {  	s24 =	sand.u32 $0x1C00, s26  }
0x1b4: {  	s9 =	sand.u32 $0x70, s9;
	s24 =	sadd.s32 s24, s23  }
0x1b5: {  	s24 =	sadd.s32 s9, s24  }
0x1b6: {  	s22 =	sadd.s32 $0x1, s22  }
0x1b7: {  	p1 =	sne.s32 s22, s18  }
.Ltmp20:
0x1b8: {  	_ = 	snop;
	(pc) =	sbr.rel @p1 .LBB2_29-.Ltmp20, $2  }
0x1b9: {  	_ =	sdelay $0x2  }
0x1ba: {  	[tilespmem:s24+$0x0] =	vst v5  }
.LBB2_32:
0x1bb: {  	s9 =	rddreg [dreg:$0x9]  }
0x1bc: {  	[hbm4b:s9+s3] =	stream.linear.scatter [tilespmem:s29], [sflag:$0x3], $0x8000, $0x38;
	[tilespmem:$0x10A00] =	vst v63  }
0x1bd: {  	_ =	swait.ge [sflag:s15], $0x8000  }
0x1be: {  	[sflag:s15] =	ssyncset.done $0x0  }
0x1bf: {  	[sflag:s15] =	ssyncadd.s32 $0xFFFF8000  }
0x1c0: {  	v6 =	vld [tilespmem:$0x8A0];
	_ =	sdelay $0x4  }
0x1c1: {  	v7 =	vshll.u32 v6, $0x3  }
0x1c2: {  	v6 =	vand.u32 $0x7, v6;
	v7 =	vand.u32 $0xFFFFFFC0, v7  }
0x1c3: {  	v6 =	vor.u32 v6, v7  }
0x1c4: {  	v7 =	vperm.xlane v6, v2;
	_ =	sdelay $0x1  }
0x1c5: {  	v7 =	vadd.s32 v3, v7;
	_ =	sdelay $0x4  }
0x1c6: {  	[tilespmem:s21], [sflag:$0x2] =	stream.indirect_vreg.gather [hbm4b:s1+s3], $0x80, v7, vm0, $0xb8;
	[tilespmem:$0x10A00] =	vst v63  }
0x1c7: {  	s19 =	simm.s32 $0x9200;
	v6 =	vperm.xlane v6, v4  }
0x1c8: {  	[tilespmem:s19], [sflag:$0x2] =	stream.indirect_vreg.gather [hbm4b:s6+s3], $0x80, v7, vm0, $0xb8;
	[tilespmem:$0x10A00] =	vst v63  }
0x1c9: {  	s22 =	simm.s32 $0x9A00;
	v6 =	vadd.s32 v3, v6  }
0x1ca: {  	[tilespmem:s22], [sflag:$0x2] =	stream.indirect_vreg.gather [hbm4b:s7+s3], $0x80, v7, vm0, $0xb8;
	[tilespmem:$0x10A00] =	vst v63  }
0x1cb: {  	s23 =	simm.s32 $0xA200  }
0x1cc: {  	[tilespmem:s23], [sflag:$0x2] =	stream.indirect_vreg.gather [hbm4b:s8+s3], $0x80, v7, vm0, $0xb8;
	[tilespmem:$0x10A00] =	vst v63  }
0x1cd: {  	s24 =	simm.s32 $0xAA00  }
0x1ce: {  	[tilespmem:s24], [sflag:$0x2] =	stream.indirect_vreg.gather [hbm4b:s1+s3], $0x80, v6, vm0, $0xb8;
	[tilespmem:$0x10A00] =	vst v63  }
0x1cf: {  	s25 =	simm.s32 $0xB200  }
0x1d0: {  	[tilespmem:s25], [sflag:$0x2] =	stream.indirect_vreg.gather [hbm4b:s6+s3], $0x80, v6, vm0, $0xb8;
	[tilespmem:$0x10A00] =	vst v63  }
0x1d1: {  	s26 =	simm.s32 $0xBA00  }
0x1d2: {  	[tilespmem:s26], [sflag:$0x2] =	stream.indirect_vreg.gather [hbm4b:s7+s3], $0x80, v6, vm0, $0xb8;
	[tilespmem:$0x10A00] =	vst v63  }
0x1d3: {  	_ = 	snop  }
0x1d4: {  	[tilespmem:s28], [sflag:$0x2] =	stream.indirect_vreg.gather [hbm4b:s8+s3], $0x80, v6, vm0, $0xb8;
	[tilespmem:$0x10A00] =	vst v63  }
0x1d5: {  	v6 =	vld [tilespmem:$0x8B0];
	_ =	sdelay $0x4  }
0x1d6: {  	v7 =	vshll.u32 v6, $0x3  }
0x1d7: {  	v6 =	vand.u32 $0x7, v6;
	v7 =	vand.u32 $0xFFFFFFC0, v7  }
0x1d8: {  	v6 =	vor.u32 v6, v7  }
0x1d9: {  	v7 =	vperm.xlane v6, v2;
	_ =	sdelay $0x1  }
0x1da: {  	v7 =	vadd.s32 v3, v7;
	_ =	sdelay $0x4  }
0x1db: {  	[tilespmem:s30], [sflag:$0x2] =	stream.indirect_vreg.gather [hbm4b:s1+s3], $0x80, v7, vm0, $0xb8;
	[tilespmem:$0x10A00] =	vst v63  }
0x1dc: {  	v6 =	vperm.xlane v6, v4  }
0x1dd: {  	[tilespmem:s31], [sflag:$0x2] =	stream.indirect_vreg.gather [hbm4b:s6+s3], $0x80, v7, vm0, $0xb8;
	[tilespmem:$0x10A00] =	vst v63  }
0x1de: {  	v6 =	vadd.s32 v3, v6  }
0x1df: {  	[tilespmem:s0], [sflag:$0x2] =	stream.indirect_vreg.gather [hbm4b:s7+s3], $0x80, v7, vm0, $0xb8;
	[tilespmem:$0x10A00] =	vst v63  }
0x1e0: {  	_ = 	snop  }
0x1e1: {  	[tilespmem:s2], [sflag:$0x2] =	stream.indirect_vreg.gather [hbm4b:s8+s3], $0x80, v7, vm0, $0xb8;
	[tilespmem:$0x10A00] =	vst v63  }
0x1e2: {  	_ = 	snop  }
0x1e3: {  	[tilespmem:s5], [sflag:$0x2] =	stream.indirect_vreg.gather [hbm4b:s1+s3], $0x80, v6, vm0, $0xb8;
	[tilespmem:$0x10A00] =	vst v63  }
0x1e4: {  	s18 =	sadd.s32 $0xFFFFFF60, s17  }
0x1e5: {  	[tilespmem:s10], [sflag:$0x2] =	stream.indirect_vreg.gather [hbm4b:s6+s3], $0x80, v6, vm0, $0xb8;
	[tilespmem:$0x10A00] =	vst v63  }
0x1e6: {  	p1 =	slt.s32 s18, $0x1  }
0x1e7: {  	[tilespmem:s11], [sflag:$0x2] =	stream.indirect_vreg.gather [hbm4b:s7+s3], $0x80, v6, vm0, $0xb8;
	[tilespmem:$0x10A00] =	vst v63  }
.Ltmp21:
0x1e8: {  	_ = 	snop;
	(pc) =	sbr.rel @p1 .LBB2_37-.Ltmp21, $4  }
0x1e9: {  	[tilespmem:s12], [sflag:$0x2] =	stream.indirect_vreg.gather [hbm4b:s8+s3], $0x80, v6, vm0, $0xb8;
	[tilespmem:$0x10A00] =	vst v63  }
0x1ea: {  	_ =	swait.ge [sflag:s13], $0x8000  }
0x1eb: {  	[sflag:s13] =	ssyncset.done $0x0  }
0x1ec: {  	[sflag:s13] =	ssyncadd.s32 $0xFFFF8000  }
0x1ed: {  	s18 =	smin.u32 s18, $0x20;
	s19 =	simm.s32 $0x0;
	s22 =	simm.s32 $0x0  }
.LBB2_34:
0x1ee: {  	s9 =	sshll.u32 s22, $0xA;
	s23 =	sshll.u32 s22, $0x7  }
0x1ef: {  	s9 =	sand.u32 $0xFFFFE000, s9;
	s23 =	sand.u32 $0x380, s23  }
0x1f0: {  	s9 =	sor.u32 s23, s9  }
0x1f1: {  	s26 =	sand.u32 $0x1C00, s19;
	s23 =	sadd.s32 $0x8A00, s9  }
0x1f2: {  	s24 =	sand.u32 $0x70, s19;
	s9 =	sadd.s32 s26, s23  }
0x1f3: {  	s25 =	simm.s32 $0x10;
	s26 =	simm.s32 $0x0;
	s24 =	sadd.s32 s24, s9  }
.LBB2_35:
0x1f4: {  	p1 =	sne.s32 s25, $0x3F0  }
0x1f5: {  	[tilespmem:s24+$0x0] =	vst v5;
	s26 =	sadd.s32 $0x80, s26;
	s9 =	smov.u32 s25;
	s25 =	sadd.s32 $0x10, s25  }
.Ltmp22:
0x1f6: {  	(pc) =	sbr.rel @p1 .LBB2_35-.Ltmp22, $4  }
0x1f7: {  	_ = 	snop  }
0x1f8: {  	s24 =	sand.u32 $0x1C00, s26  }
0x1f9: {  	s9 =	sand.u32 $0x70, s9;
	s24 =	sadd.s32 s24, s23  }
0x1fa: {  	s24 =	sadd.s32 s9, s24  }
0x1fb: {  	s22 =	sadd.s32 $0x1, s22  }
0x1fc: {  	p1 =	sne.s32 s22, s18  }
.Ltmp23:
0x1fd: {  	_ = 	snop;
	(pc) =	sbr.rel @p1 .LBB2_34-.Ltmp23, $2  }
0x1fe: {  	_ =	sdelay $0x2  }
0x1ff: {  	[tilespmem:s24+$0x0] =	vst v5  }
.LBB2_37:
0x200: {  	s9 =	rddreg [dreg:$0xa]  }
0x201: {  	[hbm4b:s9+s3] =	stream.linear.scatter [tilespmem:s21], [sflag:$0x4], $0x8000, $0x38;
	[tilespmem:$0x10A00] =	vst v63  }
0x202: {  	_ =	swait.ge [sflag:s14], $0x8000  }
0x203: {  	[sflag:s14] =	ssyncset.done $0x0  }
0x204: {  	[sflag:s14] =	ssyncadd.s32 $0xFFFF8000  }
0x205: {  	v6 =	vld [tilespmem:$0x8C0];
	_ =	sdelay $0x4  }
0x206: {  	v7 =	vshll.u32 v6, $0x3  }
0x207: {  	v6 =	vand.u32 $0x7, v6;
	v7 =	vand.u32 $0xFFFFFFC0, v7  }
0x208: {  	v6 =	vor.u32 v6, v7  }
0x209: {  	v7 =	vperm.xlane v6, v2;
	_ =	sdelay $0x1  }
0x20a: {  	v7 =	vadd.s32 v3, v7;
	_ =	sdelay $0x4  }
0x20b: {  	[tilespmem:s29], [sflag:$0x1] =	stream.indirect_vreg.gather [hbm4b:s1+s3], $0x80, v7, vm0, $0xb8;
	[tilespmem:$0x10A00] =	vst v63  }
0x20c: {  	s26 =	simm.s32 $0x1200;
	v6 =	vperm.xlane v6, v4  }
0x20d: {  	[tilespmem:s26], [sflag:$0x1] =	stream.indirect_vreg.gather [hbm4b:s6+s3], $0x80, v7, vm0, $0xb8;
	[tilespmem:$0x10A00] =	vst v63  }
0x20e: {  	s18 =	simm.s32 $0x1A00;
	v6 =	vadd.s32 v3, v6  }
0x20f: {  	[tilespmem:s18], [sflag:$0x1] =	stream.indirect_vreg.gather [hbm4b:s7+s3], $0x80, v7, vm0, $0xb8;
	[tilespmem:$0x10A00] =	vst v63  }
0x210: {  	s19 =	simm.s32 $0x2200  }
0x211: {  	[tilespmem:s19], [sflag:$0x1] =	stream.indirect_vreg.gather [hbm4b:s8+s3], $0x80, v7, vm0, $0xb8;
	[tilespmem:$0x10A00] =	vst v63  }
0x212: {  	s22 =	simm.s32 $0x2A00  }
0x213: {  	[tilespmem:s22], [sflag:$0x1] =	stream.indirect_vreg.gather [hbm4b:s1+s3], $0x80, v6, vm0, $0xb8;
	[tilespmem:$0x10A00] =	vst v63  }
0x214: {  	s23 =	simm.s32 $0x3200  }
0x215: {  	[tilespmem:s23], [sflag:$0x1] =	stream.indirect_vreg.gather [hbm4b:s6+s3], $0x80, v6, vm0, $0xb8;
	[tilespmem:$0x10A00] =	vst v63  }
0x216: {  	s24 =	simm.s32 $0x3A00  }
0x217: {  	[tilespmem:s24], [sflag:$0x1] =	stream.indirect_vreg.gather [hbm4b:s7+s3], $0x80, v6, vm0, $0xb8;
	[tilespmem:$0x10A00] =	vst v63  }
0x218: {  	s25 =	simm.s32 $0x4200  }
0x219: {  	[tilespmem:s25], [sflag:$0x1] =	stream.indirect_vreg.gather [hbm4b:s8+s3], $0x80, v6, vm0, $0xb8;
	[tilespmem:$0x10A00] =	vst v63  }
0x21a: {  	v6 =	vld [tilespmem:$0x8D0];
	_ =	sdelay $0x4  }
0x21b: {  	v7 =	vshll.u32 v6, $0x3  }
0x21c: {  	v6 =	vand.u32 $0x7, v6;
	v7 =	vand.u32 $0xFFFFFFC0, v7  }
0x21d: {  	v6 =	vor.u32 v6, v7  }
0x21e: {  	v7 =	vperm.xlane v6, v2;
	_ =	sdelay $0x1  }
0x21f: {  	v7 =	vadd.s32 v3, v7;
	_ =	sdelay $0x3  }
0x220: {  	s26 =	simm.s32 $0x4A00  }
0x221: {  	[tilespmem:s26], [sflag:$0x1] =	stream.indirect_vreg.gather [hbm4b:s1+s3], $0x80, v7, vm0, $0xb8;
	[tilespmem:$0x10A00] =	vst v63  }
0x222: {  	s18 =	simm.s32 $0x5200;
	v6 =	vperm.xlane v6, v4  }
0x223: {  	[tilespmem:s18], [sflag:$0x1] =	stream.indirect_vreg.gather [hbm4b:s6+s3], $0x80, v7, vm0, $0xb8;
	[tilespmem:$0x10A00] =	vst v63  }
0x224: {  	s19 =	simm.s32 $0x5A00;
	v6 =	vadd.s32 v3, v6  }
0x225: {  	[tilespmem:s19], [sflag:$0x1] =	stream.indirect_vreg.gather [hbm4b:s7+s3], $0x80, v7, vm0, $0xb8;
	[tilespmem:$0x10A00] =	vst v63  }
0x226: {  	s22 =	simm.s32 $0x6200  }
0x227: {  	[tilespmem:s22], [sflag:$0x1] =	stream.indirect_vreg.gather [hbm4b:s8+s3], $0x80, v7, vm0, $0xb8;
	[tilespmem:$0x10A00] =	vst v63  }
0x228: {  	s23 =	simm.s32 $0x6A00  }
0x229: {  	[tilespmem:s23], [sflag:$0x1] =	stream.indirect_vreg.gather [hbm4b:s1+s3], $0x80, v6, vm0, $0xb8;
	[tilespmem:$0x10A00] =	vst v63  }
0x22a: {  	s24 =	simm.s32 $0x7200;
	s18 =	sadd.s32 $0xFFFFFF40, s17  }
0x22b: {  	[tilespmem:s24], [sflag:$0x1] =	stream.indirect_vreg.gather [hbm4b:s6+s3], $0x80, v6, vm0, $0xb8;
	[tilespmem:$0x10A00] =	vst v63  }
0x22c: {  	s25 =	simm.s32 $0x7A00;
	p1 =	slt.s32 s18, $0x1  }
0x22d: {  	[tilespmem:s25], [sflag:$0x1] =	stream.indirect_vreg.gather [hbm4b:s7+s3], $0x80, v6, vm0, $0xb8;
	[tilespmem:$0x10A00] =	vst v63  }
.Ltmp24:
0x22e: {  	s26 =	simm.s32 $0x8200;
	(pc) =	sbr.rel @p1 .LBB2_42-.Ltmp24, $4  }
0x22f: {  	[tilespmem:s26], [sflag:$0x1] =	stream.indirect_vreg.gather [hbm4b:s8+s3], $0x80, v6, vm0, $0xb8;
	[tilespmem:$0x10A00] =	vst v63  }
0x230: {  	_ =	swait.ge [sflag:s20], $0x8000  }
0x231: {  	[sflag:s20] =	ssyncset.done $0x0  }
0x232: {  	[sflag:s20] =	ssyncadd.s32 $0xFFFF8000  }
0x233: {  	s18 =	smin.u32 s18, $0x20;
	s19 =	simm.s32 $0x0;
	s22 =	simm.s32 $0x0  }
.LBB2_39:
0x234: {  	s9 =	sshll.u32 s22, $0xA;
	s23 =	sshll.u32 s22, $0x7  }
0x235: {  	s9 =	sand.u32 $0xFFFFE000, s9;
	s23 =	sand.u32 $0x380, s23  }
0x236: {  	s9 =	sor.u32 s23, s9  }
0x237: {  	s26 =	sand.u32 $0x1C00, s19;
	s23 =	sadd.s32 $0xA00, s9  }
0x238: {  	s24 =	sand.u32 $0x70, s19;
	s9 =	sadd.s32 s26, s23  }
0x239: {  	s25 =	simm.s32 $0x10;
	s26 =	simm.s32 $0x0;
	s24 =	sadd.s32 s24, s9  }
.LBB2_40:
0x23a: {  	p1 =	sne.s32 s25, $0x3F0  }
0x23b: {  	[tilespmem:s24+$0x0] =	vst v5;
	s26 =	sadd.s32 $0x80, s26;
	s9 =	smov.u32 s25;
	s25 =	sadd.s32 $0x10, s25  }
.Ltmp25:
0x23c: {  	(pc) =	sbr.rel @p1 .LBB2_40-.Ltmp25, $4  }
0x23d: {  	_ = 	snop  }
0x23e: {  	s24 =	sand.u32 $0x1C00, s26  }
0x23f: {  	s9 =	sand.u32 $0x70, s9;
	s24 =	sadd.s32 s24, s23  }
0x240: {  	s24 =	sadd.s32 s9, s24  }
0x241: {  	s22 =	sadd.s32 $0x1, s22  }
0x242: {  	p1 =	sne.s32 s22, s18  }
.Ltmp26:
0x243: {  	_ = 	snop;
	(pc) =	sbr.rel @p1 .LBB2_39-.Ltmp26, $2  }
0x244: {  	_ =	sdelay $0x2  }
0x245: {  	[tilespmem:s24+$0x0] =	vst v5  }
.LBB2_42:
0x246: {  	s9 =	rddreg [dreg:$0xb]  }
0x247: {  	[hbm4b:s9+s3] =	stream.linear.scatter [tilespmem:s29], [sflag:$0x3], $0x8000, $0x38;
	[tilespmem:$0x10A00] =	vst v63  }
0x248: {  	_ =	swait.ge [sflag:s15], $0x8000  }
0x249: {  	[sflag:s15] =	ssyncset.done $0x0  }
0x24a: {  	[sflag:s15] =	ssyncadd.s32 $0xFFFF8000  }
0x24b: {  	v6 =	vld [tilespmem:$0x8E0];
	_ =	sdelay $0x4  }
0x24c: {  	v7 =	vshll.u32 v6, $0x3  }
0x24d: {  	v6 =	vand.u32 $0x7, v6;
	v7 =	vand.u32 $0xFFFFFFC0, v7  }
0x24e: {  	v6 =	vor.u32 v6, v7  }
0x24f: {  	v7 =	vperm.xlane v6, v2;
	_ =	sdelay $0x1  }
0x250: {  	v7 =	vadd.s32 v3, v7;
	_ =	sdelay $0x4  }
0x251: {  	[tilespmem:s21], [sflag:$0x2] =	stream.indirect_vreg.gather [hbm4b:s1+s3], $0x80, v7, vm0, $0xb8;
	[tilespmem:$0x10A00] =	vst v63  }
0x252: {  	s19 =	simm.s32 $0x9200;
	v6 =	vperm.xlane v6, v4  }
0x253: {  	[tilespmem:s19], [sflag:$0x2] =	stream.indirect_vreg.gather [hbm4b:s6+s3], $0x80, v7, vm0, $0xb8;
	[tilespmem:$0x10A00] =	vst v63  }
0x254: {  	s22 =	simm.s32 $0x9A00;
	v6 =	vadd.s32 v3, v6  }
0x255: {  	[tilespmem:s22], [sflag:$0x2] =	stream.indirect_vreg.gather [hbm4b:s7+s3], $0x80, v7, vm0, $0xb8;
	[tilespmem:$0x10A00] =	vst v63  }
0x256: {  	s23 =	simm.s32 $0xA200  }
0x257: {  	[tilespmem:s23], [sflag:$0x2] =	stream.indirect_vreg.gather [hbm4b:s8+s3], $0x80, v7, vm0, $0xb8;
	[tilespmem:$0x10A00] =	vst v63  }
0x258: {  	s24 =	simm.s32 $0xAA00  }
0x259: {  	[tilespmem:s24], [sflag:$0x2] =	stream.indirect_vreg.gather [hbm4b:s1+s3], $0x80, v6, vm0, $0xb8;
	[tilespmem:$0x10A00] =	vst v63  }
0x25a: {  	s25 =	simm.s32 $0xB200  }
0x25b: {  	[tilespmem:s25], [sflag:$0x2] =	stream.indirect_vreg.gather [hbm4b:s6+s3], $0x80, v6, vm0, $0xb8;
	[tilespmem:$0x10A00] =	vst v63  }
0x25c: {  	s26 =	simm.s32 $0xBA00  }
0x25d: {  	[tilespmem:s26], [sflag:$0x2] =	stream.indirect_vreg.gather [hbm4b:s7+s3], $0x80, v6, vm0, $0xb8;
	[tilespmem:$0x10A00] =	vst v63  }
0x25e: {  	_ = 	snop  }
0x25f: {  	[tilespmem:s28], [sflag:$0x2] =	stream.indirect_vreg.gather [hbm4b:s8+s3], $0x80, v6, vm0, $0xb8;
	[tilespmem:$0x10A00] =	vst v63  }
0x260: {  	v6 =	vld [tilespmem:$0x8F0];
	_ =	sdelay $0x4  }
0x261: {  	v7 =	vshll.u32 v6, $0x3  }
0x262: {  	v6 =	vand.u32 $0x7, v6;
	v7 =	vand.u32 $0xFFFFFFC0, v7  }
0x263: {  	v6 =	vor.u32 v6, v7  }
0x264: {  	v7 =	vperm.xlane v6, v2;
	_ =	sdelay $0x1  }
0x265: {  	v7 =	vadd.s32 v3, v7;
	_ =	sdelay $0x4  }
0x266: {  	[tilespmem:s30], [sflag:$0x2] =	stream.indirect_vreg.gather [hbm4b:s1+s3], $0x80, v7, vm0, $0xb8;
	[tilespmem:$0x10A00] =	vst v63  }
0x267: {  	v6 =	vperm.xlane v6, v4  }
0x268: {  	[tilespmem:s31], [sflag:$0x2] =	stream.indirect_vreg.gather [hbm4b:s6+s3], $0x80, v7, vm0, $0xb8;
	[tilespmem:$0x10A00] =	vst v63  }
0x269: {  	v6 =	vadd.s32 v3, v6  }
0x26a: {  	[tilespmem:s0], [sflag:$0x2] =	stream.indirect_vreg.gather [hbm4b:s7+s3], $0x80, v7, vm0, $0xb8;
	[tilespmem:$0x10A00] =	vst v63  }
0x26b: {  	_ = 	snop  }
0x26c: {  	[tilespmem:s2], [sflag:$0x2] =	stream.indirect_vreg.gather [hbm4b:s8+s3], $0x80, v7, vm0, $0xb8;
	[tilespmem:$0x10A00] =	vst v63  }
0x26d: {  	_ = 	snop  }
0x26e: {  	[tilespmem:s5], [sflag:$0x2] =	stream.indirect_vreg.gather [hbm4b:s1+s3], $0x80, v6, vm0, $0xb8;
	[tilespmem:$0x10A00] =	vst v63  }
0x26f: {  	s18 =	sadd.s32 $0xFFFFFF20, s17  }
0x270: {  	[tilespmem:s10], [sflag:$0x2] =	stream.indirect_vreg.gather [hbm4b:s6+s3], $0x80, v6, vm0, $0xb8;
	[tilespmem:$0x10A00] =	vst v63  }
0x271: {  	p1 =	slt.s32 s18, $0x1  }
0x272: {  	[tilespmem:s11], [sflag:$0x2] =	stream.indirect_vreg.gather [hbm4b:s7+s3], $0x80, v6, vm0, $0xb8;
	[tilespmem:$0x10A00] =	vst v63  }
.Ltmp27:
0x273: {  	_ = 	snop;
	(pc) =	sbr.rel @p1 .LBB2_47-.Ltmp27, $4  }
0x274: {  	[tilespmem:s12], [sflag:$0x2] =	stream.indirect_vreg.gather [hbm4b:s8+s3], $0x80, v6, vm0, $0xb8;
	[tilespmem:$0x10A00] =	vst v63  }
0x275: {  	_ =	swait.ge [sflag:s13], $0x8000  }
0x276: {  	[sflag:s13] =	ssyncset.done $0x0  }
0x277: {  	[sflag:s13] =	ssyncadd.s32 $0xFFFF8000  }
0x278: {  	s18 =	smin.u32 s18, $0x20;
	s19 =	simm.s32 $0x0;
	s22 =	simm.s32 $0x0  }
.LBB2_44:
0x279: {  	s9 =	sshll.u32 s22, $0xA;
	s23 =	sshll.u32 s22, $0x7  }
0x27a: {  	s9 =	sand.u32 $0xFFFFE000, s9;
	s23 =	sand.u32 $0x380, s23  }
0x27b: {  	s9 =	sor.u32 s23, s9  }
0x27c: {  	s26 =	sand.u32 $0x1C00, s19;
	s23 =	sadd.s32 $0x8A00, s9  }
0x27d: {  	s24 =	sand.u32 $0x70, s19;
	s9 =	sadd.s32 s26, s23  }
0x27e: {  	s25 =	simm.s32 $0x10;
	s26 =	simm.s32 $0x0;
	s24 =	sadd.s32 s24, s9  }
.LBB2_45:
0x27f: {  	p1 =	sne.s32 s25, $0x3F0  }
0x280: {  	[tilespmem:s24+$0x0] =	vst v5;
	s26 =	sadd.s32 $0x80, s26;
	s9 =	smov.u32 s25;
	s25 =	sadd.s32 $0x10, s25  }
.Ltmp28:
0x281: {  	(pc) =	sbr.rel @p1 .LBB2_45-.Ltmp28, $4  }
0x282: {  	_ = 	snop  }
0x283: {  	s24 =	sand.u32 $0x1C00, s26  }
0x284: {  	s9 =	sand.u32 $0x70, s9;
	s24 =	sadd.s32 s24, s23  }
0x285: {  	s24 =	sadd.s32 s9, s24  }
0x286: {  	s22 =	sadd.s32 $0x1, s22  }
0x287: {  	p1 =	sne.s32 s22, s18  }
.Ltmp29:
0x288: {  	_ = 	snop;
	(pc) =	sbr.rel @p1 .LBB2_44-.Ltmp29, $2  }
0x289: {  	_ =	sdelay $0x2  }
0x28a: {  	[tilespmem:s24+$0x0] =	vst v5  }
.LBB2_47:
0x28b: {  	s9 =	rddreg [dreg:$0xc]  }
0x28c: {  	[hbm4b:s9+s3] =	stream.linear.scatter [tilespmem:s21], [sflag:$0x4], $0x8000, $0x38;
	[tilespmem:$0x10A00] =	vst v63  }
0x28d: {  	_ =	swait.ge [sflag:s14], $0x8000  }
0x28e: {  	[sflag:s14] =	ssyncset.done $0x0  }
0x28f: {  	[sflag:s14] =	ssyncadd.s32 $0xFFFF8000  }
0x290: {  	v6 =	vld [tilespmem:$0x900];
	_ =	sdelay $0x4  }
0x291: {  	v7 =	vshll.u32 v6, $0x3  }
0x292: {  	v6 =	vand.u32 $0x7, v6;
	v7 =	vand.u32 $0xFFFFFFC0, v7  }
0x293: {  	v6 =	vor.u32 v6, v7  }
0x294: {  	v7 =	vperm.xlane v6, v2;
	_ =	sdelay $0x1  }
0x295: {  	v7 =	vadd.s32 v3, v7;
	_ =	sdelay $0x4  }
0x296: {  	[tilespmem:s29], [sflag:$0x1] =	stream.indirect_vreg.gather [hbm4b:s1+s3], $0x80, v7, vm0, $0xb8;
	[tilespmem:$0x10A00] =	vst v63  }
0x297: {  	s26 =	simm.s32 $0x1200;
	v6 =	vperm.xlane v6, v4  }
0x298: {  	[tilespmem:s26], [sflag:$0x1] =	stream.indirect_vreg.gather [hbm4b:s6+s3], $0x80, v7, vm0, $0xb8;
	[tilespmem:$0x10A00] =	vst v63  }
0x299: {  	s18 =	simm.s32 $0x1A00;
	v6 =	vadd.s32 v3, v6  }
0x29a: {  	[tilespmem:s18], [sflag:$0x1] =	stream.indirect_vreg.gather [hbm4b:s7+s3], $0x80, v7, vm0, $0xb8;
	[tilespmem:$0x10A00] =	vst v63  }
0x29b: {  	s19 =	simm.s32 $0x2200  }
0x29c: {  	[tilespmem:s19], [sflag:$0x1] =	stream.indirect_vreg.gather [hbm4b:s8+s3], $0x80, v7, vm0, $0xb8;
	[tilespmem:$0x10A00] =	vst v63  }
0x29d: {  	s22 =	simm.s32 $0x2A00  }
0x29e: {  	[tilespmem:s22], [sflag:$0x1] =	stream.indirect_vreg.gather [hbm4b:s1+s3], $0x80, v6, vm0, $0xb8;
	[tilespmem:$0x10A00] =	vst v63  }
0x29f: {  	s23 =	simm.s32 $0x3200  }
0x2a0: {  	[tilespmem:s23], [sflag:$0x1] =	stream.indirect_vreg.gather [hbm4b:s6+s3], $0x80, v6, vm0, $0xb8;
	[tilespmem:$0x10A00] =	vst v63  }
0x2a1: {  	s24 =	simm.s32 $0x3A00  }
0x2a2: {  	[tilespmem:s24], [sflag:$0x1] =	stream.indirect_vreg.gather [hbm4b:s7+s3], $0x80, v6, vm0, $0xb8;
	[tilespmem:$0x10A00] =	vst v63  }
0x2a3: {  	s25 =	simm.s32 $0x4200  }
0x2a4: {  	[tilespmem:s25], [sflag:$0x1] =	stream.indirect_vreg.gather [hbm4b:s8+s3], $0x80, v6, vm0, $0xb8;
	[tilespmem:$0x10A00] =	vst v63  }
0x2a5: {  	v6 =	vld [tilespmem:$0x910];
	_ =	sdelay $0x4  }
0x2a6: {  	v7 =	vshll.u32 v6, $0x3  }
0x2a7: {  	v6 =	vand.u32 $0x7, v6;
	v7 =	vand.u32 $0xFFFFFFC0, v7  }
0x2a8: {  	v6 =	vor.u32 v6, v7  }
0x2a9: {  	v7 =	vperm.xlane v6, v2;
	_ =	sdelay $0x1  }
0x2aa: {  	v7 =	vadd.s32 v3, v7;
	_ =	sdelay $0x3  }
0x2ab: {  	s26 =	simm.s32 $0x4A00  }
0x2ac: {  	[tilespmem:s26], [sflag:$0x1] =	stream.indirect_vreg.gather [hbm4b:s1+s3], $0x80, v7, vm0, $0xb8;
	[tilespmem:$0x10A00] =	vst v63  }
0x2ad: {  	s18 =	simm.s32 $0x5200;
	v6 =	vperm.xlane v6, v4  }
0x2ae: {  	[tilespmem:s18], [sflag:$0x1] =	stream.indirect_vreg.gather [hbm4b:s6+s3], $0x80, v7, vm0, $0xb8;
	[tilespmem:$0x10A00] =	vst v63  }
0x2af: {  	s19 =	simm.s32 $0x5A00;
	v6 =	vadd.s32 v3, v6  }
0x2b0: {  	[tilespmem:s19], [sflag:$0x1] =	stream.indirect_vreg.gather [hbm4b:s7+s3], $0x80, v7, vm0, $0xb8;
	[tilespmem:$0x10A00] =	vst v63  }
0x2b1: {  	s22 =	simm.s32 $0x6200  }
0x2b2: {  	[tilespmem:s22], [sflag:$0x1] =	stream.indirect_vreg.gather [hbm4b:s8+s3], $0x80, v7, vm0, $0xb8;
	[tilespmem:$0x10A00] =	vst v63  }
0x2b3: {  	s23 =	simm.s32 $0x6A00  }
0x2b4: {  	[tilespmem:s23], [sflag:$0x1] =	stream.indirect_vreg.gather [hbm4b:s1+s3], $0x80, v6, vm0, $0xb8;
	[tilespmem:$0x10A00] =	vst v63  }
0x2b5: {  	s24 =	simm.s32 $0x7200;
	s18 =	sadd.s32 $0xFFFFFF00, s17  }
0x2b6: {  	[tilespmem:s24], [sflag:$0x1] =	stream.indirect_vreg.gather [hbm4b:s6+s3], $0x80, v6, vm0, $0xb8;
	[tilespmem:$0x10A00] =	vst v63  }
0x2b7: {  	s25 =	simm.s32 $0x7A00;
	p1 =	slt.s32 s18, $0x1  }
0x2b8: {  	[tilespmem:s25], [sflag:$0x1] =	stream.indirect_vreg.gather [hbm4b:s7+s3], $0x80, v6, vm0, $0xb8;
	[tilespmem:$0x10A00] =	vst v63  }
.Ltmp30:
0x2b9: {  	s26 =	simm.s32 $0x8200;
	(pc) =	sbr.rel @p1 .LBB2_52-.Ltmp30, $4  }
0x2ba: {  	[tilespmem:s26], [sflag:$0x1] =	stream.indirect_vreg.gather [hbm4b:s8+s3], $0x80, v6, vm0, $0xb8;
	[tilespmem:$0x10A00] =	vst v63  }
0x2bb: {  	_ =	swait.ge [sflag:s20], $0x8000  }
0x2bc: {  	[sflag:s20] =	ssyncset.done $0x0  }
0x2bd: {  	[sflag:s20] =	ssyncadd.s32 $0xFFFF8000  }
0x2be: {  	s18 =	smin.u32 s18, $0x20;
	s19 =	simm.s32 $0x0;
	s22 =	simm.s32 $0x0  }
.LBB2_49:
0x2bf: {  	s9 =	sshll.u32 s22, $0xA;
	s23 =	sshll.u32 s22, $0x7  }
0x2c0: {  	s9 =	sand.u32 $0xFFFFE000, s9;
	s23 =	sand.u32 $0x380, s23  }
0x2c1: {  	s9 =	sor.u32 s23, s9  }
0x2c2: {  	s26 =	sand.u32 $0x1C00, s19;
	s23 =	sadd.s32 $0xA00, s9  }
0x2c3: {  	s24 =	sand.u32 $0x70, s19;
	s9 =	sadd.s32 s26, s23  }
0x2c4: {  	s25 =	simm.s32 $0x10;
	s26 =	simm.s32 $0x0;
	s24 =	sadd.s32 s24, s9  }
.LBB2_50:
0x2c5: {  	p1 =	sne.s32 s25, $0x3F0  }
0x2c6: {  	[tilespmem:s24+$0x0] =	vst v5;
	s26 =	sadd.s32 $0x80, s26;
	s9 =	smov.u32 s25;
	s25 =	sadd.s32 $0x10, s25  }
.Ltmp31:
0x2c7: {  	(pc) =	sbr.rel @p1 .LBB2_50-.Ltmp31, $4  }
0x2c8: {  	_ = 	snop  }
0x2c9: {  	s24 =	sand.u32 $0x1C00, s26  }
0x2ca: {  	s9 =	sand.u32 $0x70, s9;
	s24 =	sadd.s32 s24, s23  }
0x2cb: {  	s24 =	sadd.s32 s9, s24  }
0x2cc: {  	s22 =	sadd.s32 $0x1, s22  }
0x2cd: {  	p1 =	sne.s32 s22, s18  }
.Ltmp32:
0x2ce: {  	_ = 	snop;
	(pc) =	sbr.rel @p1 .LBB2_49-.Ltmp32, $2  }
0x2cf: {  	_ =	sdelay $0x2  }
0x2d0: {  	[tilespmem:s24+$0x0] =	vst v5  }
.LBB2_52:
0x2d1: {  	s9 =	rddreg [dreg:$0xd]  }
0x2d2: {  	[hbm4b:s9+s3] =	stream.linear.scatter [tilespmem:s29], [sflag:$0x3], $0x8000, $0x38;
	[tilespmem:$0x10A00] =	vst v63  }
0x2d3: {  	_ =	swait.ge [sflag:s15], $0x8000  }
0x2d4: {  	[sflag:s15] =	ssyncset.done $0x0  }
0x2d5: {  	[sflag:s15] =	ssyncadd.s32 $0xFFFF8000  }
0x2d6: {  	v6 =	vld [tilespmem:$0x920];
	_ =	sdelay $0x4  }
0x2d7: {  	v7 =	vshll.u32 v6, $0x3  }
0x2d8: {  	v6 =	vand.u32 $0x7, v6;
	v7 =	vand.u32 $0xFFFFFFC0, v7  }
0x2d9: {  	v6 =	vor.u32 v6, v7  }
0x2da: {  	v7 =	vperm.xlane v6, v2;
	_ =	sdelay $0x1  }
0x2db: {  	v7 =	vadd.s32 v3, v7;
	_ =	sdelay $0x4  }
0x2dc: {  	[tilespmem:s21], [sflag:$0x2] =	stream.indirect_vreg.gather [hbm4b:s1+s3], $0x80, v7, vm0, $0xb8;
	[tilespmem:$0x10A00] =	vst v63  }
0x2dd: {  	s19 =	simm.s32 $0x9200;
	v6 =	vperm.xlane v6, v4  }
0x2de: {  	[tilespmem:s19], [sflag:$0x2] =	stream.indirect_vreg.gather [hbm4b:s6+s3], $0x80, v7, vm0, $0xb8;
	[tilespmem:$0x10A00] =	vst v63  }
0x2df: {  	s22 =	simm.s32 $0x9A00;
	v6 =	vadd.s32 v3, v6  }
0x2e0: {  	[tilespmem:s22], [sflag:$0x2] =	stream.indirect_vreg.gather [hbm4b:s7+s3], $0x80, v7, vm0, $0xb8;
	[tilespmem:$0x10A00] =	vst v63  }
0x2e1: {  	s23 =	simm.s32 $0xA200  }
0x2e2: {  	[tilespmem:s23], [sflag:$0x2] =	stream.indirect_vreg.gather [hbm4b:s8+s3], $0x80, v7, vm0, $0xb8;
	[tilespmem:$0x10A00] =	vst v63  }
0x2e3: {  	s24 =	simm.s32 $0xAA00  }
0x2e4: {  	[tilespmem:s24], [sflag:$0x2] =	stream.indirect_vreg.gather [hbm4b:s1+s3], $0x80, v6, vm0, $0xb8;
	[tilespmem:$0x10A00] =	vst v63  }
0x2e5: {  	s25 =	simm.s32 $0xB200  }
0x2e6: {  	[tilespmem:s25], [sflag:$0x2] =	stream.indirect_vreg.gather [hbm4b:s6+s3], $0x80, v6, vm0, $0xb8;
	[tilespmem:$0x10A00] =	vst v63  }
0x2e7: {  	s26 =	simm.s32 $0xBA00  }
0x2e8: {  	[tilespmem:s26], [sflag:$0x2] =	stream.indirect_vreg.gather [hbm4b:s7+s3], $0x80, v6, vm0, $0xb8;
	[tilespmem:$0x10A00] =	vst v63  }
0x2e9: {  	_ = 	snop  }
0x2ea: {  	[tilespmem:s28], [sflag:$0x2] =	stream.indirect_vreg.gather [hbm4b:s8+s3], $0x80, v6, vm0, $0xb8;
	[tilespmem:$0x10A00] =	vst v63  }
0x2eb: {  	v6 =	vld [tilespmem:$0x930];
	_ =	sdelay $0x4  }
0x2ec: {  	v7 =	vshll.u32 v6, $0x3  }
0x2ed: {  	v6 =	vand.u32 $0x7, v6;
	v7 =	vand.u32 $0xFFFFFFC0, v7  }
0x2ee: {  	v6 =	vor.u32 v6, v7  }
0x2ef: {  	v7 =	vperm.xlane v6, v2;
	_ =	sdelay $0x1  }
0x2f0: {  	v7 =	vadd.s32 v3, v7;
	_ =	sdelay $0x4  }
0x2f1: {  	[tilespmem:s30], [sflag:$0x2] =	stream.indirect_vreg.gather [hbm4b:s1+s3], $0x80, v7, vm0, $0xb8;
	[tilespmem:$0x10A00] =	vst v63  }
0x2f2: {  	v6 =	vperm.xlane v6, v4  }
0x2f3: {  	[tilespmem:s31], [sflag:$0x2] =	stream.indirect_vreg.gather [hbm4b:s6+s3], $0x80, v7, vm0, $0xb8;
	[tilespmem:$0x10A00] =	vst v63  }
0x2f4: {  	v6 =	vadd.s32 v3, v6  }
0x2f5: {  	[tilespmem:s0], [sflag:$0x2] =	stream.indirect_vreg.gather [hbm4b:s7+s3], $0x80, v7, vm0, $0xb8;
	[tilespmem:$0x10A00] =	vst v63  }
0x2f6: {  	_ = 	snop  }
0x2f7: {  	[tilespmem:s2], [sflag:$0x2] =	stream.indirect_vreg.gather [hbm4b:s8+s3], $0x80, v7, vm0, $0xb8;
	[tilespmem:$0x10A00] =	vst v63  }
0x2f8: {  	_ = 	snop  }
0x2f9: {  	[tilespmem:s5], [sflag:$0x2] =	stream.indirect_vreg.gather [hbm4b:s1+s3], $0x80, v6, vm0, $0xb8;
	[tilespmem:$0x10A00] =	vst v63  }
0x2fa: {  	s18 =	sadd.s32 $0xFFFFFEE0, s17  }
0x2fb: {  	[tilespmem:s10], [sflag:$0x2] =	stream.indirect_vreg.gather [hbm4b:s6+s3], $0x80, v6, vm0, $0xb8;
	[tilespmem:$0x10A00] =	vst v63  }
0x2fc: {  	p1 =	slt.s32 s18, $0x1  }
0x2fd: {  	[tilespmem:s11], [sflag:$0x2] =	stream.indirect_vreg.gather [hbm4b:s7+s3], $0x80, v6, vm0, $0xb8;
	[tilespmem:$0x10A00] =	vst v63  }
.Ltmp33:
0x2fe: {  	_ = 	snop;
	(pc) =	sbr.rel @p1 .LBB2_57-.Ltmp33, $4  }
0x2ff: {  	[tilespmem:s12], [sflag:$0x2] =	stream.indirect_vreg.gather [hbm4b:s8+s3], $0x80, v6, vm0, $0xb8;
	[tilespmem:$0x10A00] =	vst v63  }
0x300: {  	_ =	swait.ge [sflag:s13], $0x8000  }
0x301: {  	[sflag:s13] =	ssyncset.done $0x0  }
0x302: {  	[sflag:s13] =	ssyncadd.s32 $0xFFFF8000  }
0x303: {  	s18 =	smin.u32 s18, $0x20;
	s19 =	simm.s32 $0x0;
	s22 =	simm.s32 $0x0  }
.LBB2_54:
0x304: {  	s9 =	sshll.u32 s22, $0xA;
	s23 =	sshll.u32 s22, $0x7  }
0x305: {  	s9 =	sand.u32 $0xFFFFE000, s9;
	s23 =	sand.u32 $0x380, s23  }
0x306: {  	s9 =	sor.u32 s23, s9  }
0x307: {  	s26 =	sand.u32 $0x1C00, s19;
	s23 =	sadd.s32 $0x8A00, s9  }
0x308: {  	s24 =	sand.u32 $0x70, s19;
	s9 =	sadd.s32 s26, s23  }
0x309: {  	s25 =	simm.s32 $0x10;
	s26 =	simm.s32 $0x0;
	s24 =	sadd.s32 s24, s9  }
.LBB2_55:
0x30a: {  	p1 =	sne.s32 s25, $0x3F0  }
0x30b: {  	[tilespmem:s24+$0x0] =	vst v5;
	s26 =	sadd.s32 $0x80, s26;
	s9 =	smov.u32 s25;
	s25 =	sadd.s32 $0x10, s25  }
.Ltmp34:
0x30c: {  	(pc) =	sbr.rel @p1 .LBB2_55-.Ltmp34, $4  }
0x30d: {  	_ = 	snop  }
0x30e: {  	s24 =	sand.u32 $0x1C00, s26  }
0x30f: {  	s9 =	sand.u32 $0x70, s9;
	s24 =	sadd.s32 s24, s23  }
0x310: {  	s24 =	sadd.s32 s9, s24  }
0x311: {  	s22 =	sadd.s32 $0x1, s22  }
0x312: {  	p1 =	sne.s32 s22, s18  }
.Ltmp35:
0x313: {  	_ = 	snop;
	(pc) =	sbr.rel @p1 .LBB2_54-.Ltmp35, $2  }
0x314: {  	_ =	sdelay $0x2  }
0x315: {  	[tilespmem:s24+$0x0] =	vst v5  }
.LBB2_57:
0x316: {  	s9 =	rddreg [dreg:$0xe]  }
0x317: {  	[hbm4b:s9+s3] =	stream.linear.scatter [tilespmem:s21], [sflag:$0x4], $0x8000, $0x38;
	[tilespmem:$0x10A00] =	vst v63  }
0x318: {  	_ =	swait.ge [sflag:s14], $0x8000  }
0x319: {  	[sflag:s14] =	ssyncset.done $0x0  }
0x31a: {  	[sflag:s14] =	ssyncadd.s32 $0xFFFF8000  }
0x31b: {  	v6 =	vld [tilespmem:$0x940];
	_ =	sdelay $0x4  }
0x31c: {  	v7 =	vshll.u32 v6, $0x3  }
0x31d: {  	v6 =	vand.u32 $0x7, v6;
	v7 =	vand.u32 $0xFFFFFFC0, v7  }
0x31e: {  	v6 =	vor.u32 v6, v7  }
0x31f: {  	v7 =	vperm.xlane v6, v2;
	_ =	sdelay $0x1  }
0x320: {  	v7 =	vadd.s32 v3, v7;
	_ =	sdelay $0x4  }
0x321: {  	[tilespmem:s29], [sflag:$0x1] =	stream.indirect_vreg.gather [hbm4b:s1+s3], $0x80, v7, vm0, $0xb8;
	[tilespmem:$0x10A00] =	vst v63  }
0x322: {  	s26 =	simm.s32 $0x1200;
	v6 =	vperm.xlane v6, v4  }
0x323: {  	[tilespmem:s26], [sflag:$0x1] =	stream.indirect_vreg.gather [hbm4b:s6+s3], $0x80, v7, vm0, $0xb8;
	[tilespmem:$0x10A00] =	vst v63  }
0x324: {  	s18 =	simm.s32 $0x1A00;
	v6 =	vadd.s32 v3, v6  }
0x325: {  	[tilespmem:s18], [sflag:$0x1] =	stream.indirect_vreg.gather [hbm4b:s7+s3], $0x80, v7, vm0, $0xb8;
	[tilespmem:$0x10A00] =	vst v63  }
0x326: {  	s19 =	simm.s32 $0x2200  }
0x327: {  	[tilespmem:s19], [sflag:$0x1] =	stream.indirect_vreg.gather [hbm4b:s8+s3], $0x80, v7, vm0, $0xb8;
	[tilespmem:$0x10A00] =	vst v63  }
0x328: {  	s22 =	simm.s32 $0x2A00  }
0x329: {  	[tilespmem:s22], [sflag:$0x1] =	stream.indirect_vreg.gather [hbm4b:s1+s3], $0x80, v6, vm0, $0xb8;
	[tilespmem:$0x10A00] =	vst v63  }
0x32a: {  	s23 =	simm.s32 $0x3200  }
0x32b: {  	[tilespmem:s23], [sflag:$0x1] =	stream.indirect_vreg.gather [hbm4b:s6+s3], $0x80, v6, vm0, $0xb8;
	[tilespmem:$0x10A00] =	vst v63  }
0x32c: {  	s24 =	simm.s32 $0x3A00  }
0x32d: {  	[tilespmem:s24], [sflag:$0x1] =	stream.indirect_vreg.gather [hbm4b:s7+s3], $0x80, v6, vm0, $0xb8;
	[tilespmem:$0x10A00] =	vst v63  }
0x32e: {  	s25 =	simm.s32 $0x4200  }
0x32f: {  	[tilespmem:s25], [sflag:$0x1] =	stream.indirect_vreg.gather [hbm4b:s8+s3], $0x80, v6, vm0, $0xb8;
	[tilespmem:$0x10A00] =	vst v63  }
0x330: {  	v6 =	vld [tilespmem:$0x950];
	_ =	sdelay $0x4  }
0x331: {  	v7 =	vshll.u32 v6, $0x3  }
0x332: {  	v6 =	vand.u32 $0x7, v6;
	v7 =	vand.u32 $0xFFFFFFC0, v7  }
0x333: {  	v6 =	vor.u32 v6, v7  }
0x334: {  	v7 =	vperm.xlane v6, v2;
	_ =	sdelay $0x1  }
0x335: {  	v7 =	vadd.s32 v3, v7;
	_ =	sdelay $0x3  }
0x336: {  	s26 =	simm.s32 $0x4A00  }
0x337: {  	[tilespmem:s26], [sflag:$0x1] =	stream.indirect_vreg.gather [hbm4b:s1+s3], $0x80, v7, vm0, $0xb8;
	[tilespmem:$0x10A00] =	vst v63  }
0x338: {  	s18 =	simm.s32 $0x5200;
	v6 =	vperm.xlane v6, v4  }
0x339: {  	[tilespmem:s18], [sflag:$0x1] =	stream.indirect_vreg.gather [hbm4b:s6+s3], $0x80, v7, vm0, $0xb8;
	[tilespmem:$0x10A00] =	vst v63  }
0x33a: {  	s19 =	simm.s32 $0x5A00;
	v6 =	vadd.s32 v3, v6  }
0x33b: {  	[tilespmem:s19], [sflag:$0x1] =	stream.indirect_vreg.gather [hbm4b:s7+s3], $0x80, v7, vm0, $0xb8;
	[tilespmem:$0x10A00] =	vst v63  }
0x33c: {  	s22 =	simm.s32 $0x6200  }
0x33d: {  	[tilespmem:s22], [sflag:$0x1] =	stream.indirect_vreg.gather [hbm4b:s8+s3], $0x80, v7, vm0, $0xb8;
	[tilespmem:$0x10A00] =	vst v63  }
0x33e: {  	s23 =	simm.s32 $0x6A00  }
0x33f: {  	[tilespmem:s23], [sflag:$0x1] =	stream.indirect_vreg.gather [hbm4b:s1+s3], $0x80, v6, vm0, $0xb8;
	[tilespmem:$0x10A00] =	vst v63  }
0x340: {  	s24 =	simm.s32 $0x7200;
	s18 =	sadd.s32 $0xFFFFFEC0, s17  }
0x341: {  	[tilespmem:s24], [sflag:$0x1] =	stream.indirect_vreg.gather [hbm4b:s6+s3], $0x80, v6, vm0, $0xb8;
	[tilespmem:$0x10A00] =	vst v63  }
0x342: {  	s25 =	simm.s32 $0x7A00;
	p1 =	slt.s32 s18, $0x1  }
0x343: {  	[tilespmem:s25], [sflag:$0x1] =	stream.indirect_vreg.gather [hbm4b:s7+s3], $0x80, v6, vm0, $0xb8;
	[tilespmem:$0x10A00] =	vst v63  }
.Ltmp36:
0x344: {  	s26 =	simm.s32 $0x8200;
	(pc) =	sbr.rel @p1 .LBB2_62-.Ltmp36, $4  }
0x345: {  	[tilespmem:s26], [sflag:$0x1] =	stream.indirect_vreg.gather [hbm4b:s8+s3], $0x80, v6, vm0, $0xb8;
	[tilespmem:$0x10A00] =	vst v63  }
0x346: {  	_ =	swait.ge [sflag:s20], $0x8000  }
0x347: {  	[sflag:s20] =	ssyncset.done $0x0  }
0x348: {  	[sflag:s20] =	ssyncadd.s32 $0xFFFF8000  }
0x349: {  	s18 =	smin.u32 s18, $0x20;
	s19 =	simm.s32 $0x0;
	s22 =	simm.s32 $0x0  }
.LBB2_59:
0x34a: {  	s9 =	sshll.u32 s22, $0xA;
	s23 =	sshll.u32 s22, $0x7  }
0x34b: {  	s9 =	sand.u32 $0xFFFFE000, s9;
	s23 =	sand.u32 $0x380, s23  }
0x34c: {  	s9 =	sor.u32 s23, s9  }
0x34d: {  	s26 =	sand.u32 $0x1C00, s19;
	s23 =	sadd.s32 $0xA00, s9  }
0x34e: {  	s24 =	sand.u32 $0x70, s19;
	s9 =	sadd.s32 s26, s23  }
0x34f: {  	s25 =	simm.s32 $0x10;
	s26 =	simm.s32 $0x0;
	s24 =	sadd.s32 s24, s9  }
.LBB2_60:
0x350: {  	p1 =	sne.s32 s25, $0x3F0  }
0x351: {  	[tilespmem:s24+$0x0] =	vst v5;
	s26 =	sadd.s32 $0x80, s26;
	s9 =	smov.u32 s25;
	s25 =	sadd.s32 $0x10, s25  }
.Ltmp37:
0x352: {  	(pc) =	sbr.rel @p1 .LBB2_60-.Ltmp37, $4  }
0x353: {  	_ = 	snop  }
0x354: {  	s24 =	sand.u32 $0x1C00, s26  }
0x355: {  	s9 =	sand.u32 $0x70, s9;
	s24 =	sadd.s32 s24, s23  }
0x356: {  	s24 =	sadd.s32 s9, s24  }
0x357: {  	s22 =	sadd.s32 $0x1, s22  }
0x358: {  	p1 =	sne.s32 s22, s18  }
.Ltmp38:
0x359: {  	_ = 	snop;
	(pc) =	sbr.rel @p1 .LBB2_59-.Ltmp38, $2  }
0x35a: {  	_ =	sdelay $0x2  }
0x35b: {  	[tilespmem:s24+$0x0] =	vst v5  }
.LBB2_62:
0x35c: {  	s9 =	rddreg [dreg:$0xf]  }
0x35d: {  	[hbm4b:s9+s3] =	stream.linear.scatter [tilespmem:s29], [sflag:$0x3], $0x8000, $0x38;
	[tilespmem:$0x10A00] =	vst v63  }
0x35e: {  	_ =	swait.ge [sflag:s15], $0x8000  }
0x35f: {  	[sflag:s15] =	ssyncset.done $0x0  }
0x360: {  	[sflag:s15] =	ssyncadd.s32 $0xFFFF8000  }
0x361: {  	v6 =	vld [tilespmem:$0x960];
	_ =	sdelay $0x4  }
0x362: {  	v7 =	vshll.u32 v6, $0x3  }
0x363: {  	v6 =	vand.u32 $0x7, v6;
	v7 =	vand.u32 $0xFFFFFFC0, v7  }
0x364: {  	v6 =	vor.u32 v6, v7  }
0x365: {  	v7 =	vperm.xlane v6, v2;
	_ =	sdelay $0x1  }
0x366: {  	v7 =	vadd.s32 v3, v7;
	_ =	sdelay $0x4  }
0x367: {  	[tilespmem:s21], [sflag:$0x2] =	stream.indirect_vreg.gather [hbm4b:s1+s3], $0x80, v7, vm0, $0xb8;
	[tilespmem:$0x10A00] =	vst v63  }
0x368: {  	s19 =	simm.s32 $0x9200;
	v6 =	vperm.xlane v6, v4  }
0x369: {  	[tilespmem:s19], [sflag:$0x2] =	stream.indirect_vreg.gather [hbm4b:s6+s3], $0x80, v7, vm0, $0xb8;
	[tilespmem:$0x10A00] =	vst v63  }
0x36a: {  	s22 =	simm.s32 $0x9A00;
	v6 =	vadd.s32 v3, v6  }
0x36b: {  	[tilespmem:s22], [sflag:$0x2] =	stream.indirect_vreg.gather [hbm4b:s7+s3], $0x80, v7, vm0, $0xb8;
	[tilespmem:$0x10A00] =	vst v63  }
0x36c: {  	s23 =	simm.s32 $0xA200  }
0x36d: {  	[tilespmem:s23], [sflag:$0x2] =	stream.indirect_vreg.gather [hbm4b:s8+s3], $0x80, v7, vm0, $0xb8;
	[tilespmem:$0x10A00] =	vst v63  }
0x36e: {  	s24 =	simm.s32 $0xAA00  }
0x36f: {  	[tilespmem:s24], [sflag:$0x2] =	stream.indirect_vreg.gather [hbm4b:s1+s3], $0x80, v6, vm0, $0xb8;
	[tilespmem:$0x10A00] =	vst v63  }
0x370: {  	s25 =	simm.s32 $0xB200  }
0x371: {  	[tilespmem:s25], [sflag:$0x2] =	stream.indirect_vreg.gather [hbm4b:s6+s3], $0x80, v6, vm0, $0xb8;
	[tilespmem:$0x10A00] =	vst v63  }
0x372: {  	s26 =	simm.s32 $0xBA00  }
0x373: {  	[tilespmem:s26], [sflag:$0x2] =	stream.indirect_vreg.gather [hbm4b:s7+s3], $0x80, v6, vm0, $0xb8;
	[tilespmem:$0x10A00] =	vst v63  }
0x374: {  	_ = 	snop  }
0x375: {  	[tilespmem:s28], [sflag:$0x2] =	stream.indirect_vreg.gather [hbm4b:s8+s3], $0x80, v6, vm0, $0xb8;
	[tilespmem:$0x10A00] =	vst v63  }
0x376: {  	v6 =	vld [tilespmem:$0x970];
	_ =	sdelay $0x4  }
0x377: {  	v7 =	vshll.u32 v6, $0x3  }
0x378: {  	v6 =	vand.u32 $0x7, v6;
	v7 =	vand.u32 $0xFFFFFFC0, v7  }
0x379: {  	v6 =	vor.u32 v6, v7  }
0x37a: {  	v7 =	vperm.xlane v6, v2;
	_ =	sdelay $0x1  }
0x37b: {  	v7 =	vadd.s32 v3, v7;
	_ =	sdelay $0x4  }
0x37c: {  	[tilespmem:s30], [sflag:$0x2] =	stream.indirect_vreg.gather [hbm4b:s1+s3], $0x80, v7, vm0, $0xb8;
	[tilespmem:$0x10A00] =	vst v63  }
0x37d: {  	v6 =	vperm.xlane v6, v4  }
0x37e: {  	[tilespmem:s31], [sflag:$0x2] =	stream.indirect_vreg.gather [hbm4b:s6+s3], $0x80, v7, vm0, $0xb8;
	[tilespmem:$0x10A00] =	vst v63  }
0x37f: {  	v6 =	vadd.s32 v3, v6  }
0x380: {  	[tilespmem:s0], [sflag:$0x2] =	stream.indirect_vreg.gather [hbm4b:s7+s3], $0x80, v7, vm0, $0xb8;
	[tilespmem:$0x10A00] =	vst v63  }
0x381: {  	_ = 	snop  }
0x382: {  	[tilespmem:s2], [sflag:$0x2] =	stream.indirect_vreg.gather [hbm4b:s8+s3], $0x80, v7, vm0, $0xb8;
	[tilespmem:$0x10A00] =	vst v63  }
0x383: {  	_ = 	snop  }
0x384: {  	[tilespmem:s5], [sflag:$0x2] =	stream.indirect_vreg.gather [hbm4b:s1+s3], $0x80, v6, vm0, $0xb8;
	[tilespmem:$0x10A00] =	vst v63  }
0x385: {  	s18 =	sadd.s32 $0xFFFFFEA0, s17  }
0x386: {  	[tilespmem:s10], [sflag:$0x2] =	stream.indirect_vreg.gather [hbm4b:s6+s3], $0x80, v6, vm0, $0xb8;
	[tilespmem:$0x10A00] =	vst v63  }
0x387: {  	p1 =	slt.s32 s18, $0x1  }
0x388: {  	[tilespmem:s11], [sflag:$0x2] =	stream.indirect_vreg.gather [hbm4b:s7+s3], $0x80, v6, vm0, $0xb8;
	[tilespmem:$0x10A00] =	vst v63  }
.Ltmp39:
0x389: {  	_ = 	snop;
	(pc) =	sbr.rel @p1 .LBB2_67-.Ltmp39, $4  }
0x38a: {  	[tilespmem:s12], [sflag:$0x2] =	stream.indirect_vreg.gather [hbm4b:s8+s3], $0x80, v6, vm0, $0xb8;
	[tilespmem:$0x10A00] =	vst v63  }
0x38b: {  	_ =	swait.ge [sflag:s13], $0x8000  }
0x38c: {  	[sflag:s13] =	ssyncset.done $0x0  }
0x38d: {  	[sflag:s13] =	ssyncadd.s32 $0xFFFF8000  }
0x38e: {  	s18 =	smin.u32 s18, $0x20;
	s19 =	simm.s32 $0x0;
	s22 =	simm.s32 $0x0  }
.LBB2_64:
0x38f: {  	s9 =	sshll.u32 s22, $0xA;
	s23 =	sshll.u32 s22, $0x7  }
0x390: {  	s9 =	sand.u32 $0xFFFFE000, s9;
	s23 =	sand.u32 $0x380, s23  }
0x391: {  	s9 =	sor.u32 s23, s9  }
0x392: {  	s26 =	sand.u32 $0x1C00, s19;
	s23 =	sadd.s32 $0x8A00, s9  }
0x393: {  	s24 =	sand.u32 $0x70, s19;
	s9 =	sadd.s32 s26, s23  }
0x394: {  	s25 =	simm.s32 $0x10;
	s26 =	simm.s32 $0x0;
	s24 =	sadd.s32 s24, s9  }
.LBB2_65:
0x395: {  	p1 =	sne.s32 s25, $0x3F0  }
0x396: {  	[tilespmem:s24+$0x0] =	vst v5;
	s26 =	sadd.s32 $0x80, s26;
	s9 =	smov.u32 s25;
	s25 =	sadd.s32 $0x10, s25  }
.Ltmp40:
0x397: {  	(pc) =	sbr.rel @p1 .LBB2_65-.Ltmp40, $4  }
0x398: {  	_ = 	snop  }
0x399: {  	s24 =	sand.u32 $0x1C00, s26  }
0x39a: {  	s9 =	sand.u32 $0x70, s9;
	s24 =	sadd.s32 s24, s23  }
0x39b: {  	s24 =	sadd.s32 s9, s24  }
0x39c: {  	s22 =	sadd.s32 $0x1, s22  }
0x39d: {  	p1 =	sne.s32 s22, s18  }
.Ltmp41:
0x39e: {  	_ = 	snop;
	(pc) =	sbr.rel @p1 .LBB2_64-.Ltmp41, $2  }
0x39f: {  	_ =	sdelay $0x2  }
0x3a0: {  	[tilespmem:s24+$0x0] =	vst v5  }
.LBB2_67:
0x3a1: {  	s9 =	rddreg [dreg:$0x10]  }
0x3a2: {  	[hbm4b:s9+s3] =	stream.linear.scatter [tilespmem:s21], [sflag:$0x4], $0x8000, $0x38;
	[tilespmem:$0x10A00] =	vst v63  }
0x3a3: {  	_ =	swait.ge [sflag:s14], $0x8000  }
0x3a4: {  	[sflag:s14] =	ssyncset.done $0x0  }
0x3a5: {  	[sflag:s14] =	ssyncadd.s32 $0xFFFF8000  }
0x3a6: {  	v6 =	vld [tilespmem:$0x980];
	_ =	sdelay $0x4  }
0x3a7: {  	v7 =	vshll.u32 v6, $0x3  }
0x3a8: {  	v6 =	vand.u32 $0x7, v6;
	v7 =	vand.u32 $0xFFFFFFC0, v7  }
0x3a9: {  	v6 =	vor.u32 v6, v7  }
0x3aa: {  	v7 =	vperm.xlane v6, v2;
	_ =	sdelay $0x1  }
0x3ab: {  	v7 =	vadd.s32 v3, v7;
	_ =	sdelay $0x4  }
0x3ac: {  	[tilespmem:s29], [sflag:$0x1] =	stream.indirect_vreg.gather [hbm4b:s1+s3], $0x80, v7, vm0, $0xb8;
	[tilespmem:$0x10A00] =	vst v63  }
0x3ad: {  	s26 =	simm.s32 $0x1200;
	v6 =	vperm.xlane v6, v4  }
0x3ae: {  	[tilespmem:s26], [sflag:$0x1] =	stream.indirect_vreg.gather [hbm4b:s6+s3], $0x80, v7, vm0, $0xb8;
	[tilespmem:$0x10A00] =	vst v63  }
0x3af: {  	s18 =	simm.s32 $0x1A00;
	v6 =	vadd.s32 v3, v6  }
0x3b0: {  	[tilespmem:s18], [sflag:$0x1] =	stream.indirect_vreg.gather [hbm4b:s7+s3], $0x80, v7, vm0, $0xb8;
	[tilespmem:$0x10A00] =	vst v63  }
0x3b1: {  	s19 =	simm.s32 $0x2200  }
0x3b2: {  	[tilespmem:s19], [sflag:$0x1] =	stream.indirect_vreg.gather [hbm4b:s8+s3], $0x80, v7, vm0, $0xb8;
	[tilespmem:$0x10A00] =	vst v63  }
0x3b3: {  	s22 =	simm.s32 $0x2A00  }
0x3b4: {  	[tilespmem:s22], [sflag:$0x1] =	stream.indirect_vreg.gather [hbm4b:s1+s3], $0x80, v6, vm0, $0xb8;
	[tilespmem:$0x10A00] =	vst v63  }
0x3b5: {  	s23 =	simm.s32 $0x3200  }
0x3b6: {  	[tilespmem:s23], [sflag:$0x1] =	stream.indirect_vreg.gather [hbm4b:s6+s3], $0x80, v6, vm0, $0xb8;
	[tilespmem:$0x10A00] =	vst v63  }
0x3b7: {  	s24 =	simm.s32 $0x3A00  }
0x3b8: {  	[tilespmem:s24], [sflag:$0x1] =	stream.indirect_vreg.gather [hbm4b:s7+s3], $0x80, v6, vm0, $0xb8;
	[tilespmem:$0x10A00] =	vst v63  }
0x3b9: {  	s25 =	simm.s32 $0x4200  }
0x3ba: {  	[tilespmem:s25], [sflag:$0x1] =	stream.indirect_vreg.gather [hbm4b:s8+s3], $0x80, v6, vm0, $0xb8;
	[tilespmem:$0x10A00] =	vst v63  }
0x3bb: {  	v6 =	vld [tilespmem:$0x990];
	_ =	sdelay $0x4  }
0x3bc: {  	v7 =	vshll.u32 v6, $0x3  }
0x3bd: {  	v6 =	vand.u32 $0x7, v6;
	v7 =	vand.u32 $0xFFFFFFC0, v7  }
0x3be: {  	v6 =	vor.u32 v6, v7  }
0x3bf: {  	v7 =	vperm.xlane v6, v2;
	_ =	sdelay $0x1  }
0x3c0: {  	v7 =	vadd.s32 v3, v7;
	_ =	sdelay $0x3  }
0x3c1: {  	s26 =	simm.s32 $0x4A00  }
0x3c2: {  	[tilespmem:s26], [sflag:$0x1] =	stream.indirect_vreg.gather [hbm4b:s1+s3], $0x80, v7, vm0, $0xb8;
	[tilespmem:$0x10A00] =	vst v63  }
0x3c3: {  	s18 =	simm.s32 $0x5200;
	v6 =	vperm.xlane v6, v4  }
0x3c4: {  	[tilespmem:s18], [sflag:$0x1] =	stream.indirect_vreg.gather [hbm4b:s6+s3], $0x80, v7, vm0, $0xb8;
	[tilespmem:$0x10A00] =	vst v63  }
0x3c5: {  	s19 =	simm.s32 $0x5A00;
	v6 =	vadd.s32 v3, v6  }
0x3c6: {  	[tilespmem:s19], [sflag:$0x1] =	stream.indirect_vreg.gather [hbm4b:s7+s3], $0x80, v7, vm0, $0xb8;
	[tilespmem:$0x10A00] =	vst v63  }
0x3c7: {  	s22 =	simm.s32 $0x6200  }
0x3c8: {  	[tilespmem:s22], [sflag:$0x1] =	stream.indirect_vreg.gather [hbm4b:s8+s3], $0x80, v7, vm0, $0xb8;
	[tilespmem:$0x10A00] =	vst v63  }
0x3c9: {  	s23 =	simm.s32 $0x6A00  }
0x3ca: {  	[tilespmem:s23], [sflag:$0x1] =	stream.indirect_vreg.gather [hbm4b:s1+s3], $0x80, v6, vm0, $0xb8;
	[tilespmem:$0x10A00] =	vst v63  }
0x3cb: {  	s24 =	simm.s32 $0x7200;
	s18 =	sadd.s32 $0xFFFFFE80, s17  }
0x3cc: {  	[tilespmem:s24], [sflag:$0x1] =	stream.indirect_vreg.gather [hbm4b:s6+s3], $0x80, v6, vm0, $0xb8;
	[tilespmem:$0x10A00] =	vst v63  }
0x3cd: {  	s25 =	simm.s32 $0x7A00;
	p1 =	slt.s32 s18, $0x1  }
0x3ce: {  	[tilespmem:s25], [sflag:$0x1] =	stream.indirect_vreg.gather [hbm4b:s7+s3], $0x80, v6, vm0, $0xb8;
	[tilespmem:$0x10A00] =	vst v63  }
.Ltmp42:
0x3cf: {  	s26 =	simm.s32 $0x8200;
	(pc) =	sbr.rel @p1 .LBB2_72-.Ltmp42, $4  }
0x3d0: {  	[tilespmem:s26], [sflag:$0x1] =	stream.indirect_vreg.gather [hbm4b:s8+s3], $0x80, v6, vm0, $0xb8;
	[tilespmem:$0x10A00] =	vst v63  }
0x3d1: {  	_ =	swait.ge [sflag:s20], $0x8000  }
0x3d2: {  	[sflag:s20] =	ssyncset.done $0x0  }
0x3d3: {  	[sflag:s20] =	ssyncadd.s32 $0xFFFF8000  }
0x3d4: {  	s18 =	smin.u32 s18, $0x20;
	s19 =	simm.s32 $0x0;
	s22 =	simm.s32 $0x0  }
.LBB2_69:
0x3d5: {  	s9 =	sshll.u32 s22, $0xA;
	s23 =	sshll.u32 s22, $0x7  }
0x3d6: {  	s9 =	sand.u32 $0xFFFFE000, s9;
	s23 =	sand.u32 $0x380, s23  }
0x3d7: {  	s9 =	sor.u32 s23, s9  }
0x3d8: {  	s26 =	sand.u32 $0x1C00, s19;
	s23 =	sadd.s32 $0xA00, s9  }
0x3d9: {  	s24 =	sand.u32 $0x70, s19;
	s9 =	sadd.s32 s26, s23  }
0x3da: {  	s25 =	simm.s32 $0x10;
	s26 =	simm.s32 $0x0;
	s24 =	sadd.s32 s24, s9  }
.LBB2_70:
0x3db: {  	p1 =	sne.s32 s25, $0x3F0  }
0x3dc: {  	[tilespmem:s24+$0x0] =	vst v5;
	s26 =	sadd.s32 $0x80, s26;
	s9 =	smov.u32 s25;
	s25 =	sadd.s32 $0x10, s25  }
.Ltmp43:
0x3dd: {  	(pc) =	sbr.rel @p1 .LBB2_70-.Ltmp43, $4  }
0x3de: {  	_ = 	snop  }
0x3df: {  	s24 =	sand.u32 $0x1C00, s26  }
0x3e0: {  	s9 =	sand.u32 $0x70, s9;
	s24 =	sadd.s32 s24, s23  }
0x3e1: {  	s24 =	sadd.s32 s9, s24  }
0x3e2: {  	s22 =	sadd.s32 $0x1, s22  }
0x3e3: {  	p1 =	sne.s32 s22, s18  }
.Ltmp44:
0x3e4: {  	_ = 	snop;
	(pc) =	sbr.rel @p1 .LBB2_69-.Ltmp44, $2  }
0x3e5: {  	_ =	sdelay $0x2  }
0x3e6: {  	[tilespmem:s24+$0x0] =	vst v5  }
.LBB2_72:
0x3e7: {  	s9 =	rddreg [dreg:$0x11]  }
0x3e8: {  	[hbm4b:s9+s3] =	stream.linear.scatter [tilespmem:s29], [sflag:$0x3], $0x8000, $0x38;
	[tilespmem:$0x10A00] =	vst v63  }
0x3e9: {  	_ =	swait.ge [sflag:s15], $0x8000  }
0x3ea: {  	[sflag:s15] =	ssyncset.done $0x0  }
0x3eb: {  	[sflag:s15] =	ssyncadd.s32 $0xFFFF8000  }
0x3ec: {  	v6 =	vld [tilespmem:$0x9A0];
	_ =	sdelay $0x4  }
0x3ed: {  	v7 =	vshll.u32 v6, $0x3  }
0x3ee: {  	v6 =	vand.u32 $0x7, v6;
	v7 =	vand.u32 $0xFFFFFFC0, v7  }
0x3ef: {  	v6 =	vor.u32 v6, v7  }
0x3f0: {  	v7 =	vperm.xlane v6, v2;
	_ =	sdelay $0x1  }
0x3f1: {  	v7 =	vadd.s32 v3, v7;
	_ =	sdelay $0x4  }
0x3f2: {  	[tilespmem:s21], [sflag:$0x2] =	stream.indirect_vreg.gather [hbm4b:s1+s3], $0x80, v7, vm0, $0xb8;
	[tilespmem:$0x10A00] =	vst v63  }
0x3f3: {  	s19 =	simm.s32 $0x9200;
	v6 =	vperm.xlane v6, v4  }
0x3f4: {  	[tilespmem:s19], [sflag:$0x2] =	stream.indirect_vreg.gather [hbm4b:s6+s3], $0x80, v7, vm0, $0xb8;
	[tilespmem:$0x10A00] =	vst v63  }
0x3f5: {  	s22 =	simm.s32 $0x9A00;
	v6 =	vadd.s32 v3, v6  }
0x3f6: {  	[tilespmem:s22], [sflag:$0x2] =	stream.indirect_vreg.gather [hbm4b:s7+s3], $0x80, v7, vm0, $0xb8;
	[tilespmem:$0x10A00] =	vst v63  }
0x3f7: {  	s23 =	simm.s32 $0xA200  }
0x3f8: {  	[tilespmem:s23], [sflag:$0x2] =	stream.indirect_vreg.gather [hbm4b:s8+s3], $0x80, v7, vm0, $0xb8;
	[tilespmem:$0x10A00] =	vst v63  }
0x3f9: {  	s24 =	simm.s32 $0xAA00  }
0x3fa: {  	[tilespmem:s24], [sflag:$0x2] =	stream.indirect_vreg.gather [hbm4b:s1+s3], $0x80, v6, vm0, $0xb8;
	[tilespmem:$0x10A00] =	vst v63  }
0x3fb: {  	s25 =	simm.s32 $0xB200  }
0x3fc: {  	[tilespmem:s25], [sflag:$0x2] =	stream.indirect_vreg.gather [hbm4b:s6+s3], $0x80, v6, vm0, $0xb8;
	[tilespmem:$0x10A00] =	vst v63  }
0x3fd: {  	s26 =	simm.s32 $0xBA00  }
0x3fe: {  	[tilespmem:s26], [sflag:$0x2] =	stream.indirect_vreg.gather [hbm4b:s7+s3], $0x80, v6, vm0, $0xb8;
	[tilespmem:$0x10A00] =	vst v63  }
0x3ff: {  	_ = 	snop  }
0x400: {  	[tilespmem:s28], [sflag:$0x2] =	stream.indirect_vreg.gather [hbm4b:s8+s3], $0x80, v6, vm0, $0xb8;
	[tilespmem:$0x10A00] =	vst v63  }
0x401: {  	v6 =	vld [tilespmem:$0x9B0];
	_ =	sdelay $0x4  }
0x402: {  	v7 =	vshll.u32 v6, $0x3  }
0x403: {  	v6 =	vand.u32 $0x7, v6;
	v7 =	vand.u32 $0xFFFFFFC0, v7  }
0x404: {  	v6 =	vor.u32 v6, v7  }
0x405: {  	v7 =	vperm.xlane v6, v2;
	_ =	sdelay $0x1  }
0x406: {  	v7 =	vadd.s32 v3, v7;
	_ =	sdelay $0x4  }
0x407: {  	[tilespmem:s30], [sflag:$0x2] =	stream.indirect_vreg.gather [hbm4b:s1+s3], $0x80, v7, vm0, $0xb8;
	[tilespmem:$0x10A00] =	vst v63  }
0x408: {  	v6 =	vperm.xlane v6, v4  }
0x409: {  	[tilespmem:s31], [sflag:$0x2] =	stream.indirect_vreg.gather [hbm4b:s6+s3], $0x80, v7, vm0, $0xb8;
	[tilespmem:$0x10A00] =	vst v63  }
0x40a: {  	v6 =	vadd.s32 v3, v6  }
0x40b: {  	[tilespmem:s0], [sflag:$0x2] =	stream.indirect_vreg.gather [hbm4b:s7+s3], $0x80, v7, vm0, $0xb8;
	[tilespmem:$0x10A00] =	vst v63  }
0x40c: {  	_ = 	snop  }
0x40d: {  	[tilespmem:s2], [sflag:$0x2] =	stream.indirect_vreg.gather [hbm4b:s8+s3], $0x80, v7, vm0, $0xb8;
	[tilespmem:$0x10A00] =	vst v63  }
0x40e: {  	_ = 	snop  }
0x40f: {  	[tilespmem:s5], [sflag:$0x2] =	stream.indirect_vreg.gather [hbm4b:s1+s3], $0x80, v6, vm0, $0xb8;
	[tilespmem:$0x10A00] =	vst v63  }
0x410: {  	s18 =	sadd.s32 $0xFFFFFE60, s17  }
0x411: {  	[tilespmem:s10], [sflag:$0x2] =	stream.indirect_vreg.gather [hbm4b:s6+s3], $0x80, v6, vm0, $0xb8;
	[tilespmem:$0x10A00] =	vst v63  }
0x412: {  	p1 =	slt.s32 s18, $0x1  }
0x413: {  	[tilespmem:s11], [sflag:$0x2] =	stream.indirect_vreg.gather [hbm4b:s7+s3], $0x80, v6, vm0, $0xb8;
	[tilespmem:$0x10A00] =	vst v63  }
.Ltmp45:
0x414: {  	_ = 	snop;
	(pc) =	sbr.rel @p1 .LBB2_77-.Ltmp45, $4  }
0x415: {  	[tilespmem:s12], [sflag:$0x2] =	stream.indirect_vreg.gather [hbm4b:s8+s3], $0x80, v6, vm0, $0xb8;
	[tilespmem:$0x10A00] =	vst v63  }
0x416: {  	_ =	swait.ge [sflag:s13], $0x8000  }
0x417: {  	[sflag:s13] =	ssyncset.done $0x0  }
0x418: {  	[sflag:s13] =	ssyncadd.s32 $0xFFFF8000  }
0x419: {  	s18 =	smin.u32 s18, $0x20;
	s19 =	simm.s32 $0x0;
	s22 =	simm.s32 $0x0  }
.LBB2_74:
0x41a: {  	s9 =	sshll.u32 s22, $0xA;
	s23 =	sshll.u32 s22, $0x7  }
0x41b: {  	s9 =	sand.u32 $0xFFFFE000, s9;
	s23 =	sand.u32 $0x380, s23  }
0x41c: {  	s9 =	sor.u32 s23, s9  }
0x41d: {  	s26 =	sand.u32 $0x1C00, s19;
	s23 =	sadd.s32 $0x8A00, s9  }
0x41e: {  	s24 =	sand.u32 $0x70, s19;
	s9 =	sadd.s32 s26, s23  }
0x41f: {  	s25 =	simm.s32 $0x10;
	s26 =	simm.s32 $0x0;
	s24 =	sadd.s32 s24, s9  }
.LBB2_75:
0x420: {  	p1 =	sne.s32 s25, $0x3F0  }
0x421: {  	[tilespmem:s24+$0x0] =	vst v5;
	s26 =	sadd.s32 $0x80, s26;
	s9 =	smov.u32 s25;
	s25 =	sadd.s32 $0x10, s25  }
.Ltmp46:
0x422: {  	(pc) =	sbr.rel @p1 .LBB2_75-.Ltmp46, $4  }
0x423: {  	_ = 	snop  }
0x424: {  	s24 =	sand.u32 $0x1C00, s26  }
0x425: {  	s9 =	sand.u32 $0x70, s9;
	s24 =	sadd.s32 s24, s23  }
0x426: {  	s24 =	sadd.s32 s9, s24  }
0x427: {  	s22 =	sadd.s32 $0x1, s22  }
0x428: {  	p1 =	sne.s32 s22, s18  }
.Ltmp47:
0x429: {  	_ = 	snop;
	(pc) =	sbr.rel @p1 .LBB2_74-.Ltmp47, $2  }
0x42a: {  	_ =	sdelay $0x2  }
0x42b: {  	[tilespmem:s24+$0x0] =	vst v5  }
.LBB2_77:
0x42c: {  	s9 =	rddreg [dreg:$0x12]  }
0x42d: {  	[hbm4b:s9+s3] =	stream.linear.scatter [tilespmem:s21], [sflag:$0x4], $0x8000, $0x38;
	[tilespmem:$0x10A00] =	vst v63  }
0x42e: {  	_ =	swait.ge [sflag:s14], $0x8000  }
0x42f: {  	[sflag:s14] =	ssyncset.done $0x0  }
0x430: {  	[sflag:s14] =	ssyncadd.s32 $0xFFFF8000  }
0x431: {  	v6 =	vld [tilespmem:$0x9C0];
	_ =	sdelay $0x4  }
0x432: {  	v7 =	vshll.u32 v6, $0x3  }
0x433: {  	v6 =	vand.u32 $0x7, v6;
	v7 =	vand.u32 $0xFFFFFFC0, v7  }
0x434: {  	v6 =	vor.u32 v6, v7  }
0x435: {  	v7 =	vperm.xlane v6, v2;
	_ =	sdelay $0x1  }
0x436: {  	v7 =	vadd.s32 v3, v7;
	_ =	sdelay $0x4  }
0x437: {  	[tilespmem:s29], [sflag:$0x1] =	stream.indirect_vreg.gather [hbm4b:s1+s3], $0x80, v7, vm0, $0xb8;
	[tilespmem:$0x10A00] =	vst v63  }
0x438: {  	s26 =	simm.s32 $0x1200;
	v6 =	vperm.xlane v6, v4  }
0x439: {  	[tilespmem:s26], [sflag:$0x1] =	stream.indirect_vreg.gather [hbm4b:s6+s3], $0x80, v7, vm0, $0xb8;
	[tilespmem:$0x10A00] =	vst v63  }
0x43a: {  	s18 =	simm.s32 $0x1A00;
	v6 =	vadd.s32 v3, v6  }
0x43b: {  	[tilespmem:s18], [sflag:$0x1] =	stream.indirect_vreg.gather [hbm4b:s7+s3], $0x80, v7, vm0, $0xb8;
	[tilespmem:$0x10A00] =	vst v63  }
0x43c: {  	s19 =	simm.s32 $0x2200  }
0x43d: {  	[tilespmem:s19], [sflag:$0x1] =	stream.indirect_vreg.gather [hbm4b:s8+s3], $0x80, v7, vm0, $0xb8;
	[tilespmem:$0x10A00] =	vst v63  }
0x43e: {  	s22 =	simm.s32 $0x2A00  }
0x43f: {  	[tilespmem:s22], [sflag:$0x1] =	stream.indirect_vreg.gather [hbm4b:s1+s3], $0x80, v6, vm0, $0xb8;
	[tilespmem:$0x10A00] =	vst v63  }
0x440: {  	s23 =	simm.s32 $0x3200  }
0x441: {  	[tilespmem:s23], [sflag:$0x1] =	stream.indirect_vreg.gather [hbm4b:s6+s3], $0x80, v6, vm0, $0xb8;
	[tilespmem:$0x10A00] =	vst v63  }
0x442: {  	s24 =	simm.s32 $0x3A00  }
0x443: {  	[tilespmem:s24], [sflag:$0x1] =	stream.indirect_vreg.gather [hbm4b:s7+s3], $0x80, v6, vm0, $0xb8;
	[tilespmem:$0x10A00] =	vst v63  }
0x444: {  	s25 =	simm.s32 $0x4200  }
0x445: {  	[tilespmem:s25], [sflag:$0x1] =	stream.indirect_vreg.gather [hbm4b:s8+s3], $0x80, v6, vm0, $0xb8;
	[tilespmem:$0x10A00] =	vst v63  }
0x446: {  	v6 =	vld [tilespmem:$0x9D0];
	_ =	sdelay $0x4  }
0x447: {  	v7 =	vshll.u32 v6, $0x3  }
0x448: {  	v6 =	vand.u32 $0x7, v6;
	v7 =	vand.u32 $0xFFFFFFC0, v7  }
0x449: {  	v6 =	vor.u32 v6, v7  }
0x44a: {  	v7 =	vperm.xlane v6, v2;
	_ =	sdelay $0x1  }
0x44b: {  	v7 =	vadd.s32 v3, v7;
	_ =	sdelay $0x3  }
0x44c: {  	s26 =	simm.s32 $0x4A00  }
0x44d: {  	[tilespmem:s26], [sflag:$0x1] =	stream.indirect_vreg.gather [hbm4b:s1+s3], $0x80, v7, vm0, $0xb8;
	[tilespmem:$0x10A00] =	vst v63  }
0x44e: {  	s18 =	simm.s32 $0x5200;
	v6 =	vperm.xlane v6, v4  }
0x44f: {  	[tilespmem:s18], [sflag:$0x1] =	stream.indirect_vreg.gather [hbm4b:s6+s3], $0x80, v7, vm0, $0xb8;
	[tilespmem:$0x10A00] =	vst v63  }
0x450: {  	s19 =	simm.s32 $0x5A00;
	v6 =	vadd.s32 v3, v6  }
0x451: {  	[tilespmem:s19], [sflag:$0x1] =	stream.indirect_vreg.gather [hbm4b:s7+s3], $0x80, v7, vm0, $0xb8;
	[tilespmem:$0x10A00] =	vst v63  }
0x452: {  	s22 =	simm.s32 $0x6200  }
0x453: {  	[tilespmem:s22], [sflag:$0x1] =	stream.indirect_vreg.gather [hbm4b:s8+s3], $0x80, v7, vm0, $0xb8;
	[tilespmem:$0x10A00] =	vst v63  }
0x454: {  	s23 =	simm.s32 $0x6A00  }
0x455: {  	[tilespmem:s23], [sflag:$0x1] =	stream.indirect_vreg.gather [hbm4b:s1+s3], $0x80, v6, vm0, $0xb8;
	[tilespmem:$0x10A00] =	vst v63  }
0x456: {  	s24 =	simm.s32 $0x7200;
	s18 =	sadd.s32 $0xFFFFFE40, s17  }
0x457: {  	[tilespmem:s24], [sflag:$0x1] =	stream.indirect_vreg.gather [hbm4b:s6+s3], $0x80, v6, vm0, $0xb8;
	[tilespmem:$0x10A00] =	vst v63  }
0x458: {  	s25 =	simm.s32 $0x7A00;
	p1 =	slt.s32 s18, $0x1  }
0x459: {  	[tilespmem:s25], [sflag:$0x1] =	stream.indirect_vreg.gather [hbm4b:s7+s3], $0x80, v6, vm0, $0xb8;
	[tilespmem:$0x10A00] =	vst v63  }
.Ltmp48:
0x45a: {  	s26 =	simm.s32 $0x8200;
	(pc) =	sbr.rel @p1 .LBB2_82-.Ltmp48, $4  }
0x45b: {  	[tilespmem:s26], [sflag:$0x1] =	stream.indirect_vreg.gather [hbm4b:s8+s3], $0x80, v6, vm0, $0xb8;
	[tilespmem:$0x10A00] =	vst v63  }
0x45c: {  	_ =	swait.ge [sflag:s20], $0x8000  }
0x45d: {  	[sflag:s20] =	ssyncset.done $0x0  }
0x45e: {  	[sflag:s20] =	ssyncadd.s32 $0xFFFF8000  }
0x45f: {  	s18 =	smin.u32 s18, $0x20;
	s19 =	simm.s32 $0x0;
	s22 =	simm.s32 $0x0  }
.LBB2_79:
0x460: {  	s9 =	sshll.u32 s22, $0xA;
	s23 =	sshll.u32 s22, $0x7  }
0x461: {  	s9 =	sand.u32 $0xFFFFE000, s9;
	s23 =	sand.u32 $0x380, s23  }
0x462: {  	s9 =	sor.u32 s23, s9  }
0x463: {  	s26 =	sand.u32 $0x1C00, s19;
	s23 =	sadd.s32 $0xA00, s9  }
0x464: {  	s24 =	sand.u32 $0x70, s19;
	s9 =	sadd.s32 s26, s23  }
0x465: {  	s25 =	simm.s32 $0x10;
	s26 =	simm.s32 $0x0;
	s24 =	sadd.s32 s24, s9  }
.LBB2_80:
0x466: {  	p1 =	sne.s32 s25, $0x3F0  }
0x467: {  	[tilespmem:s24+$0x0] =	vst v5;
	s26 =	sadd.s32 $0x80, s26;
	s9 =	smov.u32 s25;
	s25 =	sadd.s32 $0x10, s25  }
.Ltmp49:
0x468: {  	(pc) =	sbr.rel @p1 .LBB2_80-.Ltmp49, $4  }
0x469: {  	_ = 	snop  }
0x46a: {  	s24 =	sand.u32 $0x1C00, s26  }
0x46b: {  	s9 =	sand.u32 $0x70, s9;
	s24 =	sadd.s32 s24, s23  }
0x46c: {  	s24 =	sadd.s32 s9, s24  }
0x46d: {  	s22 =	sadd.s32 $0x1, s22  }
0x46e: {  	p1 =	sne.s32 s22, s18  }
.Ltmp50:
0x46f: {  	_ = 	snop;
	(pc) =	sbr.rel @p1 .LBB2_79-.Ltmp50, $2  }
0x470: {  	_ =	sdelay $0x2  }
0x471: {  	[tilespmem:s24+$0x0] =	vst v5  }
.LBB2_82:
0x472: {  	s9 =	rddreg [dreg:$0x15]  }
0x473: {  	[hbm4b:s9+s3] =	stream.linear.scatter [tilespmem:s29], [sflag:$0x3], $0x8000, $0x38;
	[tilespmem:$0x10A00] =	vst v63  }
0x474: {  	_ =	swait.ge [sflag:s15], $0x8000  }
0x475: {  	[sflag:s15] =	ssyncset.done $0x0  }
0x476: {  	[sflag:s15] =	ssyncadd.s32 $0xFFFF8000  }
0x477: {  	v6 =	vld [tilespmem:$0x9E0];
	_ =	sdelay $0x4  }
0x478: {  	v7 =	vshll.u32 v6, $0x3  }
0x479: {  	v6 =	vand.u32 $0x7, v6;
	v7 =	vand.u32 $0xFFFFFFC0, v7  }
0x47a: {  	v6 =	vor.u32 v6, v7  }
0x47b: {  	v7 =	vperm.xlane v6, v2;
	_ =	sdelay $0x1  }
0x47c: {  	v7 =	vadd.s32 v3, v7;
	_ =	sdelay $0x4  }
0x47d: {  	[tilespmem:s21], [sflag:$0x2] =	stream.indirect_vreg.gather [hbm4b:s1+s3], $0x80, v7, vm0, $0xb8;
	[tilespmem:$0x10A00] =	vst v63  }
0x47e: {  	s19 =	simm.s32 $0x9200;
	v6 =	vperm.xlane v6, v4  }
0x47f: {  	[tilespmem:s19], [sflag:$0x2] =	stream.indirect_vreg.gather [hbm4b:s6+s3], $0x80, v7, vm0, $0xb8;
	[tilespmem:$0x10A00] =	vst v63  }
0x480: {  	s22 =	simm.s32 $0x9A00;
	v6 =	vadd.s32 v3, v6  }
0x481: {  	[tilespmem:s22], [sflag:$0x2] =	stream.indirect_vreg.gather [hbm4b:s7+s3], $0x80, v7, vm0, $0xb8;
	[tilespmem:$0x10A00] =	vst v63  }
0x482: {  	s23 =	simm.s32 $0xA200  }
0x483: {  	[tilespmem:s23], [sflag:$0x2] =	stream.indirect_vreg.gather [hbm4b:s8+s3], $0x80, v7, vm0, $0xb8;
	[tilespmem:$0x10A00] =	vst v63  }
0x484: {  	s24 =	simm.s32 $0xAA00  }
0x485: {  	[tilespmem:s24], [sflag:$0x2] =	stream.indirect_vreg.gather [hbm4b:s1+s3], $0x80, v6, vm0, $0xb8;
	[tilespmem:$0x10A00] =	vst v63  }
0x486: {  	s25 =	simm.s32 $0xB200  }
0x487: {  	[tilespmem:s25], [sflag:$0x2] =	stream.indirect_vreg.gather [hbm4b:s6+s3], $0x80, v6, vm0, $0xb8;
	[tilespmem:$0x10A00] =	vst v63  }
0x488: {  	s26 =	simm.s32 $0xBA00  }
0x489: {  	[tilespmem:s26], [sflag:$0x2] =	stream.indirect_vreg.gather [hbm4b:s7+s3], $0x80, v6, vm0, $0xb8;
	[tilespmem:$0x10A00] =	vst v63  }
0x48a: {  	_ = 	snop  }
0x48b: {  	[tilespmem:s28], [sflag:$0x2] =	stream.indirect_vreg.gather [hbm4b:s8+s3], $0x80, v6, vm0, $0xb8;
	[tilespmem:$0x10A00] =	vst v63  }
0x48c: {  	v6 =	vld [tilespmem:$0x9F0];
	_ =	sdelay $0x4  }
0x48d: {  	v7 =	vshll.u32 v6, $0x3  }
0x48e: {  	v6 =	vand.u32 $0x7, v6;
	v7 =	vand.u32 $0xFFFFFFC0, v7  }
0x48f: {  	v6 =	vor.u32 v6, v7  }
0x490: {  	v7 =	vperm.xlane v6, v2;
	_ =	sdelay $0x1  }
0x491: {  	v7 =	vadd.s32 v3, v7;
	_ =	sdelay $0x4  }
0x492: {  	[tilespmem:s30], [sflag:$0x2] =	stream.indirect_vreg.gather [hbm4b:s1+s3], $0x80, v7, vm0, $0xb8;
	[tilespmem:$0x10A00] =	vst v63  }
0x493: {  	v6 =	vperm.xlane v6, v4  }
0x494: {  	[tilespmem:s31], [sflag:$0x2] =	stream.indirect_vreg.gather [hbm4b:s6+s3], $0x80, v7, vm0, $0xb8;
	[tilespmem:$0x10A00] =	vst v63  }
0x495: {  	v6 =	vadd.s32 v3, v6  }
0x496: {  	[tilespmem:s0], [sflag:$0x2] =	stream.indirect_vreg.gather [hbm4b:s7+s3], $0x80, v7, vm0, $0xb8;
	[tilespmem:$0x10A00] =	vst v63  }
0x497: {  	_ = 	snop  }
0x498: {  	[tilespmem:s2], [sflag:$0x2] =	stream.indirect_vreg.gather [hbm4b:s8+s3], $0x80, v7, vm0, $0xb8;
	[tilespmem:$0x10A00] =	vst v63  }
0x499: {  	_ = 	snop  }
0x49a: {  	[tilespmem:s5], [sflag:$0x2] =	stream.indirect_vreg.gather [hbm4b:s1+s3], $0x80, v6, vm0, $0xb8;
	[tilespmem:$0x10A00] =	vst v63  }
0x49b: {  	s17 =	sadd.s32 $0xFFFFFE20, s17  }
0x49c: {  	[tilespmem:s10], [sflag:$0x2] =	stream.indirect_vreg.gather [hbm4b:s6+s3], $0x80, v6, vm0, $0xb8;
	[tilespmem:$0x10A00] =	vst v63  }
0x49d: {  	p1 =	slt.s32 s17, $0x1  }
0x49e: {  	[tilespmem:s11], [sflag:$0x2] =	stream.indirect_vreg.gather [hbm4b:s7+s3], $0x80, v6, vm0, $0xb8;
	[tilespmem:$0x10A00] =	vst v63  }
.Ltmp51:
0x49f: {  	_ = 	snop;
	(pc) =	sbr.rel @p1 .LBB2_87-.Ltmp51, $4  }
0x4a0: {  	[tilespmem:s12], [sflag:$0x2] =	stream.indirect_vreg.gather [hbm4b:s8+s3], $0x80, v6, vm0, $0xb8;
	[tilespmem:$0x10A00] =	vst v63  }
0x4a1: {  	_ =	swait.ge [sflag:s13], $0x8000  }
0x4a2: {  	[sflag:s13] =	ssyncset.done $0x0  }
0x4a3: {  	[sflag:s13] =	ssyncadd.s32 $0xFFFF8000  }
0x4a4: {  	s17 =	smin.u32 s17, $0x20;
	s18 =	simm.s32 $0x0;
	s19 =	simm.s32 $0x0  }
.LBB2_84:
0x4a5: {  	s9 =	sshll.u32 s19, $0xA;
	s22 =	sshll.u32 s19, $0x7  }
0x4a6: {  	s9 =	sand.u32 $0xFFFFE000, s9;
	s22 =	sand.u32 $0x380, s22  }
0x4a7: {  	s9 =	sor.u32 s22, s9  }
0x4a8: {  	s26 =	sand.u32 $0x1C00, s18;
	s22 =	sadd.s32 $0x8A00, s9  }
0x4a9: {  	s24 =	sand.u32 $0x70, s18;
	s9 =	sadd.s32 s26, s22  }
0x4aa: {  	s23 =	simm.s32 $0x10;
	s25 =	simm.s32 $0x0;
	s24 =	sadd.s32 s24, s9  }
.LBB2_85:
0x4ab: {  	p1 =	sne.s32 s23, $0x3F0  }
0x4ac: {  	[tilespmem:s24+$0x0] =	vst v5;
	s25 =	sadd.s32 $0x80, s25;
	s9 =	smov.u32 s23;
	s23 =	sadd.s32 $0x10, s23  }
.Ltmp52:
0x4ad: {  	(pc) =	sbr.rel @p1 .LBB2_85-.Ltmp52, $4  }
0x4ae: {  	_ = 	snop  }
0x4af: {  	s24 =	sand.u32 $0x1C00, s25  }
0x4b0: {  	s9 =	sand.u32 $0x70, s9;
	s24 =	sadd.s32 s24, s22  }
0x4b1: {  	s24 =	sadd.s32 s9, s24  }
0x4b2: {  	s19 =	sadd.s32 $0x1, s19  }
0x4b3: {  	p1 =	sne.s32 s19, s17  }
.Ltmp53:
0x4b4: {  	_ = 	snop;
	(pc) =	sbr.rel @p1 .LBB2_84-.Ltmp53, $4  }
.Ltmp54:
0x4b5: {  	_ = 	snop;
	(pc) =	sbr.rel @!p1 .LBB2_87-.Ltmp54, $4  }
0x4b6: {  	_ = 	snop  }
0x4b7: {  	_ = 	snop  }
0x4b8: {  	[tilespmem:s24+$0x0] =	vst v5  }
0x4b9: {  	_ = 	snop  }
.LBB2_88:
0x4ba: {  	_ =	sfence.sel $0x180000  }
0x4bb: {  	[bflag:$0x0] =	sbarrier.arrive $0xFFFF  }
0x4bc: {  	_ =	strace $0x90000047  }
0x4bd: {  	s0 =	stileid.u32;
	[bflag:$0x2] =	sbarrier.arrive $0xFFFF  }
0x4be: {  	p0 =	sne.s32 s0, $0x0;
	s0 =	rddreg [dreg:$0x3]  }
0x4bf: {  	s0 =	sadd.s32 @!p0 $0x100000, s0  }
0x4c0: {  	[sflag:s0] =	ssyncadd.tile.s32 @!p0 $0x1;
	_ =	shalt  }
.Lfunc_end2:
_tile_overlayer_lowered:
.L_overlay_start_2:
0x4c1: {  	(tag) =	ssettag $0x2  }
0x4c2: {  	s0 =	rddreg [dreg:$0x0];
	s2 =	stileid.u32  }
0x4c3: {  	s1 =	rddreg [dreg:$0x1];
	p0 =	sne.s32 s2, $0x0  }
0x4c4: {  	s3 =	rddreg [dreg:$0x2];
	[bflag:$0x3] =	sbarrier.arrive $0xFFFF;
	s2 =	simm.s32 @!p0 $0x1C05  }
0x4c5: {  	[timem:s3], [sflag:s2] =	dma.local @!p0 [hbm:s0], s1  }
0x4c6: {  	s0 =	simm.s32 @!p0 $0x5  }
0x4c7: {  	_ =	swait.ge @!p0 [sflag:s0], s1  }
0x4c8: {  	s1 =	ssub.s32 @!p0 $0x0, s1;
	[sflag:s0] =	ssyncset.done @!p0 $0x0  }
0x4c9: {  	[sflag:s0] =	ssyncadd.s32 @!p0 s1  }
0x4ca: {  	[bflag:$0x3] =	sbarrier.arrive $0xFFFF  }
0x4cb: {  	_ =	shalt  }

</sc_bundles>
